<compile_context>
chip_gen: v7x
topology: tpu7x:2x2x1
jax: 0.10.2.dev20260603
libtpu: 0.0.44.dev20260713+nightly
codegen_flags: <defaults>
</compile_context>

<pallas_src>
import functools

import jax
import jax.numpy as jnp
from jax import lax
from jax.experimental import pallas as pl
from jax.experimental.pallas import tpu as pltpu
from jax.experimental.pallas import tpu_sc as plsc

N = 10000
E = 320000
D_FEAT = 128
D_H = 64
D_LATENT = 32
DW = 16

NC, NS = 2, 16
NW = NC * NS
EPW = E // NW
CH = 80
NCH = EPW // CH

N_PAD = 10240
RPT_DEG = 2 * N_PAD // NS
RPT = N_PAD // NS

_MESH = plsc.VectorSubcoreMesh(core_axis_name="c", subcore_axis_name="s",
                               num_cores=NC, num_subcores=NS)


@functools.partial(
    pl.kernel,
    out_type=jax.ShapeDtypeStruct((NC, 2, N_PAD, DW), jnp.float32),
    mesh=_MESH,
    scratch_types=[
        pltpu.VMEM((EPW,), jnp.int32),
        pltpu.VMEM((EPW,), jnp.int32),
        pltpu.VMEM((CH, DW), jnp.float32),
        pltpu.VMEM_SHARED((N_PAD, DW), jnp.float32),
        pltpu.VMEM_SHARED((N_PAD, DW), jnp.float32),
        pltpu.SemaphoreType.DMA,
    ],
    compiler_params=pltpu.CompilerParams(use_tc_tiling_on_sc=False),
)
def _deg_kernel(src_h, dst_h, ones_h, zeros_h, out_h,
                srcv, dstv, onesv, acca, accb, sem):
    c = lax.axis_index("c")
    s = lax.axis_index("s")
    wid = s * NC + c
    pltpu.sync_copy(src_h.at[pl.ds(wid * EPW, EPW)], srcv)
    pltpu.sync_copy(dst_h.at[pl.ds(wid * EPW, EPW)], dstv)
    pltpu.sync_copy(ones_h, onesv)
    pltpu.sync_copy(zeros_h.at[pl.ds(s * RPT, RPT)], acca.at[pl.ds(s * RPT, RPT)])
    pltpu.sync_copy(zeros_h.at[pl.ds(s * RPT, RPT)], accb.at[pl.ds(s * RPT, RPT)])
    plsc.subcore_barrier()

    def body(j, carry):
        off = pl.multiple_of(j * CH, 8)
        pltpu.async_copy(onesv, acca.at[srcv.at[pl.ds(off, CH)]], sem, add=True)
        pltpu.async_copy(onesv, accb.at[dstv.at[pl.ds(off, CH)]], sem, add=True)

        @pl.when(j > 1)
        def _():
            pltpu.make_async_copy(onesv, acca.at[srcv.at[pl.ds(off, CH)]], sem).wait()
            pltpu.make_async_copy(onesv, acca.at[srcv.at[pl.ds(off, CH)]], sem).wait()

        return carry

    lax.fori_loop(0, NCH, body, 0)
    for _ in range(4):
        pltpu.make_async_copy(onesv, acca.at[srcv.at[pl.ds(0, CH)]], sem).wait()
    plsc.subcore_barrier()
    pltpu.sync_copy(acca.at[pl.ds(s * RPT, RPT)],
                    out_h.at[c, 0, pl.ds(s * RPT, RPT)])
    pltpu.sync_copy(accb.at[pl.ds(s * RPT, RPT)],
                    out_h.at[c, 1, pl.ds(s * RPT, RPT)])


@functools.partial(
    pl.kernel,
    out_type=jax.ShapeDtypeStruct((NC, N_PAD, D_H), jnp.float32),
    mesh=_MESH,
    scratch_types=[
        pltpu.VMEM((EPW,), jnp.int32),
        pltpu.VMEM((EPW,), jnp.int32),
        pltpu.VMEM((CH, D_H), jnp.float32),
        pltpu.VMEM((CH, D_H), jnp.float32),
        pltpu.VMEM((CH, D_H), jnp.float32),
        pltpu.VMEM((CH, D_H), jnp.float32),
        pltpu.VMEM_SHARED((N_PAD, D_H), jnp.float32),
        pltpu.SemaphoreType.DMA,
        pltpu.SemaphoreType.DMA,
        pltpu.SemaphoreType.DMA,
        pltpu.SemaphoreType.DMA,
        pltpu.SemaphoreType.DMA,
        pltpu.SemaphoreType.DMA,
        pltpu.SemaphoreType.DMA,
        pltpu.SemaphoreType.DMA,
    ],
    compiler_params=pltpu.CompilerParams(use_tc_tiling_on_sc=False),
)
def _agg_kernel(src_h, dst_h, table_h, zeros_h, out_h,
                srcv, dstv, r0, r1, r2, r3, acc,
                g0, g1, g2, g3, s0, s1, s2, s3):
    c = lax.axis_index("c")
    s = lax.axis_index("s")
    wid = s * NC + c
    bufs = (r0, r1, r2, r3)
    gsem = (g0, g1, g2, g3)
    ssem = (s0, s1, s2, s3)
    pltpu.sync_copy(src_h.at[pl.ds(wid * EPW, EPW)], srcv)
    pltpu.sync_copy(dst_h.at[pl.ds(wid * EPW, EPW)], dstv)
    pltpu.sync_copy(zeros_h.at[pl.ds(s * RPT, RPT)], acc.at[pl.ds(s * RPT, RPT)])
    plsc.subcore_barrier()

    def _idx(ref, j):
        return ref.at[pl.ds(pl.multiple_of(j * CH, 8), CH)]

    def G(j, b):
        pltpu.async_copy(table_h.at[_idx(srcv, j)], bufs[b], gsem[b])

    def Gw(j, b):
        pltpu.make_async_copy(table_h.at[_idx(srcv, j)], bufs[b], gsem[b]).wait()

    def S(j, b):
        pltpu.async_copy(bufs[b], acc.at[_idx(dstv, j)], ssem[b], add=True)

    def Sw(j, b):
        pltpu.make_async_copy(bufs[b], acc.at[_idx(dstv, j)], ssem[b]).wait()

    G(0, 0)
    G(1, 1)
    G(2, 2)
    Gw(0, 0)
    S(0, 0)
    G(3, 3)
    Gw(1, 1)
    S(1, 1)

    def body(i, carry):
        j0 = 2 + i * 4
        for u in range(4):
            j = j0 + u
            b = (2 + u) % 4
            bb = (b + 2) % 4
            Sw(j - 2, bb)
            G(j + 2, bb)
            Gw(j, b)
            S(j, b)
        return carry

    lax.fori_loop(0, 30, body, 0)
    Sw(120, 0)
    G(124, 0)
    Gw(122, 2)
    S(122, 2)
    Gw(123, 3)
    S(123, 3)
    Gw(124, 0)
    S(124, 0)
    Sw(121, 1)
    Sw(122, 2)
    Sw(123, 3)
    Sw(124, 0)
    plsc.subcore_barrier()
    pltpu.sync_copy(acc.at[pl.ds(s * RPT, RPT)], out_h.at[c, pl.ds(s * RPT, RPT)])


BR = 2000
GRID = N // BR


def _tc_a_body(degp_ref, x_ref, w_ref, t_ref, scales_ref):
    dp = degp_ref[...]
    deg = jnp.maximum(jnp.sum(dp, axis=(0, 3)) * (1.0 / DW), 1.0)
    sc = lax.rsqrt(deg)
    scales_ref[...] = sc[None]
    t_ref[...] = jnp.dot(x_ref[...], w_ref[...],
                         preferred_element_type=jnp.float32) * sc[0][:, None]


def _tc_a(degp, x, W1):
    return pl.pallas_call(
        _tc_a_body,
        grid=(GRID,),
        in_specs=[
            pl.BlockSpec((NC, 2, BR, DW), lambda i: (0, 0, i, 0)),
            pl.BlockSpec((BR, D_FEAT), lambda i: (i, 0)),
            pl.BlockSpec((D_FEAT, D_H), lambda i: (0, 0)),
        ],
        out_specs=[
            pl.BlockSpec((BR, D_H), lambda i: (i, 0)),
            pl.BlockSpec((1, 2, BR), lambda i: (i, 0, 0)),
        ],
        out_shape=[
            jax.ShapeDtypeStruct((N, D_H), jnp.float32),
            jax.ShapeDtypeStruct((GRID, 2, BR), jnp.float32),
        ],
    )(degp, x, W1)


def _tc_b_body(aggp_ref, scales_ref, w_ref, t_ref):
    sc = scales_ref[0]
    a = aggp_ref[...]
    h = jnp.tanh((a[0] + a[1]) * sc[1][:, None])
    t_ref[...] = jnp.dot(h, w_ref[...],
                         preferred_element_type=jnp.float32) * sc[0][:, None]


def _tc_b(aggp, scales, W):
    return pl.pallas_call(
        _tc_b_body,
        grid=(GRID,),
        in_specs=[
            pl.BlockSpec((NC, BR, D_H), lambda i: (0, i, 0)),
            pl.BlockSpec((1, 2, BR), lambda i: (i, 0, 0)),
            pl.BlockSpec((D_H, D_H), lambda i: (0, 0)),
        ],
        out_specs=pl.BlockSpec((BR, D_H), lambda i: (i, 0)),
        out_shape=jax.ShapeDtypeStruct((N, D_H), jnp.float32),
    )(aggp, scales, W)


def _tc_c_body(aggp_ref, scales_ref, eps_ref, z_ref, m_ref, s_ref):
    sc = scales_ref[0]
    a = aggp_ref[...]
    ms = (a[0] + a[1]) * sc[1][:, None]
    m = ms[:, :D_LATENT]
    std = jnp.maximum(ms[:, D_LATENT:], 0.0) + 0.0001
    m_ref[...] = m
    s_ref[...] = std
    z_ref[...] = eps_ref[...] * std + m


def _tc_c(aggp, scales, eps):
    return pl.pallas_call(
        _tc_c_body,
        grid=(GRID,),
        in_specs=[
            pl.BlockSpec((NC, BR, D_H), lambda i: (0, i, 0)),
            pl.BlockSpec((1, 2, BR), lambda i: (i, 0, 0)),
            pl.BlockSpec((BR, D_LATENT), lambda i: (i, 0)),
        ],
        out_specs=[
            pl.BlockSpec((BR, D_LATENT), lambda i: (i, 0)),
            pl.BlockSpec((BR, D_LATENT), lambda i: (i, 0)),
            pl.BlockSpec((BR, D_LATENT), lambda i: (i, 0)),
        ],
        out_shape=[
            jax.ShapeDtypeStruct((N, D_LATENT), jnp.float32),
            jax.ShapeDtypeStruct((N, D_LATENT), jnp.float32),
            jax.ShapeDtypeStruct((N, D_LATENT), jnp.float32),
        ],
    )(aggp, scales, eps)


def kernel(adj, x, W1, W2, Wm, Ws):
    src = adj[0].astype(jnp.int32)
    dst = adj[1].astype(jnp.int32)
    ones_rows = jnp.ones((CH, DW), jnp.float32)
    zeros_deg = jnp.zeros((N_PAD, DW), jnp.float32)
    zeros_acc = jnp.zeros((N_PAD, D_H), jnp.float32)

    degp = _deg_kernel(src, dst, ones_rows, zeros_deg)
    t1, scales = _tc_a(degp, x, W1)

    def _agg(t):
        return _agg_kernel(src, dst, t, zeros_acc)

    a1 = _agg(t1)
    t2 = _tc_b(a1, scales, W2)

    a2 = _agg(t2)
    W34 = jnp.concatenate([Wm, Ws], axis=1)
    t3 = _tc_b(a2, scales, W34)

    a3 = _agg(t3)
    eps = jax.random.normal(jax.random.key(42), (N, D_LATENT), jnp.float32)
    z, m, s = _tc_c(a3, scales, eps)
    return (z, m, s)

# --- scband reference (transcript-rebuilt; emitter-appended) ---
"""Pipeline reference for scband-gcn-encoder-20418274525634 (READ-ONLY COPY).

The authoritative reference and input builder live on the scoring server;
editing this copy changes nothing except your own understanding.
"""

import jax, jax.numpy as jnp
import numpy as np

N_NODES = 10000
N_EDGES = 320000
D_FEAT = 128
D_H1 = 64
D_H2 = 64
D_LATENT = 32


def setup_inputs(seed: int = 0) -> dict:
    key = jax.random.key(seed)
    k1, k2, k3, k4, k5, k6, k7 = jax.random.split(key, 7)
    adj = jax.random.randint(k1, (2, N_EDGES), 0, N_NODES, dtype=jnp.int64)
    x = jax.random.normal(k2, (N_NODES, D_FEAT), dtype=jnp.float32)
    # Glorot-style init for GraphConv weights (weight=True, bias=False)
    W1 = jax.random.normal(k3, (D_FEAT, D_H1), dtype=jnp.float32) * (2.0 / (D_FEAT + D_H1)) ** 0.5
    W2 = jax.random.normal(k4, (D_H1, D_H2), dtype=jnp.float32) * (2.0 / (D_H1 + D_H2)) ** 0.5
    Wm = jax.random.normal(k5, (D_H2, D_LATENT), dtype=jnp.float32) * (2.0 / (D_H2 + D_LATENT)) ** 0.5
    Ws = jax.random.normal(k6, (D_H2, D_LATENT), dtype=jnp.float32) * (2.0 / (D_H2 + D_LATENT)) ** 0.5
    return {"adj": adj, "x": x, "W1": W1, "W2": W2, "Wm": Wm, "Ws": Ws}


def _graph_conv(x, W, src, dst, n_nodes):
    # DGL GraphConv with norm='both', bias=False, activation=None:
    # out = D_in^{-1/2} A (D_out^{-1/2} x) W
    deg_out = jnp.clip(jnp.bincount(src, length=n_nodes), 1).astype(x.dtype)
    deg_in = jnp.clip(jnp.bincount(dst, length=n_nodes), 1).astype(x.dtype)
    h = x * (deg_out ** -0.5)[:, None]
    h = h @ W
    msg = h[src]
    agg = jax.ops.segment_sum(msg, dst, num_segments=n_nodes)
    return agg * (deg_in ** -0.5)[:, None]


def reference(adj, x, W1, W2, Wm, Ws):
    src = adj[0]
    dst = adj[1]
    n = x.shape[0]
    # GCN stack (dropout rate 0 -> identity)
    h = jnp.tanh(_graph_conv(x, W1, src, dst, n))
    h = jnp.tanh(_graph_conv(h, W2, src, dst, n))
    m_q_z = _graph_conv(h, Wm, src, dst, n)
    std_q_z = jax.nn.relu(_graph_conv(h, Ws, src, dst, n)) + 0.0001
    # reparameterize: eps ~ N(0, 1) with a fixed key (constant noise)
    eps = jax.random.normal(jax.random.key(42), std_q_z.shape, dtype=std_q_z.dtype)
    z = eps * std_q_z + m_q_z
    return (z, m_q_z, std_q_z)

if __name__ == "__main__":
    import jax
    _d = setup_inputs()
    print(jax.jit(kernel)(*tuple(_d.values())))

</pallas_src>

<mosaic_0001>
#map = affine_map<(d0, d1) -> (0)>
#map1 = affine_map<(d0, d1) -> (0, 0)>
#map2 = affine_map<(d0, d1) -> (0, 0, 0)>
module attributes {stable_mosaic.version = 14 : i64} {
  func.func @_agg_kernel(%arg0: i32, %arg1: i32, %arg2: memref<320000xi32, #tpu.memory_space<hbm>>, %arg3: memref<320000xi32, #tpu.memory_space<hbm>>, %arg4: memref<10000x64xf32, #tpu.memory_space<hbm>>, %arg5: memref<10240x64xf32, #tpu.memory_space<hbm>>, %arg6: memref<2x10240x64xf32, #tpu.memory_space<hbm>>, %arg7: memref<10000xi32, #tpu.memory_space<vmem>>, %arg8: memref<10000xi32, #tpu.memory_space<vmem>>, %arg9: memref<80x64xf32, #tpu.memory_space<vmem>>, %arg10: memref<80x64xf32, #tpu.memory_space<vmem>>, %arg11: memref<80x64xf32, #tpu.memory_space<vmem>>, %arg12: memref<80x64xf32, #tpu.memory_space<vmem>>, %arg13: memref<10240x64xf32, #tpu.memory_space<vmem_shared>>, %arg14: memref<!tpu.dma_semaphore, #tpu.memory_space<semaphore_mem>>, %arg15: memref<!tpu.dma_semaphore, #tpu.memory_space<semaphore_mem>>, %arg16: memref<!tpu.dma_semaphore, #tpu.memory_space<semaphore_mem>>, %arg17: memref<!tpu.dma_semaphore, #tpu.memory_space<semaphore_mem>>, %arg18: memref<!tpu.dma_semaphore, #tpu.memory_space<semaphore_mem>>, %arg19: memref<!tpu.dma_semaphore, #tpu.memory_space<semaphore_mem>>, %arg20: memref<!tpu.dma_semaphore, #tpu.memory_space<semaphore_mem>>, %arg21: memref<!tpu.dma_semaphore, #tpu.memory_space<semaphore_mem>>) attributes {dimension_semantics = [#tpu.dimension_semantics<core_parallel>, #tpu.dimension_semantics<subcore_parallel>], iteration_bounds = array<i64: 2, 16>, scalar_prefetch = 0 : i64, scratch_operands = 15 : i64, tpu.core_type = #tpu.core_type<sc_vector_subcore>, window_params = [{transform_indices = #map}, {transform_indices = #map}, {transform_indices = #map1}, {transform_indices = #map1}, {transform_indices = #map2}]} {
    %mul3A = arith.constant 2 : i32
    %mul3A_0 = arith.muli %arg1, %mul3A : i32
    %add3A = arith.addi %mul3A_0, %arg0 : i32
    %mul3A_1 = arith.constant 10000 : i32
    %mul3A_2 = arith.muli %add3A, %mul3A_1 : i32
    "tpu.region"() ({
      %run_scoped3A = tpu.sem_alloc : memref<!tpu.dma_semaphore, #tpu.memory_space<semaphore_mem>>
      %dma_start3A_136 = tpu.memref_slice %arg2[%mul3A_2] : memref<320000xi32, #tpu.memory_space<hbm>> -> memref<10000xi32, #tpu.memory_space<hbm>>
      %dma_start3A_137 = tpu.memref_slice %arg2[%mul3A_2] : memref<320000xi32, #tpu.memory_space<hbm>> -> memref<10000xi32, #tpu.memory_space<hbm>>
      tpu.enqueue_dma source(%dma_start3A_137 : memref<10000xi32, #tpu.memory_space<hbm>>) target(%arg7 : memref<10000xi32, #tpu.memory_space<vmem>>) target_semaphore(%run_scoped3A : memref<!tpu.dma_semaphore, #tpu.memory_space<semaphore_mem>>)
      %dma_wait3A_138 = tpu.memref_slice %arg2[%mul3A_2] : memref<320000xi32, #tpu.memory_space<hbm>> -> memref<10000xi32, #tpu.memory_space<hbm>>
      %dma_wait3A_139 = tpu.memref_slice %arg2[%mul3A_2] : memref<320000xi32, #tpu.memory_space<hbm>> -> memref<10000xi32, #tpu.memory_space<hbm>>
      tpu.wait_dma2 semaphore(%run_scoped3A : memref<!tpu.dma_semaphore, #tpu.memory_space<semaphore_mem>>) src(%dma_wait3A_139 : memref<10000xi32, #tpu.memory_space<hbm>>) dst(%arg7 : memref<10000xi32, #tpu.memory_space<vmem>>)
      tpu.yield
    }) : () -> ()
    %mul3A_3 = arith.constant 10000 : i32
    %mul3A_4 = arith.muli %add3A, %mul3A_3 : i32
    "tpu.region"() ({
      %run_scoped3A = tpu.sem_alloc : memref<!tpu.dma_semaphore, #tpu.memory_space<semaphore_mem>>
      %dma_start3A_136 = tpu.memref_slice %arg3[%mul3A_4] : memref<320000xi32, #tpu.memory_space<hbm>> -> memref<10000xi32, #tpu.memory_space<hbm>>
      %dma_start3A_137 = tpu.memref_slice %arg3[%mul3A_4] : memref<320000xi32, #tpu.memory_space<hbm>> -> memref<10000xi32, #tpu.memory_space<hbm>>
      tpu.enqueue_dma source(%dma_start3A_137 : memref<10000xi32, #tpu.memory_space<hbm>>) target(%arg8 : memref<10000xi32, #tpu.memory_space<vmem>>) target_semaphore(%run_scoped3A : memref<!tpu.dma_semaphore, #tpu.memory_space<semaphore_mem>>)
      %dma_wait3A_138 = tpu.memref_slice %arg3[%mul3A_4] : memref<320000xi32, #tpu.memory_space<hbm>> -> memref<10000xi32, #tpu.memory_space<hbm>>
      %dma_wait3A_139 = tpu.memref_slice %arg3[%mul3A_4] : memref<320000xi32, #tpu.memory_space<hbm>> -> memref<10000xi32, #tpu.memory_space<hbm>>
      tpu.wait_dma2 semaphore(%run_scoped3A : memref<!tpu.dma_semaphore, #tpu.memory_space<semaphore_mem>>) src(%dma_wait3A_139 : memref<10000xi32, #tpu.memory_space<hbm>>) dst(%arg8 : memref<10000xi32, #tpu.memory_space<vmem>>)
      tpu.yield
    }) : () -> ()
    %mul3A_5 = arith.constant 640 : i32
    %mul3A_6 = arith.muli %arg1, %mul3A_5 : i32
    %mul3A_7 = arith.constant 640 : i32
    %mul3A_8 = arith.muli %arg1, %mul3A_7 : i32
    "tpu.region"() ({
      %run_scoped3A = tpu.sem_alloc : memref<!tpu.dma_semaphore, #tpu.memory_space<semaphore_mem>>
      %dma_start3A_136 = arith.constant 0 : i32
      %dma_start3A_137 = tpu.memref_slice %arg13[%mul3A_8, %dma_start3A_136] : memref<10240x64xf32, #tpu.memory_space<vmem_shared>> -> memref<640x64xf32, #tpu.memory_space<vmem_shared>>
      %dma_start3A_138 = arith.constant 0 : i32
      %dma_start3A_139 = tpu.memref_slice %arg5[%mul3A_6, %dma_start3A_138] : memref<10240x64xf32, #tpu.memory_space<hbm>> -> memref<640x64xf32, #tpu.memory_space<hbm>>
      tpu.enqueue_dma source(%dma_start3A_139 : memref<640x64xf32, #tpu.memory_space<hbm>>) target(%dma_start3A_137 : memref<640x64xf32, #tpu.memory_space<vmem_shared>>) target_semaphore(%run_scoped3A : memref<!tpu.dma_semaphore, #tpu.memory_space<semaphore_mem>>)
      %dma_wait3A_140 = arith.constant 0 : i32
      %dma_wait3A_141 = tpu.memref_slice %arg13[%mul3A_8, %dma_wait3A_140] : memref<10240x64xf32, #tpu.memory_space<vmem_shared>> -> memref<640x64xf32, #tpu.memory_space<vmem_shared>>
      %dma_wait3A_142 = arith.constant 0 : i32
      %dma_wait3A_143 = tpu.memref_slice %arg5[%mul3A_6, %dma_wait3A_142] : memref<10240x64xf32, #tpu.memory_space<hbm>> -> memref<640x64xf32, #tpu.memory_space<hbm>>
      tpu.wait_dma2 semaphore(%run_scoped3A : memref<!tpu.dma_semaphore, #tpu.memory_space<semaphore_mem>>) src(%dma_wait3A_143 : memref<640x64xf32, #tpu.memory_space<hbm>>) dst(%dma_wait3A_141 : memref<640x64xf32, #tpu.memory_space<vmem_shared>>)
      tpu.yield
    }) : () -> ()
    %barrier3A = arith.constant 0 : index
    tpu.barrier barrier_id(%barrier3A)
    %multiple_of3A = arith.constant 0 : i32
    %multiple_of3A_9 = tpu.assume_multiple %multiple_of3A, 8 : i32
    %dma_start3A = tpu.memref_slice %arg7[%multiple_of3A_9] : memref<10000xi32, #tpu.memory_space<vmem>> -> memref<80xi32, #tpu.memory_space<vmem>>
    %dma_start3A_10 = arith.constant 0 : i32
    %dma_start3A_11 = arith.constant 0 : i32
    %dma_start3A_12 = tpu.memref_slice %arg4[%dma_start3A_10, %dma_start3A_11] : memref<10000x64xf32, #tpu.memory_space<hbm>> -> memref<10000x64xf32, #tpu.memory_space<hbm>>
    tpu.enqueue_indirect_dma source(%dma_start3A_12 : memref<10000x64xf32, #tpu.memory_space<hbm>>) target(%arg9 : memref<80x64xf32, #tpu.memory_space<vmem>>) offsets(%dma_start3A : memref<80xi32, #tpu.memory_space<vmem>>) semaphore(%arg14 : memref<!tpu.dma_semaphore, #tpu.memory_space<semaphore_mem>>)
    %multiple_of3A_13 = arith.constant 80 : i32
    %multiple_of3A_14 = tpu.assume_multiple %multiple_of3A_13, 8 : i32
    %dma_start3A_15 = tpu.memref_slice %arg7[%multiple_of3A_14] : memref<10000xi32, #tpu.memory_space<vmem>> -> memref<80xi32, #tpu.memory_space<vmem>>
    %dma_start3A_16 = arith.constant 0 : i32
    %dma_start3A_17 = arith.constant 0 : i32
    %dma_start3A_18 = tpu.memref_slice %arg4[%dma_start3A_16, %dma_start3A_17] : memref<10000x64xf32, #tpu.memory_space<hbm>> -> memref<10000x64xf32, #tpu.memory_space<hbm>>
    tpu.enqueue_indirect_dma source(%dma_start3A_18 : memref<10000x64xf32, #tpu.memory_space<hbm>>) target(%arg10 : memref<80x64xf32, #tpu.memory_space<vmem>>) offsets(%dma_start3A_15 : memref<80xi32, #tpu.memory_space<vmem>>) semaphore(%arg15 : memref<!tpu.dma_semaphore, #tpu.memory_space<semaphore_mem>>)
    %multiple_of3A_19 = arith.constant 160 : i32
    %multiple_of3A_20 = tpu.assume_multiple %multiple_of3A_19, 8 : i32
    %dma_start3A_21 = tpu.memref_slice %arg7[%multiple_of3A_20] : memref<10000xi32, #tpu.memory_space<vmem>> -> memref<80xi32, #tpu.memory_space<vmem>>
    %dma_start3A_22 = arith.constant 0 : i32
    %dma_start3A_23 = arith.constant 0 : i32
    %dma_start3A_24 = tpu.memref_slice %arg4[%dma_start3A_22, %dma_start3A_23] : memref<10000x64xf32, #tpu.memory_space<hbm>> -> memref<10000x64xf32, #tpu.memory_space<hbm>>
    tpu.enqueue_indirect_dma source(%dma_start3A_24 : memref<10000x64xf32, #tpu.memory_space<hbm>>) target(%arg11 : memref<80x64xf32, #tpu.memory_space<vmem>>) offsets(%dma_start3A_21 : memref<80xi32, #tpu.memory_space<vmem>>) semaphore(%arg16 : memref<!tpu.dma_semaphore, #tpu.memory_space<semaphore_mem>>)
    %multiple_of3A_25 = arith.constant 0 : i32
    %multiple_of3A_26 = tpu.assume_multiple %multiple_of3A_25, 8 : i32
    %dma_wait3A = tpu.memref_slice %arg7[%multiple_of3A_26] : memref<10000xi32, #tpu.memory_space<vmem>> -> memref<80xi32, #tpu.memory_space<vmem>>
    %dma_wait3A_27 = arith.constant 0 : i32
    %dma_wait3A_28 = arith.constant 0 : i32
    %dma_wait3A_29 = tpu.memref_slice %arg4[%dma_wait3A_27, %dma_wait3A_28] : memref<10000x64xf32, #tpu.memory_space<hbm>> -> memref<10000x64xf32, #tpu.memory_space<hbm>>
    tpu.wait_indirect_dma semaphore(%arg14 : memref<!tpu.dma_semaphore, #tpu.memory_space<semaphore_mem>>) src(%dma_wait3A_29 : memref<10000x64xf32, #tpu.memory_space<hbm>>) dst(%arg9 : memref<80x64xf32, #tpu.memory_space<vmem>>)
    %multiple_of3A_30 = arith.constant 0 : i32
    %multiple_of3A_31 = tpu.assume_multiple %multiple_of3A_30, 8 : i32
    %dma_start3A_32 = tpu.memref_slice %arg8[%multiple_of3A_31] : memref<10000xi32, #tpu.memory_space<vmem>> -> memref<80xi32, #tpu.memory_space<vmem>>
    %dma_start3A_33 = arith.constant 0 : i32
    %dma_start3A_34 = arith.constant 0 : i32
    %dma_start3A_35 = tpu.memref_slice %arg13[%dma_start3A_33, %dma_start3A_34] : memref<10240x64xf32, #tpu.memory_space<vmem_shared>> -> memref<10240x64xf32, #tpu.memory_space<vmem_shared>>
    tpu.enqueue_indirect_dma source(%arg9 : memref<80x64xf32, #tpu.memory_space<vmem>>) target(%dma_start3A_35 : memref<10240x64xf32, #tpu.memory_space<vmem_shared>>) offsets(%dma_start3A_32 : memref<80xi32, #tpu.memory_space<vmem>>) semaphore(%arg18 : memref<!tpu.dma_semaphore, #tpu.memory_space<semaphore_mem>>) {add = true}
    %multiple_of3A_36 = arith.constant 240 : i32
    %multiple_of3A_37 = tpu.assume_multiple %multiple_of3A_36, 8 : i32
    %dma_start3A_38 = tpu.memref_slice %arg7[%multiple_of3A_37] : memref<10000xi32, #tpu.memory_space<vmem>> -> memref<80xi32, #tpu.memory_space<vmem>>
    %dma_start3A_39 = arith.constant 0 : i32
    %dma_start3A_40 = arith.constant 0 : i32
    %dma_start3A_41 = tpu.memref_slice %arg4[%dma_start3A_39, %dma_start3A_40] : memref<10000x64xf32, #tpu.memory_space<hbm>> -> memref<10000x64xf32, #tpu.memory_space<hbm>>
    tpu.enqueue_indirect_dma source(%dma_start3A_41 : memref<10000x64xf32, #tpu.memory_space<hbm>>) target(%arg12 : memref<80x64xf32, #tpu.memory_space<vmem>>) offsets(%dma_start3A_38 : memref<80xi32, #tpu.memory_space<vmem>>) semaphore(%arg17 : memref<!tpu.dma_semaphore, #tpu.memory_space<semaphore_mem>>)
    %multiple_of3A_42 = arith.constant 80 : i32
    %multiple_of3A_43 = tpu.assume_multiple %multiple_of3A_42, 8 : i32
    %dma_wait3A_44 = tpu.memref_slice %arg7[%multiple_of3A_43] : memref<10000xi32, #tpu.memory_space<vmem>> -> memref<80xi32, #tpu.memory_space<vmem>>
    %dma_wait3A_45 = arith.constant 0 : i32
    %dma_wait3A_46 = arith.constant 0 : i32
    %dma_wait3A_47 = tpu.memref_slice %arg4[%dma_wait3A_45, %dma_wait3A_46] : memref<10000x64xf32, #tpu.memory_space<hbm>> -> memref<10000x64xf32, #tpu.memory_space<hbm>>
    tpu.wait_indirect_dma semaphore(%arg15 : memref<!tpu.dma_semaphore, #tpu.memory_space<semaphore_mem>>) src(%dma_wait3A_47 : memref<10000x64xf32, #tpu.memory_space<hbm>>) dst(%arg10 : memref<80x64xf32, #tpu.memory_space<vmem>>)
    %multiple_of3A_48 = arith.constant 80 : i32
    %multiple_of3A_49 = tpu.assume_multiple %multiple_of3A_48, 8 : i32
    %dma_start3A_50 = tpu.memref_slice %arg8[%multiple_of3A_49] : memref<10000xi32, #tpu.memory_space<vmem>> -> memref<80xi32, #tpu.memory_space<vmem>>
    %dma_start3A_51 = arith.constant 0 : i32
    %dma_start3A_52 = arith.constant 0 : i32
    %dma_start3A_53 = tpu.memref_slice %arg13[%dma_start3A_51, %dma_start3A_52] : memref<10240x64xf32, #tpu.memory_space<vmem_shared>> -> memref<10240x64xf32, #tpu.memory_space<vmem_shared>>
    tpu.enqueue_indirect_dma source(%arg10 : memref<80x64xf32, #tpu.memory_space<vmem>>) target(%dma_start3A_53 : memref<10240x64xf32, #tpu.memory_space<vmem_shared>>) offsets(%dma_start3A_50 : memref<80xi32, #tpu.memory_space<vmem>>) semaphore(%arg19 : memref<!tpu.dma_semaphore, #tpu.memory_space<semaphore_mem>>) {add = true}
    %scan3A = arith.constant 0 : i32
    %scan3A_54 = arith.constant 0 : i32
    %scan3A_55 = arith.constant 30 : i32
    %scan3A_56 = arith.addi %scan3A_54, %scan3A_55 : i32
    %scan3A_57 = arith.constant 1 : i32
    scf.for %scan3A_136 = %scan3A_54 to %scan3A_56 step %scan3A_57  : i32 {
      %mul3A_137 = arith.constant 4 : i32
      %mul3A_138 = arith.muli %scan3A_136, %mul3A_137 : i32
      %add3A_139 = arith.constant 2 : i32
      %add3A_140 = arith.addi %add3A_139, %mul3A_138 : i32
      %add3A_141 = arith.constant 0 : i32
      %add3A_142 = arith.addi %add3A_140, %add3A_141 : i32
      %sub3A = arith.constant 2 : i32
      %sub3A_143 = arith.subi %add3A_142, %sub3A : i32
      %mul3A_144 = arith.constant 80 : i32
      %mul3A_145 = arith.muli %sub3A_143, %mul3A_144 : i32
      %multiple_of3A_146 = tpu.assume_multiple %mul3A_145, 8 : i32
      %dma_wait3A_147 = tpu.memref_slice %arg8[%multiple_of3A_146] : memref<10000xi32, #tpu.memory_space<vmem>> -> memref<80xi32, #tpu.memory_space<vmem>>
      %dma_wait3A_148 = arith.constant 0 : i32
      %dma_wait3A_149 = arith.constant 0 : i32
      %dma_wait3A_150 = tpu.memref_slice %arg13[%dma_wait3A_148, %dma_wait3A_149] : memref<10240x64xf32, #tpu.memory_space<vmem_shared>> -> memref<10240x64xf32, #tpu.memory_space<vmem_shared>>
      tpu.wait_indirect_dma semaphore(%arg18 : memref<!tpu.dma_semaphore, #tpu.memory_space<semaphore_mem>>) src(%arg9 : memref<80x64xf32, #tpu.memory_space<vmem>>) dst(%dma_wait3A_150 : memref<10240x64xf32, #tpu.memory_space<vmem_shared>>)
      %add3A_151 = arith.constant 2 : i32
      %add3A_152 = arith.addi %add3A_142, %add3A_151 : i32
      %mul3A_153 = arith.constant 80 : i32
      %mul3A_154 = arith.muli %add3A_152, %mul3A_153 : i32
      %multiple_of3A_155 = tpu.assume_multiple %mul3A_154, 8 : i32
      %dma_start3A_156 = tpu.memref_slice %arg7[%multiple_of3A_155] : memref<10000xi32, #tpu.memory_space<vmem>> -> memref<80xi32, #tpu.memory_space<vmem>>
      %dma_start3A_157 = arith.constant 0 : i32
      %dma_start3A_158 = arith.constant 0 : i32
      %dma_start3A_159 = tpu.memref_slice %arg4[%dma_start3A_157, %dma_start3A_158] : memref<10000x64xf32, #tpu.memory_space<hbm>> -> memref<10000x64xf32, #tpu.memory_space<hbm>>
      tpu.enqueue_indirect_dma source(%dma_start3A_159 : memref<10000x64xf32, #tpu.memory_space<hbm>>) target(%arg9 : memref<80x64xf32, #tpu.memory_space<vmem>>) offsets(%dma_start3A_156 : memref<80xi32, #tpu.memory_space<vmem>>) semaphore(%arg14 : memref<!tpu.dma_semaphore, #tpu.memory_space<semaphore_mem>>)
      %mul3A_160 = arith.constant 80 : i32
      %mul3A_161 = arith.muli %add3A_142, %mul3A_160 : i32
      %multiple_of3A_162 = tpu.assume_multiple %mul3A_161, 8 : i32
      %dma_wait3A_163 = tpu.memref_slice %arg7[%multiple_of3A_162] : memref<10000xi32, #tpu.memory_space<vmem>> -> memref<80xi32, #tpu.memory_space<vmem>>
      %dma_wait3A_164 = arith.constant 0 : i32
      %dma_wait3A_165 = arith.constant 0 : i32
      %dma_wait3A_166 = tpu.memref_slice %arg4[%dma_wait3A_164, %dma_wait3A_165] : memref<10000x64xf32, #tpu.memory_space<hbm>> -> memref<10000x64xf32, #tpu.memory_space<hbm>>
      tpu.wait_indirect_dma semaphore(%arg16 : memref<!tpu.dma_semaphore, #tpu.memory_space<semaphore_mem>>) src(%dma_wait3A_166 : memref<10000x64xf32, #tpu.memory_space<hbm>>) dst(%arg11 : memref<80x64xf32, #tpu.memory_space<vmem>>)
      %mul3A_167 = arith.constant 80 : i32
      %mul3A_168 = arith.muli %add3A_142, %mul3A_167 : i32
      %multiple_of3A_169 = tpu.assume_multiple %mul3A_168, 8 : i32
      %dma_start3A_170 = tpu.memref_slice %arg8[%multiple_of3A_169] : memref<10000xi32, #tpu.memory_space<vmem>> -> memref<80xi32, #tpu.memory_space<vmem>>
      %dma_start3A_171 = arith.constant 0 : i32
      %dma_start3A_172 = arith.constant 0 : i32
      %dma_start3A_173 = tpu.memref_slice %arg13[%dma_start3A_171, %dma_start3A_172] : memref<10240x64xf32, #tpu.memory_space<vmem_shared>> -> memref<10240x64xf32, #tpu.memory_space<vmem_shared>>
      tpu.enqueue_indirect_dma source(%arg11 : memref<80x64xf32, #tpu.memory_space<vmem>>) target(%dma_start3A_173 : memref<10240x64xf32, #tpu.memory_space<vmem_shared>>) offsets(%dma_start3A_170 : memref<80xi32, #tpu.memory_space<vmem>>) semaphore(%arg20 : memref<!tpu.dma_semaphore, #tpu.memory_space<semaphore_mem>>) {add = true}
      %add3A_174 = arith.constant 1 : i32
      %add3A_175 = arith.addi %add3A_140, %add3A_174 : i32
      %sub3A_176 = arith.constant 2 : i32
      %sub3A_177 = arith.subi %add3A_175, %sub3A_176 : i32
      %mul3A_178 = arith.constant 80 : i32
      %mul3A_179 = arith.muli %sub3A_177, %mul3A_178 : i32
      %multiple_of3A_180 = tpu.assume_multiple %mul3A_179, 8 : i32
      %dma_wait3A_181 = tpu.memref_slice %arg8[%multiple_of3A_180] : memref<10000xi32, #tpu.memory_space<vmem>> -> memref<80xi32, #tpu.memory_space<vmem>>
      %dma_wait3A_182 = arith.constant 0 : i32
      %dma_wait3A_183 = arith.constant 0 : i32
      %dma_wait3A_184 = tpu.memref_slice %arg13[%dma_wait3A_182, %dma_wait3A_183] : memref<10240x64xf32, #tpu.memory_space<vmem_shared>> -> memref<10240x64xf32, #tpu.memory_space<vmem_shared>>
      tpu.wait_indirect_dma semaphore(%arg19 : memref<!tpu.dma_semaphore, #tpu.memory_space<semaphore_mem>>) src(%arg10 : memref<80x64xf32, #tpu.memory_space<vmem>>) dst(%dma_wait3A_184 : memref<10240x64xf32, #tpu.memory_space<vmem_shared>>)
      %add3A_185 = arith.constant 2 : i32
      %add3A_186 = arith.addi %add3A_175, %add3A_185 : i32
      %mul3A_187 = arith.constant 80 : i32
      %mul3A_188 = arith.muli %add3A_186, %mul3A_187 : i32
      %multiple_of3A_189 = tpu.assume_multiple %mul3A_188, 8 : i32
      %dma_start3A_190 = tpu.memref_slice %arg7[%multiple_of3A_189] : memref<10000xi32, #tpu.memory_space<vmem>> -> memref<80xi32, #tpu.memory_space<vmem>>
      %dma_start3A_191 = arith.constant 0 : i32
      %dma_start3A_192 = arith.constant 0 : i32
      %dma_start3A_193 = tpu.memref_slice %arg4[%dma_start3A_191, %dma_start3A_192] : memref<10000x64xf32, #tpu.memory_space<hbm>> -> memref<10000x64xf32, #tpu.memory_space<hbm>>
      tpu.enqueue_indirect_dma source(%dma_start3A_193 : memref<10000x64xf32, #tpu.memory_space<hbm>>) target(%arg10 : memref<80x64xf32, #tpu.memory_space<vmem>>) offsets(%dma_start3A_190 : memref<80xi32, #tpu.memory_space<vmem>>) semaphore(%arg15 : memref<!tpu.dma_semaphore, #tpu.memory_space<semaphore_mem>>)
      %mul3A_194 = arith.constant 80 : i32
      %mul3A_195 = arith.muli %add3A_175, %mul3A_194 : i32
      %multiple_of3A_196 = tpu.assume_multiple %mul3A_195, 8 : i32
      %dma_wait3A_197 = tpu.memref_slice %arg7[%multiple_of3A_196] : memref<10000xi32, #tpu.memory_space<vmem>> -> memref<80xi32, #tpu.memory_space<vmem>>
      %dma_wait3A_198 = arith.constant 0 : i32
      %dma_wait3A_199 = arith.constant 0 : i32
      %dma_wait3A_200 = tpu.memref_slice %arg4[%dma_wait3A_198, %dma_wait3A_199] : memref<10000x64xf32, #tpu.memory_space<hbm>> -> memref<10000x64xf32, #tpu.memory_space<hbm>>
      tpu.wait_indirect_dma semaphore(%arg17 : memref<!tpu.dma_semaphore, #tpu.memory_space<semaphore_mem>>) src(%dma_wait3A_200 : memref<10000x64xf32, #tpu.memory_space<hbm>>) dst(%arg12 : memref<80x64xf32, #tpu.memory_space<vmem>>)
      %mul3A_201 = arith.constant 80 : i32
      %mul3A_202 = arith.muli %add3A_175, %mul3A_201 : i32
      %multiple_of3A_203 = tpu.assume_multiple %mul3A_202, 8 : i32
      %dma_start3A_204 = tpu.memref_slice %arg8[%multiple_of3A_203] : memref<10000xi32, #tpu.memory_space<vmem>> -> memref<80xi32, #tpu.memory_space<vmem>>
      %dma_start3A_205 = arith.constant 0 : i32
      %dma_start3A_206 = arith.constant 0 : i32
      %dma_start3A_207 = tpu.memref_slice %arg13[%dma_start3A_205, %dma_start3A_206] : memref<10240x64xf32, #tpu.memory_space<vmem_shared>> -> memref<10240x64xf32, #tpu.memory_space<vmem_shared>>
      tpu.enqueue_indirect_dma source(%arg12 : memref<80x64xf32, #tpu.memory_space<vmem>>) target(%dma_start3A_207 : memref<10240x64xf32, #tpu.memory_space<vmem_shared>>) offsets(%dma_start3A_204 : memref<80xi32, #tpu.memory_space<vmem>>) semaphore(%arg21 : memref<!tpu.dma_semaphore, #tpu.memory_space<semaphore_mem>>) {add = true}
      %add3A_208 = arith.constant 2 : i32
      %add3A_209 = arith.addi %add3A_140, %add3A_208 : i32
      %sub3A_210 = arith.constant 2 : i32
      %sub3A_211 = arith.subi %add3A_209, %sub3A_210 : i32
      %mul3A_212 = arith.constant 80 : i32
      %mul3A_213 = arith.muli %sub3A_211, %mul3A_212 : i32
      %multiple_of3A_214 = tpu.assume_multiple %mul3A_213, 8 : i32
      %dma_wait3A_215 = tpu.memref_slice %arg8[%multiple_of3A_214] : memref<10000xi32, #tpu.memory_space<vmem>> -> memref<80xi32, #tpu.memory_space<vmem>>
      %dma_wait3A_216 = arith.constant 0 : i32
      %dma_wait3A_217 = arith.constant 0 : i32
      %dma_wait3A_218 = tpu.memref_slice %arg13[%dma_wait3A_216, %dma_wait3A_217] : memref<10240x64xf32, #tpu.memory_space<vmem_shared>> -> memref<10240x64xf32, #tpu.memory_space<vmem_shared>>
      tpu.wait_indirect_dma semaphore(%arg20 : memref<!tpu.dma_semaphore, #tpu.memory_space<semaphore_mem>>) src(%arg11 : memref<80x64xf32, #tpu.memory_space<vmem>>) dst(%dma_wait3A_218 : memref<10240x64xf32, #tpu.memory_space<vmem_shared>>)
      %add3A_219 = arith.constant 2 : i32
      %add3A_220 = arith.addi %add3A_209, %add3A_219 : i32
      %mul3A_221 = arith.constant 80 : i32
      %mul3A_222 = arith.muli %add3A_220, %mul3A_221 : i32
      %multiple_of3A_223 = tpu.assume_multiple %mul3A_222, 8 : i32
      %dma_start3A_224 = tpu.memref_slice %arg7[%multiple_of3A_223] : memref<10000xi32, #tpu.memory_space<vmem>> -> memref<80xi32, #tpu.memory_space<vmem>>
      %dma_start3A_225 = arith.constant 0 : i32
      %dma_start3A_226 = arith.constant 0 : i32
      %dma_start3A_227 = tpu.memref_slice %arg4[%dma_start3A_225, %dma_start3A_226] : memref<10000x64xf32, #tpu.memory_space<hbm>> -> memref<10000x64xf32, #tpu.memory_space<hbm>>
      tpu.enqueue_indirect_dma source(%dma_start3A_227 : memref<10000x64xf32, #tpu.memory_space<hbm>>) target(%arg11 : memref<80x64xf32, #tpu.memory_space<vmem>>) offsets(%dma_start3A_224 : memref<80xi32, #tpu.memory_space<vmem>>) semaphore(%arg16 : memref<!tpu.dma_semaphore, #tpu.memory_space<semaphore_mem>>)
      %mul3A_228 = arith.constant 80 : i32
      %mul3A_229 = arith.muli %add3A_209, %mul3A_228 : i32
      %multiple_of3A_230 = tpu.assume_multiple %mul3A_229, 8 : i32
      %dma_wait3A_231 = tpu.memref_slice %arg7[%multiple_of3A_230] : memref<10000xi32, #tpu.memory_space<vmem>> -> memref<80xi32, #tpu.memory_space<vmem>>
      %dma_wait3A_232 = arith.constant 0 : i32
      %dma_wait3A_233 = arith.constant 0 : i32
      %dma_wait3A_234 = tpu.memref_slice %arg4[%dma_wait3A_232, %dma_wait3A_233] : memref<10000x64xf32, #tpu.memory_space<hbm>> -> memref<10000x64xf32, #tpu.memory_space<hbm>>
      tpu.wait_indirect_dma semaphore(%arg14 : memref<!tpu.dma_semaphore, #tpu.memory_space<semaphore_mem>>) src(%dma_wait3A_234 : memref<10000x64xf32, #tpu.memory_space<hbm>>) dst(%arg9 : memref<80x64xf32, #tpu.memory_space<vmem>>)
      %mul3A_235 = arith.constant 80 : i32
      %mul3A_236 = arith.muli %add3A_209, %mul3A_235 : i32
      %multiple_of3A_237 = tpu.assume_multiple %mul3A_236, 8 : i32
      %dma_start3A_238 = tpu.memref_slice %arg8[%multiple_of3A_237] : memref<10000xi32, #tpu.memory_space<vmem>> -> memref<80xi32, #tpu.memory_space<vmem>>
      %dma_start3A_239 = arith.constant 0 : i32
      %dma_start3A_240 = arith.constant 0 : i32
      %dma_start3A_241 = tpu.memref_slice %arg13[%dma_start3A_239, %dma_start3A_240] : memref<10240x64xf32, #tpu.memory_space<vmem_shared>> -> memref<10240x64xf32, #tpu.memory_space<vmem_shared>>
      tpu.enqueue_indirect_dma source(%arg9 : memref<80x64xf32, #tpu.memory_space<vmem>>) target(%dma_start3A_241 : memref<10240x64xf32, #tpu.memory_space<vmem_shared>>) offsets(%dma_start3A_238 : memref<80xi32, #tpu.memory_space<vmem>>) semaphore(%arg18 : memref<!tpu.dma_semaphore, #tpu.memory_space<semaphore_mem>>) {add = true}
      %add3A_242 = arith.constant 3 : i32
      %add3A_243 = arith.addi %add3A_140, %add3A_242 : i32
      %sub3A_244 = arith.constant 2 : i32
      %sub3A_245 = arith.subi %add3A_243, %sub3A_244 : i32
      %mul3A_246 = arith.constant 80 : i32
      %mul3A_247 = arith.muli %sub3A_245, %mul3A_246 : i32
      %multiple_of3A_248 = tpu.assume_multiple %mul3A_247, 8 : i32
      %dma_wait3A_249 = tpu.memref_slice %arg8[%multiple_of3A_248] : memref<10000xi32, #tpu.memory_space<vmem>> -> memref<80xi32, #tpu.memory_space<vmem>>
      %dma_wait3A_250 = arith.constant 0 : i32
      %dma_wait3A_251 = arith.constant 0 : i32
      %dma_wait3A_252 = tpu.memref_slice %arg13[%dma_wait3A_250, %dma_wait3A_251] : memref<10240x64xf32, #tpu.memory_space<vmem_shared>> -> memref<10240x64xf32, #tpu.memory_space<vmem_shared>>
      tpu.wait_indirect_dma semaphore(%arg21 : memref<!tpu.dma_semaphore, #tpu.memory_space<semaphore_mem>>) src(%arg12 : memref<80x64xf32, #tpu.memory_space<vmem>>) dst(%dma_wait3A_252 : memref<10240x64xf32, #tpu.memory_space<vmem_shared>>)
      %add3A_253 = arith.constant 2 : i32
      %add3A_254 = arith.addi %add3A_243, %add3A_253 : i32
      %mul3A_255 = arith.constant 80 : i32
      %mul3A_256 = arith.muli %add3A_254, %mul3A_255 : i32
      %multiple_of3A_257 = tpu.assume_multiple %mul3A_256, 8 : i32
      %dma_start3A_258 = tpu.memref_slice %arg7[%multiple_of3A_257] : memref<10000xi32, #tpu.memory_space<vmem>> -> memref<80xi32, #tpu.memory_space<vmem>>
      %dma_start3A_259 = arith.constant 0 : i32
      %dma_start3A_260 = arith.constant 0 : i32
      %dma_start3A_261 = tpu.memref_slice %arg4[%dma_start3A_259, %dma_start3A_260] : memref<10000x64xf32, #tpu.memory_space<hbm>> -> memref<10000x64xf32, #tpu.memory_space<hbm>>
      tpu.enqueue_indirect_dma source(%dma_start3A_261 : memref<10000x64xf32, #tpu.memory_space<hbm>>) target(%arg12 : memref<80x64xf32, #tpu.memory_space<vmem>>) offsets(%dma_start3A_258 : memref<80xi32, #tpu.memory_space<vmem>>) semaphore(%arg17 : memref<!tpu.dma_semaphore, #tpu.memory_space<semaphore_mem>>)
      %mul3A_262 = arith.constant 80 : i32
      %mul3A_263 = arith.muli %add3A_243, %mul3A_262 : i32
      %multiple_of3A_264 = tpu.assume_multiple %mul3A_263, 8 : i32
      %dma_wait3A_265 = tpu.memref_slice %arg7[%multiple_of3A_264] : memref<10000xi32, #tpu.memory_space<vmem>> -> memref<80xi32, #tpu.memory_space<vmem>>
      %dma_wait3A_266 = arith.constant 0 : i32
      %dma_wait3A_267 = arith.constant 0 : i32
      %dma_wait3A_268 = tpu.memref_slice %arg4[%dma_wait3A_266, %dma_wait3A_267] : memref<10000x64xf32, #tpu.memory_space<hbm>> -> memref<10000x64xf32, #tpu.memory_space<hbm>>
      tpu.wait_indirect_dma semaphore(%arg15 : memref<!tpu.dma_semaphore, #tpu.memory_space<semaphore_mem>>) src(%dma_wait3A_268 : memref<10000x64xf32, #tpu.memory_space<hbm>>) dst(%arg10 : memref<80x64xf32, #tpu.memory_space<vmem>>)
      %mul3A_269 = arith.constant 80 : i32
      %mul3A_270 = arith.muli %add3A_243, %mul3A_269 : i32
      %multiple_of3A_271 = tpu.assume_multiple %mul3A_270, 8 : i32
      %dma_start3A_272 = tpu.memref_slice %arg8[%multiple_of3A_271] : memref<10000xi32, #tpu.memory_space<vmem>> -> memref<80xi32, #tpu.memory_space<vmem>>
      %dma_start3A_273 = arith.constant 0 : i32
      %dma_start3A_274 = arith.constant 0 : i32
      %dma_start3A_275 = tpu.memref_slice %arg13[%dma_start3A_273, %dma_start3A_274] : memref<10240x64xf32, #tpu.memory_space<vmem_shared>> -> memref<10240x64xf32, #tpu.memory_space<vmem_shared>>
      tpu.enqueue_indirect_dma source(%arg10 : memref<80x64xf32, #tpu.memory_space<vmem>>) target(%dma_start3A_275 : memref<10240x64xf32, #tpu.memory_space<vmem_shared>>) offsets(%dma_start3A_272 : memref<80xi32, #tpu.memory_space<vmem>>) semaphore(%arg19 : memref<!tpu.dma_semaphore, #tpu.memory_space<semaphore_mem>>) {add = true}
    }
    %scan3A_58 = arith.constant 30 : i32
    %multiple_of3A_59 = arith.constant 9600 : i32
    %multiple_of3A_60 = tpu.assume_multiple %multiple_of3A_59, 8 : i32
    %dma_wait3A_61 = tpu.memref_slice %arg8[%multiple_of3A_60] : memref<10000xi32, #tpu.memory_space<vmem>> -> memref<80xi32, #tpu.memory_space<vmem>>
    %dma_wait3A_62 = arith.constant 0 : i32
    %dma_wait3A_63 = arith.constant 0 : i32
    %dma_wait3A_64 = tpu.memref_slice %arg13[%dma_wait3A_62, %dma_wait3A_63] : memref<10240x64xf32, #tpu.memory_space<vmem_shared>> -> memref<10240x64xf32, #tpu.memory_space<vmem_shared>>
    tpu.wait_indirect_dma semaphore(%arg18 : memref<!tpu.dma_semaphore, #tpu.memory_space<semaphore_mem>>) src(%arg9 : memref<80x64xf32, #tpu.memory_space<vmem>>) dst(%dma_wait3A_64 : memref<10240x64xf32, #tpu.memory_space<vmem_shared>>)
    %multiple_of3A_65 = arith.constant 9920 : i32
    %multiple_of3A_66 = tpu.assume_multiple %multiple_of3A_65, 8 : i32
    %dma_start3A_67 = tpu.memref_slice %arg7[%multiple_of3A_66] : memref<10000xi32, #tpu.memory_space<vmem>> -> memref<80xi32, #tpu.memory_space<vmem>>
    %dma_start3A_68 = arith.constant 0 : i32
    %dma_start3A_69 = arith.constant 0 : i32
    %dma_start3A_70 = tpu.memref_slice %arg4[%dma_start3A_68, %dma_start3A_69] : memref<10000x64xf32, #tpu.memory_space<hbm>> -> memref<10000x64xf32, #tpu.memory_space<hbm>>
    tpu.enqueue_indirect_dma source(%dma_start3A_70 : memref<10000x64xf32, #tpu.memory_space<hbm>>) target(%arg9 : memref<80x64xf32, #tpu.memory_space<vmem>>) offsets(%dma_start3A_67 : memref<80xi32, #tpu.memory_space<vmem>>) semaphore(%arg14 : memref<!tpu.dma_semaphore, #tpu.memory_space<semaphore_mem>>)
    %multiple_of3A_71 = arith.constant 9760 : i32
    %multiple_of3A_72 = tpu.assume_multiple %multiple_of3A_71, 8 : i32
    %dma_wait3A_73 = tpu.memref_slice %arg7[%multiple_of3A_72] : memref<10000xi32, #tpu.memory_space<vmem>> -> memref<80xi32, #tpu.memory_space<vmem>>
    %dma_wait3A_74 = arith.constant 0 : i32
    %dma_wait3A_75 = arith.constant 0 : i32
    %dma_wait3A_76 = tpu.memref_slice %arg4[%dma_wait3A_74, %dma_wait3A_75] : memref<10000x64xf32, #tpu.memory_space<hbm>> -> memref<10000x64xf32, #tpu.memory_space<hbm>>
    tpu.wait_indirect_dma semaphore(%arg16 : memref<!tpu.dma_semaphore, #tpu.memory_space<semaphore_mem>>) src(%dma_wait3A_76 : memref<10000x64xf32, #tpu.memory_space<hbm>>) dst(%arg11 : memref<80x64xf32, #tpu.memory_space<vmem>>)
    %multiple_of3A_77 = arith.constant 9760 : i32
    %multiple_of3A_78 = tpu.assume_multiple %multiple_of3A_77, 8 : i32
    %dma_start3A_79 = tpu.memref_slice %arg8[%multiple_of3A_78] : memref<10000xi32, #tpu.memory_space<vmem>> -> memref<80xi32, #tpu.memory_space<vmem>>
    %dma_start3A_80 = arith.constant 0 : i32
    %dma_start3A_81 = arith.constant 0 : i32
    %dma_start3A_82 = tpu.memref_slice %arg13[%dma_start3A_80, %dma_start3A_81] : memref<10240x64xf32, #tpu.memory_space<vmem_shared>> -> memref<10240x64xf32, #tpu.memory_space<vmem_shared>>
    tpu.enqueue_indirect_dma source(%arg11 : memref<80x64xf32, #tpu.memory_space<vmem>>) target(%dma_start3A_82 : memref<10240x64xf32, #tpu.memory_space<vmem_shared>>) offsets(%dma_start3A_79 : memref<80xi32, #tpu.memory_space<vmem>>) semaphore(%arg20 : memref<!tpu.dma_semaphore, #tpu.memory_space<semaphore_mem>>) {add = true}
    %multiple_of3A_83 = arith.constant 9840 : i32
    %multiple_of3A_84 = tpu.assume_multiple %multiple_of3A_83, 8 : i32
    %dma_wait3A_85 = tpu.memref_slice %arg7[%multiple_of3A_84] : memref<10000xi32, #tpu.memory_space<vmem>> -> memref<80xi32, #tpu.memory_space<vmem>>
    %dma_wait3A_86 = arith.constant 0 : i32
    %dma_wait3A_87 = arith.constant 0 : i32
    %dma_wait3A_88 = tpu.memref_slice %arg4[%dma_wait3A_86, %dma_wait3A_87] : memref<10000x64xf32, #tpu.memory_space<hbm>> -> memref<10000x64xf32, #tpu.memory_space<hbm>>
    tpu.wait_indirect_dma semaphore(%arg17 : memref<!tpu.dma_semaphore, #tpu.memory_space<semaphore_mem>>) src(%dma_wait3A_88 : memref<10000x64xf32, #tpu.memory_space<hbm>>) dst(%arg12 : memref<80x64xf32, #tpu.memory_space<vmem>>)
    %multiple_of3A_89 = arith.constant 9840 : i32
    %multiple_of3A_90 = tpu.assume_multiple %multiple_of3A_89, 8 : i32
    %dma_start3A_91 = tpu.memref_slice %arg8[%multiple_of3A_90] : memref<10000xi32, #tpu.memory_space<vmem>> -> memref<80xi32, #tpu.memory_space<vmem>>
    %dma_start3A_92 = arith.constant 0 : i32
    %dma_start3A_93 = arith.constant 0 : i32
    %dma_start3A_94 = tpu.memref_slice %arg13[%dma_start3A_92, %dma_start3A_93] : memref<10240x64xf32, #tpu.memory_space<vmem_shared>> -> memref<10240x64xf32, #tpu.memory_space<vmem_shared>>
    tpu.enqueue_indirect_dma source(%arg12 : memref<80x64xf32, #tpu.memory_space<vmem>>) target(%dma_start3A_94 : memref<10240x64xf32, #tpu.memory_space<vmem_shared>>) offsets(%dma_start3A_91 : memref<80xi32, #tpu.memory_space<vmem>>) semaphore(%arg21 : memref<!tpu.dma_semaphore, #tpu.memory_space<semaphore_mem>>) {add = true}
    %multiple_of3A_95 = arith.constant 9920 : i32
    %multiple_of3A_96 = tpu.assume_multiple %multiple_of3A_95, 8 : i32
    %dma_wait3A_97 = tpu.memref_slice %arg7[%multiple_of3A_96] : memref<10000xi32, #tpu.memory_space<vmem>> -> memref<80xi32, #tpu.memory_space<vmem>>
    %dma_wait3A_98 = arith.constant 0 : i32
    %dma_wait3A_99 = arith.constant 0 : i32
    %dma_wait3A_100 = tpu.memref_slice %arg4[%dma_wait3A_98, %dma_wait3A_99] : memref<10000x64xf32, #tpu.memory_space<hbm>> -> memref<10000x64xf32, #tpu.memory_space<hbm>>
    tpu.wait_indirect_dma semaphore(%arg14 : memref<!tpu.dma_semaphore, #tpu.memory_space<semaphore_mem>>) src(%dma_wait3A_100 : memref<10000x64xf32, #tpu.memory_space<hbm>>) dst(%arg9 : memref<80x64xf32, #tpu.memory_space<vmem>>)
    %multiple_of3A_101 = arith.constant 9920 : i32
    %multiple_of3A_102 = tpu.assume_multiple %multiple_of3A_101, 8 : i32
    %dma_start3A_103 = tpu.memref_slice %arg8[%multiple_of3A_102] : memref<10000xi32, #tpu.memory_space<vmem>> -> memref<80xi32, #tpu.memory_space<vmem>>
    %dma_start3A_104 = arith.constant 0 : i32
    %dma_start3A_105 = arith.constant 0 : i32
    %dma_start3A_106 = tpu.memref_slice %arg13[%dma_start3A_104, %dma_start3A_105] : memref<10240x64xf32, #tpu.memory_space<vmem_shared>> -> memref<10240x64xf32, #tpu.memory_space<vmem_shared>>
    tpu.enqueue_indirect_dma source(%arg9 : memref<80x64xf32, #tpu.memory_space<vmem>>) target(%dma_start3A_106 : memref<10240x64xf32, #tpu.memory_space<vmem_shared>>) offsets(%dma_start3A_103 : memref<80xi32, #tpu.memory_space<vmem>>) semaphore(%arg18 : memref<!tpu.dma_semaphore, #tpu.memory_space<semaphore_mem>>) {add = true}
    %multiple_of3A_107 = arith.constant 9680 : i32
    %multiple_of3A_108 = tpu.assume_multiple %multiple_of3A_107, 8 : i32
    %dma_wait3A_109 = tpu.memref_slice %arg8[%multiple_of3A_108] : memref<10000xi32, #tpu.memory_space<vmem>> -> memref<80xi32, #tpu.memory_space<vmem>>
    %dma_wait3A_110 = arith.constant 0 : i32
    %dma_wait3A_111 = arith.constant 0 : i32
    %dma_wait3A_112 = tpu.memref_slice %arg13[%dma_wait3A_110, %dma_wait3A_111] : memref<10240x64xf32, #tpu.memory_space<vmem_shared>> -> memref<10240x64xf32, #tpu.memory_space<vmem_shared>>
    tpu.wait_indirect_dma semaphore(%arg19 : memref<!tpu.dma_semaphore, #tpu.memory_space<semaphore_mem>>) src(%arg10 : memref<80x64xf32, #tpu.memory_space<vmem>>) dst(%dma_wait3A_112 : memref<10240x64xf32, #tpu.memory_space<vmem_shared>>)
    %multiple_of3A_113 = arith.constant 9760 : i32
    %multiple_of3A_114 = tpu.assume_multiple %multiple_of3A_113, 8 : i32
    %dma_wait3A_115 = tpu.memref_slice %arg8[%multiple_of3A_114] : memref<10000xi32, #tpu.memory_space<vmem>> -> memref<80xi32, #tpu.memory_space<vmem>>
    %dma_wait3A_116 = arith.constant 0 : i32
    %dma_wait3A_117 = arith.constant 0 : i32
    %dma_wait3A_118 = tpu.memref_slice %arg13[%dma_wait3A_116, %dma_wait3A_117] : memref<10240x64xf32, #tpu.memory_space<vmem_shared>> -> memref<10240x64xf32, #tpu.memory_space<vmem_shared>>
    tpu.wait_indirect_dma semaphore(%arg20 : memref<!tpu.dma_semaphore, #tpu.memory_space<semaphore_mem>>) src(%arg11 : memref<80x64xf32, #tpu.memory_space<vmem>>) dst(%dma_wait3A_118 : memref<10240x64xf32, #tpu.memory_space<vmem_shared>>)
    %multiple_of3A_119 = arith.constant 9840 : i32
    %multiple_of3A_120 = tpu.assume_multiple %multiple_of3A_119, 8 : i32
    %dma_wait3A_121 = tpu.memref_slice %arg8[%multiple_of3A_120] : memref<10000xi32, #tpu.memory_space<vmem>> -> memref<80xi32, #tpu.memory_space<vmem>>
    %dma_wait3A_122 = arith.constant 0 : i32
    %dma_wait3A_123 = arith.constant 0 : i32
    %dma_wait3A_124 = tpu.memref_slice %arg13[%dma_wait3A_122, %dma_wait3A_123] : memref<10240x64xf32, #tpu.memory_space<vmem_shared>> -> memref<10240x64xf32, #tpu.memory_space<vmem_shared>>
    tpu.wait_indirect_dma semaphore(%arg21 : memref<!tpu.dma_semaphore, #tpu.memory_space<semaphore_mem>>) src(%arg12 : memref<80x64xf32, #tpu.memory_space<vmem>>) dst(%dma_wait3A_124 : memref<10240x64xf32, #tpu.memory_space<vmem_shared>>)
    %multiple_of3A_125 = arith.constant 9920 : i32
    %multiple_of3A_126 = tpu.assume_multiple %multiple_of3A_125, 8 : i32
    %dma_wait3A_127 = tpu.memref_slice %arg8[%multiple_of3A_126] : memref<10000xi32, #tpu.memory_space<vmem>> -> memref<80xi32, #tpu.memory_space<vmem>>
    %dma_wait3A_128 = arith.constant 0 : i32
    %dma_wait3A_129 = arith.constant 0 : i32
    %dma_wait3A_130 = tpu.memref_slice %arg13[%dma_wait3A_128, %dma_wait3A_129] : memref<10240x64xf32, #tpu.memory_space<vmem_shared>> -> memref<10240x64xf32, #tpu.memory_space<vmem_shared>>
    tpu.wait_indirect_dma semaphore(%arg18 : memref<!tpu.dma_semaphore, #tpu.memory_space<semaphore_mem>>) src(%arg9 : memref<80x64xf32, #tpu.memory_space<vmem>>) dst(%dma_wait3A_130 : memref<10240x64xf32, #tpu.memory_space<vmem_shared>>)
    %barrier3A_131 = arith.constant 0 : index
    tpu.barrier barrier_id(%barrier3A_131)
    %mul3A_132 = arith.constant 640 : i32
    %mul3A_133 = arith.muli %arg1, %mul3A_132 : i32
    %mul3A_134 = arith.constant 640 : i32
    %mul3A_135 = arith.muli %arg1, %mul3A_134 : i32
    "tpu.region"() ({
      %run_scoped3A = tpu.sem_alloc : memref<!tpu.dma_semaphore, #tpu.memory_space<semaphore_mem>>
      %dma_start3A_136 = arith.constant 0 : i32
      %dma_start3A_137 = tpu.memref_slice %arg6[%arg0, %mul3A_135, %dma_start3A_136] : memref<2x10240x64xf32, #tpu.memory_space<hbm>> -> memref<1x640x64xf32, #tpu.memory_space<hbm>>
      %dma_start3A_138 = tpu.memref_squeeze %dma_start3A_137 : memref<1x640x64xf32, #tpu.memory_space<hbm>> -> memref<640x64xf32, #tpu.memory_space<hbm>>
      %dma_start3A_139 = arith.constant 0 : i32
      %dma_start3A_140 = tpu.memref_slice %arg13[%mul3A_133, %dma_start3A_139] : memref<10240x64xf32, #tpu.memory_space<vmem_shared>> -> memref<640x64xf32, #tpu.memory_space<vmem_shared>>
      tpu.enqueue_dma source(%dma_start3A_140 : memref<640x64xf32, #tpu.memory_space<vmem_shared>>) target(%dma_start3A_138 : memref<640x64xf32, #tpu.memory_space<hbm>>) target_semaphore(%run_scoped3A : memref<!tpu.dma_semaphore, #tpu.memory_space<semaphore_mem>>)
      %dma_wait3A_141 = arith.constant 0 : i32
      %dma_wait3A_142 = tpu.memref_slice %arg6[%arg0, %mul3A_135, %dma_wait3A_141] : memref<2x10240x64xf32, #tpu.memory_space<hbm>> -> memref<1x640x64xf32, #tpu.memory_space<hbm>>
      %dma_wait3A_143 = tpu.memref_squeeze %dma_wait3A_142 : memref<1x640x64xf32, #tpu.memory_space<hbm>> -> memref<640x64xf32, #tpu.memory_space<hbm>>
      %dma_wait3A_144 = arith.constant 0 : i32
      %dma_wait3A_145 = tpu.memref_slice %arg13[%mul3A_133, %dma_wait3A_144] : memref<10240x64xf32, #tpu.memory_space<vmem_shared>> -> memref<640x64xf32, #tpu.memory_space<vmem_shared>>
      tpu.wait_dma2 semaphore(%run_scoped3A : memref<!tpu.dma_semaphore, #tpu.memory_space<semaphore_mem>>) src(%dma_wait3A_145 : memref<640x64xf32, #tpu.memory_space<vmem_shared>>) dst(%dma_wait3A_143 : memref<640x64xf32, #tpu.memory_space<hbm>>)
      tpu.yield
    }) : () -> ()
    return
  }
}

#map = affine_map<(d0, d1) -> (0)>
#map1 = affine_map<(d0, d1) -> (0, 0)>
#map2 = affine_map<(d0, d1) -> (0, 0, 0, 0)>
module attributes {stable_mosaic.version = 14 : i64} {
  func.func @_deg_kernel(%arg0: i32, %arg1: i32, %arg2: memref<320000xi32, #tpu.memory_space<hbm>>, %arg3: memref<320000xi32, #tpu.memory_space<hbm>>, %arg4: memref<80x16xf32, #tpu.memory_space<hbm>>, %arg5: memref<10240x16xf32, #tpu.memory_space<hbm>>, %arg6: memref<2x2x10240x16xf32, #tpu.memory_space<hbm>>, %arg7: memref<10000xi32, #tpu.memory_space<vmem>>, %arg8: memref<10000xi32, #tpu.memory_space<vmem>>, %arg9: memref<80x16xf32, #tpu.memory_space<vmem>>, %arg10: memref<10240x16xf32, #tpu.memory_space<vmem_shared>>, %arg11: memref<10240x16xf32, #tpu.memory_space<vmem_shared>>, %arg12: memref<!tpu.dma_semaphore, #tpu.memory_space<semaphore_mem>>) attributes {dimension_semantics = [#tpu.dimension_semantics<core_parallel>, #tpu.dimension_semantics<subcore_parallel>], iteration_bounds = array<i64: 2, 16>, scalar_prefetch = 0 : i64, scratch_operands = 6 : i64, tpu.core_type = #tpu.core_type<sc_vector_subcore>, window_params = [{transform_indices = #map}, {transform_indices = #map}, {transform_indices = #map1}, {transform_indices = #map1}, {transform_indices = #map2}]} {
    %mul3A = arith.constant 2 : i32
    %mul3A_0 = arith.muli %arg1, %mul3A : i32
    %add3A = arith.addi %mul3A_0, %arg0 : i32
    %mul3A_1 = arith.constant 10000 : i32
    %mul3A_2 = arith.muli %add3A, %mul3A_1 : i32
    "tpu.region"() ({
      %run_scoped3A_47 = tpu.sem_alloc : memref<!tpu.dma_semaphore, #tpu.memory_space<semaphore_mem>>
      %dma_start3A = tpu.memref_slice %arg2[%mul3A_2] : memref<320000xi32, #tpu.memory_space<hbm>> -> memref<10000xi32, #tpu.memory_space<hbm>>
      %dma_start3A_48 = tpu.memref_slice %arg2[%mul3A_2] : memref<320000xi32, #tpu.memory_space<hbm>> -> memref<10000xi32, #tpu.memory_space<hbm>>
      tpu.enqueue_dma source(%dma_start3A_48 : memref<10000xi32, #tpu.memory_space<hbm>>) target(%arg7 : memref<10000xi32, #tpu.memory_space<vmem>>) target_semaphore(%run_scoped3A_47 : memref<!tpu.dma_semaphore, #tpu.memory_space<semaphore_mem>>)
      %dma_wait3A_49 = tpu.memref_slice %arg2[%mul3A_2] : memref<320000xi32, #tpu.memory_space<hbm>> -> memref<10000xi32, #tpu.memory_space<hbm>>
      %dma_wait3A_50 = tpu.memref_slice %arg2[%mul3A_2] : memref<320000xi32, #tpu.memory_space<hbm>> -> memref<10000xi32, #tpu.memory_space<hbm>>
      tpu.wait_dma2 semaphore(%run_scoped3A_47 : memref<!tpu.dma_semaphore, #tpu.memory_space<semaphore_mem>>) src(%dma_wait3A_50 : memref<10000xi32, #tpu.memory_space<hbm>>) dst(%arg7 : memref<10000xi32, #tpu.memory_space<vmem>>)
      tpu.yield
    }) : () -> ()
    %mul3A_3 = arith.constant 10000 : i32
    %mul3A_4 = arith.muli %add3A, %mul3A_3 : i32
    "tpu.region"() ({
      %run_scoped3A_47 = tpu.sem_alloc : memref<!tpu.dma_semaphore, #tpu.memory_space<semaphore_mem>>
      %dma_start3A = tpu.memref_slice %arg3[%mul3A_4] : memref<320000xi32, #tpu.memory_space<hbm>> -> memref<10000xi32, #tpu.memory_space<hbm>>
      %dma_start3A_48 = tpu.memref_slice %arg3[%mul3A_4] : memref<320000xi32, #tpu.memory_space<hbm>> -> memref<10000xi32, #tpu.memory_space<hbm>>
      tpu.enqueue_dma source(%dma_start3A_48 : memref<10000xi32, #tpu.memory_space<hbm>>) target(%arg8 : memref<10000xi32, #tpu.memory_space<vmem>>) target_semaphore(%run_scoped3A_47 : memref<!tpu.dma_semaphore, #tpu.memory_space<semaphore_mem>>)
      %dma_wait3A_49 = tpu.memref_slice %arg3[%mul3A_4] : memref<320000xi32, #tpu.memory_space<hbm>> -> memref<10000xi32, #tpu.memory_space<hbm>>
      %dma_wait3A_50 = tpu.memref_slice %arg3[%mul3A_4] : memref<320000xi32, #tpu.memory_space<hbm>> -> memref<10000xi32, #tpu.memory_space<hbm>>
      tpu.wait_dma2 semaphore(%run_scoped3A_47 : memref<!tpu.dma_semaphore, #tpu.memory_space<semaphore_mem>>) src(%dma_wait3A_50 : memref<10000xi32, #tpu.memory_space<hbm>>) dst(%arg8 : memref<10000xi32, #tpu.memory_space<vmem>>)
      tpu.yield
    }) : () -> ()
    "tpu.region"() ({
      %run_scoped3A_47 = tpu.sem_alloc : memref<!tpu.dma_semaphore, #tpu.memory_space<semaphore_mem>>
      tpu.enqueue_dma source(%arg4 : memref<80x16xf32, #tpu.memory_space<hbm>>) target(%arg9 : memref<80x16xf32, #tpu.memory_space<vmem>>) target_semaphore(%run_scoped3A_47 : memref<!tpu.dma_semaphore, #tpu.memory_space<semaphore_mem>>)
      tpu.wait_dma2 semaphore(%run_scoped3A_47 : memref<!tpu.dma_semaphore, #tpu.memory_space<semaphore_mem>>) src(%arg4 : memref<80x16xf32, #tpu.memory_space<hbm>>) dst(%arg9 : memref<80x16xf32, #tpu.memory_space<vmem>>)
      tpu.yield
    }) : () -> ()
    %mul3A_5 = arith.constant 640 : i32
    %mul3A_6 = arith.muli %arg1, %mul3A_5 : i32
    %mul3A_7 = arith.constant 640 : i32
    %mul3A_8 = arith.muli %arg1, %mul3A_7 : i32
    "tpu.region"() ({
      %run_scoped3A_47 = tpu.sem_alloc : memref<!tpu.dma_semaphore, #tpu.memory_space<semaphore_mem>>
      %dma_start3A = arith.constant 0 : i32
      %dma_start3A_48 = tpu.memref_slice %arg10[%mul3A_8, %dma_start3A] : memref<10240x16xf32, #tpu.memory_space<vmem_shared>> -> memref<640x16xf32, #tpu.memory_space<vmem_shared>>
      %dma_start3A_49 = arith.constant 0 : i32
      %dma_start3A_50 = tpu.memref_slice %arg5[%mul3A_6, %dma_start3A_49] : memref<10240x16xf32, #tpu.memory_space<hbm>> -> memref<640x16xf32, #tpu.memory_space<hbm>>
      tpu.enqueue_dma source(%dma_start3A_50 : memref<640x16xf32, #tpu.memory_space<hbm>>) target(%dma_start3A_48 : memref<640x16xf32, #tpu.memory_space<vmem_shared>>) target_semaphore(%run_scoped3A_47 : memref<!tpu.dma_semaphore, #tpu.memory_space<semaphore_mem>>)
      %dma_wait3A_51 = arith.constant 0 : i32
      %dma_wait3A_52 = tpu.memref_slice %arg10[%mul3A_8, %dma_wait3A_51] : memref<10240x16xf32, #tpu.memory_space<vmem_shared>> -> memref<640x16xf32, #tpu.memory_space<vmem_shared>>
      %dma_wait3A_53 = arith.constant 0 : i32
      %dma_wait3A_54 = tpu.memref_slice %arg5[%mul3A_6, %dma_wait3A_53] : memref<10240x16xf32, #tpu.memory_space<hbm>> -> memref<640x16xf32, #tpu.memory_space<hbm>>
      tpu.wait_dma2 semaphore(%run_scoped3A_47 : memref<!tpu.dma_semaphore, #tpu.memory_space<semaphore_mem>>) src(%dma_wait3A_54 : memref<640x16xf32, #tpu.memory_space<hbm>>) dst(%dma_wait3A_52 : memref<640x16xf32, #tpu.memory_space<vmem_shared>>)
      tpu.yield
    }) : () -> ()
    %mul3A_9 = arith.constant 640 : i32
    %mul3A_10 = arith.muli %arg1, %mul3A_9 : i32
    %mul3A_11 = arith.constant 640 : i32
    %mul3A_12 = arith.muli %arg1, %mul3A_11 : i32
    "tpu.region"() ({
      %run_scoped3A_47 = tpu.sem_alloc : memref<!tpu.dma_semaphore, #tpu.memory_space<semaphore_mem>>
      %dma_start3A = arith.constant 0 : i32
      %dma_start3A_48 = tpu.memref_slice %arg11[%mul3A_12, %dma_start3A] : memref<10240x16xf32, #tpu.memory_space<vmem_shared>> -> memref<640x16xf32, #tpu.memory_space<vmem_shared>>
      %dma_start3A_49 = arith.constant 0 : i32
      %dma_start3A_50 = tpu.memref_slice %arg5[%mul3A_10, %dma_start3A_49] : memref<10240x16xf32, #tpu.memory_space<hbm>> -> memref<640x16xf32, #tpu.memory_space<hbm>>
      tpu.enqueue_dma source(%dma_start3A_50 : memref<640x16xf32, #tpu.memory_space<hbm>>) target(%dma_start3A_48 : memref<640x16xf32, #tpu.memory_space<vmem_shared>>) target_semaphore(%run_scoped3A_47 : memref<!tpu.dma_semaphore, #tpu.memory_space<semaphore_mem>>)
      %dma_wait3A_51 = arith.constant 0 : i32
      %dma_wait3A_52 = tpu.memref_slice %arg11[%mul3A_12, %dma_wait3A_51] : memref<10240x16xf32, #tpu.memory_space<vmem_shared>> -> memref<640x16xf32, #tpu.memory_space<vmem_shared>>
      %dma_wait3A_53 = arith.constant 0 : i32
      %dma_wait3A_54 = tpu.memref_slice %arg5[%mul3A_10, %dma_wait3A_53] : memref<10240x16xf32, #tpu.memory_space<hbm>> -> memref<640x16xf32, #tpu.memory_space<hbm>>
      tpu.wait_dma2 semaphore(%run_scoped3A_47 : memref<!tpu.dma_semaphore, #tpu.memory_space<semaphore_mem>>) src(%dma_wait3A_54 : memref<640x16xf32, #tpu.memory_space<hbm>>) dst(%dma_wait3A_52 : memref<640x16xf32, #tpu.memory_space<vmem_shared>>)
      tpu.yield
    }) : () -> ()
    %barrier3A = arith.constant 0 : index
    tpu.barrier barrier_id(%barrier3A)
    %scan3A = arith.constant 0 : i32
    %scan3A_13 = arith.constant 0 : i32
    %scan3A_14 = arith.constant 125 : i32
    %scan3A_15 = arith.addi %scan3A_13, %scan3A_14 : i32
    %scan3A_16 = arith.constant 1 : i32
    scf.for %scan3A_47 = %scan3A_13 to %scan3A_15 step %scan3A_16  : i32 {
      %mul3A_48 = arith.constant 80 : i32
      %mul3A_49 = arith.muli %scan3A_47, %mul3A_48 : i32
      %multiple_of3A = tpu.assume_multiple %mul3A_49, 8 : i32
      %dma_start3A = tpu.memref_slice %arg7[%multiple_of3A] : memref<10000xi32, #tpu.memory_space<vmem>> -> memref<80xi32, #tpu.memory_space<vmem>>
      %dma_start3A_50 = arith.constant 0 : i32
      %dma_start3A_51 = arith.constant 0 : i32
      %dma_start3A_52 = tpu.memref_slice %arg10[%dma_start3A_50, %dma_start3A_51] : memref<10240x16xf32, #tpu.memory_space<vmem_shared>> -> memref<10240x16xf32, #tpu.memory_space<vmem_shared>>
      tpu.enqueue_indirect_dma source(%arg9 : memref<80x16xf32, #tpu.memory_space<vmem>>) target(%dma_start3A_52 : memref<10240x16xf32, #tpu.memory_space<vmem_shared>>) offsets(%dma_start3A : memref<80xi32, #tpu.memory_space<vmem>>) semaphore(%arg12 : memref<!tpu.dma_semaphore, #tpu.memory_space<semaphore_mem>>) {add = true}
      %dma_start3A_53 = tpu.memref_slice %arg8[%multiple_of3A] : memref<10000xi32, #tpu.memory_space<vmem>> -> memref<80xi32, #tpu.memory_space<vmem>>
      %dma_start3A_54 = arith.constant 0 : i32
      %dma_start3A_55 = arith.constant 0 : i32
      %dma_start3A_56 = tpu.memref_slice %arg11[%dma_start3A_54, %dma_start3A_55] : memref<10240x16xf32, #tpu.memory_space<vmem_shared>> -> memref<10240x16xf32, #tpu.memory_space<vmem_shared>>
      tpu.enqueue_indirect_dma source(%arg9 : memref<80x16xf32, #tpu.memory_space<vmem>>) target(%dma_start3A_56 : memref<10240x16xf32, #tpu.memory_space<vmem_shared>>) offsets(%dma_start3A_53 : memref<80xi32, #tpu.memory_space<vmem>>) semaphore(%arg12 : memref<!tpu.dma_semaphore, #tpu.memory_space<semaphore_mem>>) {add = true}
      %gt3A = arith.constant 1 : i32
      %gt3A_57 = arith.cmpi sgt, %scan3A_47, %gt3A : i32
      %convert_element_type3A = arith.extui %gt3A_57 : i1 to i32
      %cond3A = arith.constant 0 : i32
      %cond3A_58 = arith.cmpi ne, %convert_element_type3A, %cond3A : i32
      scf.if %cond3A_58 {
        %dma_wait3A_59 = tpu.memref_slice %arg7[%multiple_of3A] : memref<10000xi32, #tpu.memory_space<vmem>> -> memref<80xi32, #tpu.memory_space<vmem>>
        %dma_wait3A_60 = arith.constant 0 : i32
        %dma_wait3A_61 = arith.constant 0 : i32
        %dma_wait3A_62 = tpu.memref_slice %arg10[%dma_wait3A_60, %dma_wait3A_61] : memref<10240x16xf32, #tpu.memory_space<vmem_shared>> -> memref<10240x16xf32, #tpu.memory_space<vmem_shared>>
        tpu.wait_indirect_dma semaphore(%arg12 : memref<!tpu.dma_semaphore, #tpu.memory_space<semaphore_mem>>) src(%arg9 : memref<80x16xf32, #tpu.memory_space<vmem>>) dst(%dma_wait3A_62 : memref<10240x16xf32, #tpu.memory_space<vmem_shared>>)
        %dma_wait3A_63 = tpu.memref_slice %arg7[%multiple_of3A] : memref<10000xi32, #tpu.memory_space<vmem>> -> memref<80xi32, #tpu.memory_space<vmem>>
        %dma_wait3A_64 = arith.constant 0 : i32
        %dma_wait3A_65 = arith.constant 0 : i32
        %dma_wait3A_66 = tpu.memref_slice %arg10[%dma_wait3A_64, %dma_wait3A_65] : memref<10240x16xf32, #tpu.memory_space<vmem_shared>> -> memref<10240x16xf32, #tpu.memory_space<vmem_shared>>
        tpu.wait_indirect_dma semaphore(%arg12 : memref<!tpu.dma_semaphore, #tpu.memory_space<semaphore_mem>>) src(%arg9 : memref<80x16xf32, #tpu.memory_space<vmem>>) dst(%dma_wait3A_66 : memref<10240x16xf32, #tpu.memory_space<vmem_shared>>)
      } else {
      }
    }
    %scan3A_17 = arith.constant 125 : i32
    %dma_wait3A = arith.constant 0 : i32
    %dma_wait3A_18 = tpu.memref_slice %arg7[%dma_wait3A] : memref<10000xi32, #tpu.memory_space<vmem>> -> memref<80xi32, #tpu.memory_space<vmem>>
    %dma_wait3A_19 = arith.constant 0 : i32
    %dma_wait3A_20 = arith.constant 0 : i32
    %dma_wait3A_21 = tpu.memref_slice %arg10[%dma_wait3A_19, %dma_wait3A_20] : memref<10240x16xf32, #tpu.memory_space<vmem_shared>> -> memref<10240x16xf32, #tpu.memory_space<vmem_shared>>
    tpu.wait_indirect_dma semaphore(%arg12 : memref<!tpu.dma_semaphore, #tpu.memory_space<semaphore_mem>>) src(%arg9 : memref<80x16xf32, #tpu.memory_space<vmem>>) dst(%dma_wait3A_21 : memref<10240x16xf32, #tpu.memory_space<vmem_shared>>)
    %dma_wait3A_22 = arith.constant 0 : i32
    %dma_wait3A_23 = tpu.memref_slice %arg7[%dma_wait3A_22] : memref<10000xi32, #tpu.memory_space<vmem>> -> memref<80xi32, #tpu.memory_space<vmem>>
    %dma_wait3A_24 = arith.constant 0 : i32
    %dma_wait3A_25 = arith.constant 0 : i32
    %dma_wait3A_26 = tpu.memref_slice %arg10[%dma_wait3A_24, %dma_wait3A_25] : memref<10240x16xf32, #tpu.memory_space<vmem_shared>> -> memref<10240x16xf32, #tpu.memory_space<vmem_shared>>
    tpu.wait_indirect_dma semaphore(%arg12 : memref<!tpu.dma_semaphore, #tpu.memory_space<semaphore_mem>>) src(%arg9 : memref<80x16xf32, #tpu.memory_space<vmem>>) dst(%dma_wait3A_26 : memref<10240x16xf32, #tpu.memory_space<vmem_shared>>)
    %dma_wait3A_27 = arith.constant 0 : i32
    %dma_wait3A_28 = tpu.memref_slice %arg7[%dma_wait3A_27] : memref<10000xi32, #tpu.memory_space<vmem>> -> memref<80xi32, #tpu.memory_space<vmem>>
    %dma_wait3A_29 = arith.constant 0 : i32
    %dma_wait3A_30 = arith.constant 0 : i32
    %dma_wait3A_31 = tpu.memref_slice %arg10[%dma_wait3A_29, %dma_wait3A_30] : memref<10240x16xf32, #tpu.memory_space<vmem_shared>> -> memref<10240x16xf32, #tpu.memory_space<vmem_shared>>
    tpu.wait_indirect_dma semaphore(%arg12 : memref<!tpu.dma_semaphore, #tpu.memory_space<semaphore_mem>>) src(%arg9 : memref<80x16xf32, #tpu.memory_space<vmem>>) dst(%dma_wait3A_31 : memref<10240x16xf32, #tpu.memory_space<vmem_shared>>)
    %dma_wait3A_32 = arith.constant 0 : i32
    %dma_wait3A_33 = tpu.memref_slice %arg7[%dma_wait3A_32] : memref<10000xi32, #tpu.memory_space<vmem>> -> memref<80xi32, #tpu.memory_space<vmem>>
    %dma_wait3A_34 = arith.constant 0 : i32
    %dma_wait3A_35 = arith.constant 0 : i32
    %dma_wait3A_36 = tpu.memref_slice %arg10[%dma_wait3A_34, %dma_wait3A_35] : memref<10240x16xf32, #tpu.memory_space<vmem_shared>> -> memref<10240x16xf32, #tpu.memory_space<vmem_shared>>
    tpu.wait_indirect_dma semaphore(%arg12 : memref<!tpu.dma_semaphore, #tpu.memory_space<semaphore_mem>>) src(%arg9 : memref<80x16xf32, #tpu.memory_space<vmem>>) dst(%dma_wait3A_36 : memref<10240x16xf32, #tpu.memory_space<vmem_shared>>)
    %barrier3A_37 = arith.constant 0 : index
    tpu.barrier barrier_id(%barrier3A_37)
    %mul3A_38 = arith.constant 640 : i32
    %mul3A_39 = arith.muli %arg1, %mul3A_38 : i32
    %mul3A_40 = arith.constant 640 : i32
    %mul3A_41 = arith.muli %arg1, %mul3A_40 : i32
    %run_scoped3A = arith.constant 0 : i32
    "tpu.region"() ({
      %run_scoped3A_47 = tpu.sem_alloc : memref<!tpu.dma_semaphore, #tpu.memory_space<semaphore_mem>>
      %dma_start3A = arith.constant 0 : i32
      %dma_start3A_48 = tpu.memref_slice %arg6[%arg0, %run_scoped3A, %mul3A_41, %dma_start3A] : memref<2x2x10240x16xf32, #tpu.memory_space<hbm>> -> memref<1x1x640x16xf32, #tpu.memory_space<hbm>>
      %dma_start3A_49 = tpu.memref_squeeze %dma_start3A_48 : memref<1x1x640x16xf32, #tpu.memory_space<hbm>> -> memref<640x16xf32, #tpu.memory_space<hbm>>
      %dma_start3A_50 = arith.constant 0 : i32
      %dma_start3A_51 = tpu.memref_slice %arg10[%mul3A_39, %dma_start3A_50] : memref<10240x16xf32, #tpu.memory_space<vmem_shared>> -> memref<640x16xf32, #tpu.memory_space<vmem_shared>>
      tpu.enqueue_dma source(%dma_start3A_51 : memref<640x16xf32, #tpu.memory_space<vmem_shared>>) target(%dma_start3A_49 : memref<640x16xf32, #tpu.memory_space<hbm>>) target_semaphore(%run_scoped3A_47 : memref<!tpu.dma_semaphore, #tpu.memory_space<semaphore_mem>>)
      %dma_wait3A_52 = arith.constant 0 : i32
      %dma_wait3A_53 = tpu.memref_slice %arg6[%arg0, %run_scoped3A, %mul3A_41, %dma_wait3A_52] : memref<2x2x10240x16xf32, #tpu.memory_space<hbm>> -> memref<1x1x640x16xf32, #tpu.memory_space<hbm>>
      %dma_wait3A_54 = tpu.memref_squeeze %dma_wait3A_53 : memref<1x1x640x16xf32, #tpu.memory_space<hbm>> -> memref<640x16xf32, #tpu.memory_space<hbm>>
      %dma_wait3A_55 = arith.constant 0 : i32
      %dma_wait3A_56 = tpu.memref_slice %arg10[%mul3A_39, %dma_wait3A_55] : memref<10240x16xf32, #tpu.memory_space<vmem_shared>> -> memref<640x16xf32, #tpu.memory_space<vmem_shared>>
      tpu.wait_dma2 semaphore(%run_scoped3A_47 : memref<!tpu.dma_semaphore, #tpu.memory_space<semaphore_mem>>) src(%dma_wait3A_56 : memref<640x16xf32, #tpu.memory_space<vmem_shared>>) dst(%dma_wait3A_54 : memref<640x16xf32, #tpu.memory_space<hbm>>)
      tpu.yield
    }) : () -> ()
    %mul3A_42 = arith.constant 640 : i32
    %mul3A_43 = arith.muli %arg1, %mul3A_42 : i32
    %mul3A_44 = arith.constant 640 : i32
    %mul3A_45 = arith.muli %arg1, %mul3A_44 : i32
    %run_scoped3A_46 = arith.constant 1 : i32
    "tpu.region"() ({
      %run_scoped3A_47 = tpu.sem_alloc : memref<!tpu.dma_semaphore, #tpu.memory_space<semaphore_mem>>
      %dma_start3A = arith.constant 0 : i32
      %dma_start3A_48 = tpu.memref_slice %arg6[%arg0, %run_scoped3A_46, %mul3A_45, %dma_start3A] : memref<2x2x10240x16xf32, #tpu.memory_space<hbm>> -> memref<1x1x640x16xf32, #tpu.memory_space<hbm>>
      %dma_start3A_49 = tpu.memref_squeeze %dma_start3A_48 : memref<1x1x640x16xf32, #tpu.memory_space<hbm>> -> memref<640x16xf32, #tpu.memory_space<hbm>>
      %dma_start3A_50 = arith.constant 0 : i32
      %dma_start3A_51 = tpu.memref_slice %arg11[%mul3A_43, %dma_start3A_50] : memref<10240x16xf32, #tpu.memory_space<vmem_shared>> -> memref<640x16xf32, #tpu.memory_space<vmem_shared>>
      tpu.enqueue_dma source(%dma_start3A_51 : memref<640x16xf32, #tpu.memory_space<vmem_shared>>) target(%dma_start3A_49 : memref<640x16xf32, #tpu.memory_space<hbm>>) target_semaphore(%run_scoped3A_47 : memref<!tpu.dma_semaphore, #tpu.memory_space<semaphore_mem>>)
      %dma_wait3A_52 = arith.constant 0 : i32
      %dma_wait3A_53 = tpu.memref_slice %arg6[%arg0, %run_scoped3A_46, %mul3A_45, %dma_wait3A_52] : memref<2x2x10240x16xf32, #tpu.memory_space<hbm>> -> memref<1x1x640x16xf32, #tpu.memory_space<hbm>>
      %dma_wait3A_54 = tpu.memref_squeeze %dma_wait3A_53 : memref<1x1x640x16xf32, #tpu.memory_space<hbm>> -> memref<640x16xf32, #tpu.memory_space<hbm>>
      %dma_wait3A_55 = arith.constant 0 : i32
      %dma_wait3A_56 = tpu.memref_slice %arg11[%mul3A_43, %dma_wait3A_55] : memref<10240x16xf32, #tpu.memory_space<vmem_shared>> -> memref<640x16xf32, #tpu.memory_space<vmem_shared>>
      tpu.wait_dma2 semaphore(%run_scoped3A_47 : memref<!tpu.dma_semaphore, #tpu.memory_space<semaphore_mem>>) src(%dma_wait3A_56 : memref<640x16xf32, #tpu.memory_space<vmem_shared>>) dst(%dma_wait3A_54 : memref<640x16xf32, #tpu.memory_space<hbm>>)
      tpu.yield
    }) : () -> ()
    return
  }
}

#map = affine_map<(d0, d1) -> (0)>
#map1 = affine_map<(d0, d1) -> (0, 0)>
#map2 = affine_map<(d0, d1) -> (0, 0, 0)>
module attributes {stable_mosaic.version = 14 : i64} {
  func.func @_agg_kernel(%arg0: i32, %arg1: i32, %arg2: memref<320000xi32, #tpu.memory_space<hbm>>, %arg3: memref<320000xi32, #tpu.memory_space<hbm>>, %arg4: memref<10000x64xf32, #tpu.memory_space<hbm>>, %arg5: memref<10240x64xf32, #tpu.memory_space<hbm>>, %arg6: memref<2x10240x64xf32, #tpu.memory_space<hbm>>, %arg7: memref<10000xi32, #tpu.memory_space<vmem>>, %arg8: memref<10000xi32, #tpu.memory_space<vmem>>, %arg9: memref<80x64xf32, #tpu.memory_space<vmem>>, %arg10: memref<80x64xf32, #tpu.memory_space<vmem>>, %arg11: memref<80x64xf32, #tpu.memory_space<vmem>>, %arg12: memref<80x64xf32, #tpu.memory_space<vmem>>, %arg13: memref<10240x64xf32, #tpu.memory_space<vmem_shared>>, %arg14: memref<!tpu.dma_semaphore, #tpu.memory_space<semaphore_mem>>, %arg15: memref<!tpu.dma_semaphore, #tpu.memory_space<semaphore_mem>>, %arg16: memref<!tpu.dma_semaphore, #tpu.memory_space<semaphore_mem>>, %arg17: memref<!tpu.dma_semaphore, #tpu.memory_space<semaphore_mem>>, %arg18: memref<!tpu.dma_semaphore, #tpu.memory_space<semaphore_mem>>, %arg19: memref<!tpu.dma_semaphore, #tpu.memory_space<semaphore_mem>>, %arg20: memref<!tpu.dma_semaphore, #tpu.memory_space<semaphore_mem>>, %arg21: memref<!tpu.dma_semaphore, #tpu.memory_space<semaphore_mem>>) attributes {dimension_semantics = [#tpu.dimension_semantics<core_parallel>, #tpu.dimension_semantics<subcore_parallel>], iteration_bounds = array<i64: 2, 16>, scalar_prefetch = 0 : i64, scratch_operands = 15 : i64, tpu.core_type = #tpu.core_type<sc_vector_subcore>, window_params = [{transform_indices = #map}, {transform_indices = #map}, {transform_indices = #map1}, {transform_indices = #map1}, {transform_indices = #map2}]} {
    %mul3A = arith.constant 2 : i32
    %mul3A_0 = arith.muli %arg1, %mul3A : i32
    %add3A = arith.addi %mul3A_0, %arg0 : i32
    %mul3A_1 = arith.constant 10000 : i32
    %mul3A_2 = arith.muli %add3A, %mul3A_1 : i32
    "tpu.region"() ({
      %run_scoped3A = tpu.sem_alloc : memref<!tpu.dma_semaphore, #tpu.memory_space<semaphore_mem>>
      %dma_start3A_136 = tpu.memref_slice %arg2[%mul3A_2] : memref<320000xi32, #tpu.memory_space<hbm>> -> memref<10000xi32, #tpu.memory_space<hbm>>
      %dma_start3A_137 = tpu.memref_slice %arg2[%mul3A_2] : memref<320000xi32, #tpu.memory_space<hbm>> -> memref<10000xi32, #tpu.memory_space<hbm>>
      tpu.enqueue_dma source(%dma_start3A_137 : memref<10000xi32, #tpu.memory_space<hbm>>) target(%arg7 : memref<10000xi32, #tpu.memory_space<vmem>>) target_semaphore(%run_scoped3A : memref<!tpu.dma_semaphore, #tpu.memory_space<semaphore_mem>>)
      %dma_wait3A_138 = tpu.memref_slice %arg2[%mul3A_2] : memref<320000xi32, #tpu.memory_space<hbm>> -> memref<10000xi32, #tpu.memory_space<hbm>>
      %dma_wait3A_139 = tpu.memref_slice %arg2[%mul3A_2] : memref<320000xi32, #tpu.memory_space<hbm>> -> memref<10000xi32, #tpu.memory_space<hbm>>
      tpu.wait_dma2 semaphore(%run_scoped3A : memref<!tpu.dma_semaphore, #tpu.memory_space<semaphore_mem>>) src(%dma_wait3A_139 : memref<10000xi32, #tpu.memory_space<hbm>>) dst(%arg7 : memref<10000xi32, #tpu.memory_space<vmem>>)
      tpu.yield
    }) : () -> ()
    %mul3A_3 = arith.constant 10000 : i32
    %mul3A_4 = arith.muli %add3A, %mul3A_3 : i32
    "tpu.region"() ({
      %run_scoped3A = tpu.sem_alloc : memref<!tpu.dma_semaphore, #tpu.memory_space<semaphore_mem>>
      %dma_start3A_136 = tpu.memref_slice %arg3[%mul3A_4] : memref<320000xi32, #tpu.memory_space<hbm>> -> memref<10000xi32, #tpu.memory_space<hbm>>
      %dma_start3A_137 = tpu.memref_slice %arg3[%mul3A_4] : memref<320000xi32, #tpu.memory_space<hbm>> -> memref<10000xi32, #tpu.memory_space<hbm>>
      tpu.enqueue_dma source(%dma_start3A_137 : memref<10000xi32, #tpu.memory_space<hbm>>) target(%arg8 : memref<10000xi32, #tpu.memory_space<vmem>>) target_semaphore(%run_scoped3A : memref<!tpu.dma_semaphore, #tpu.memory_space<semaphore_mem>>)
      %dma_wait3A_138 = tpu.memref_slice %arg3[%mul3A_4] : memref<320000xi32, #tpu.memory_space<hbm>> -> memref<10000xi32, #tpu.memory_space<hbm>>
      %dma_wait3A_139 = tpu.memref_slice %arg3[%mul3A_4] : memref<320000xi32, #tpu.memory_space<hbm>> -> memref<10000xi32, #tpu.memory_space<hbm>>
      tpu.wait_dma2 semaphore(%run_scoped3A : memref<!tpu.dma_semaphore, #tpu.memory_space<semaphore_mem>>) src(%dma_wait3A_139 : memref<10000xi32, #tpu.memory_space<hbm>>) dst(%arg8 : memref<10000xi32, #tpu.memory_space<vmem>>)
      tpu.yield
    }) : () -> ()
    %mul3A_5 = arith.constant 640 : i32
    %mul3A_6 = arith.muli %arg1, %mul3A_5 : i32
    %mul3A_7 = arith.constant 640 : i32
    %mul3A_8 = arith.muli %arg1, %mul3A_7 : i32
    "tpu.region"() ({
      %run_scoped3A = tpu.sem_alloc : memref<!tpu.dma_semaphore, #tpu.memory_space<semaphore_mem>>
      %dma_start3A_136 = arith.constant 0 : i32
      %dma_start3A_137 = tpu.memref_slice %arg13[%mul3A_8, %dma_start3A_136] : memref<10240x64xf32, #tpu.memory_space<vmem_shared>> -> memref<640x64xf32, #tpu.memory_space<vmem_shared>>
      %dma_start3A_138 = arith.constant 0 : i32
      %dma_start3A_139 = tpu.memref_slice %arg5[%mul3A_6, %dma_start3A_138] : memref<10240x64xf32, #tpu.memory_space<hbm>> -> memref<640x64xf32, #tpu.memory_space<hbm>>
      tpu.enqueue_dma source(%dma_start3A_139 : memref<640x64xf32, #tpu.memory_space<hbm>>) target(%dma_start3A_137 : memref<640x64xf32, #tpu.memory_space<vmem_shared>>) target_semaphore(%run_scoped3A : memref<!tpu.dma_semaphore, #tpu.memory_space<semaphore_mem>>)
      %dma_wait3A_140 = arith.constant 0 : i32
      %dma_wait3A_141 = tpu.memref_slice %arg13[%mul3A_8, %dma_wait3A_140] : memref<10240x64xf32, #tpu.memory_space<vmem_shared>> -> memref<640x64xf32, #tpu.memory_space<vmem_shared>>
      %dma_wait3A_142 = arith.constant 0 : i32
      %dma_wait3A_143 = tpu.memref_slice %arg5[%mul3A_6, %dma_wait3A_142] : memref<10240x64xf32, #tpu.memory_space<hbm>> -> memref<640x64xf32, #tpu.memory_space<hbm>>
      tpu.wait_dma2 semaphore(%run_scoped3A : memref<!tpu.dma_semaphore, #tpu.memory_space<semaphore_mem>>) src(%dma_wait3A_143 : memref<640x64xf32, #tpu.memory_space<hbm>>) dst(%dma_wait3A_141 : memref<640x64xf32, #tpu.memory_space<vmem_shared>>)
      tpu.yield
    }) : () -> ()
    %barrier3A = arith.constant 0 : index
    tpu.barrier barrier_id(%barrier3A)
    %multiple_of3A = arith.constant 0 : i32
    %multiple_of3A_9 = tpu.assume_multiple %multiple_of3A, 8 : i32
    %dma_start3A = tpu.memref_slice %arg7[%multiple_of3A_9] : memref<10000xi32, #tpu.memory_space<vmem>> -> memref<80xi32, #tpu.memory_space<vmem>>
    %dma_start3A_10 = arith.constant 0 : i32
    %dma_start3A_11 = arith.constant 0 : i32
    %dma_start3A_12 = tpu.memref_slice %arg4[%dma_start3A_10, %dma_start3A_11] : memref<10000x64xf32, #tpu.memory_space<hbm>> -> memref<10000x64xf32, #tpu.memory_space<hbm>>
    tpu.enqueue_indirect_dma source(%dma_start3A_12 : memref<10000x64xf32, #tpu.memory_space<hbm>>) target(%arg9 : memref<80x64xf32, #tpu.memory_space<vmem>>) offsets(%dma_start3A : memref<80xi32, #tpu.memory_space<vmem>>) semaphore(%arg14 : memref<!tpu.dma_semaphore, #tpu.memory_space<semaphore_mem>>)
    %multiple_of3A_13 = arith.constant 80 : i32
    %multiple_of3A_14 = tpu.assume_multiple %multiple_of3A_13, 8 : i32
    %dma_start3A_15 = tpu.memref_slice %arg7[%multiple_of3A_14] : memref<10000xi32, #tpu.memory_space<vmem>> -> memref<80xi32, #tpu.memory_space<vmem>>
    %dma_start3A_16 = arith.constant 0 : i32
    %dma_start3A_17 = arith.constant 0 : i32
    %dma_start3A_18 = tpu.memref_slice %arg4[%dma_start3A_16, %dma_start3A_17] : memref<10000x64xf32, #tpu.memory_space<hbm>> -> memref<10000x64xf32, #tpu.memory_space<hbm>>
    tpu.enqueue_indirect_dma source(%dma_start3A_18 : memref<10000x64xf32, #tpu.memory_space<hbm>>) target(%arg10 : memref<80x64xf32, #tpu.memory_space<vmem>>) offsets(%dma_start3A_15 : memref<80xi32, #tpu.memory_space<vmem>>) semaphore(%arg15 : memref<!tpu.dma_semaphore, #tpu.memory_space<semaphore_mem>>)
    %multiple_of3A_19 = arith.constant 160 : i32
    %multiple_of3A_20 = tpu.assume_multiple %multiple_of3A_19, 8 : i32
    %dma_start3A_21 = tpu.memref_slice %arg7[%multiple_of3A_20] : memref<10000xi32, #tpu.memory_space<vmem>> -> memref<80xi32, #tpu.memory_space<vmem>>
    %dma_start3A_22 = arith.constant 0 : i32
    %dma_start3A_23 = arith.constant 0 : i32
    %dma_start3A_24 = tpu.memref_slice %arg4[%dma_start3A_22, %dma_start3A_23] : memref<10000x64xf32, #tpu.memory_space<hbm>> -> memref<10000x64xf32, #tpu.memory_space<hbm>>
    tpu.enqueue_indirect_dma source(%dma_start3A_24 : memref<10000x64xf32, #tpu.memory_space<hbm>>) target(%arg11 : memref<80x64xf32, #tpu.memory_space<vmem>>) offsets(%dma_start3A_21 : memref<80xi32, #tpu.memory_space<vmem>>) semaphore(%arg16 : memref<!tpu.dma_semaphore, #tpu.memory_space<semaphore_mem>>)
    %multiple_of3A_25 = arith.constant 0 : i32
    %multiple_of3A_26 = tpu.assume_multiple %multiple_of3A_25, 8 : i32
    %dma_wait3A = tpu.memref_slice %arg7[%multiple_of3A_26] : memref<10000xi32, #tpu.memory_space<vmem>> -> memref<80xi32, #tpu.memory_space<vmem>>
    %dma_wait3A_27 = arith.constant 0 : i32
    %dma_wait3A_28 = arith.constant 0 : i32
    %dma_wait3A_29 = tpu.memref_slice %arg4[%dma_wait3A_27, %dma_wait3A_28] : memref<10000x64xf32, #tpu.memory_space<hbm>> -> memref<10000x64xf32, #tpu.memory_space<hbm>>
    tpu.wait_indirect_dma semaphore(%arg14 : memref<!tpu.dma_semaphore, #tpu.memory_space<semaphore_mem>>) src(%dma_wait3A_29 : memref<10000x64xf32, #tpu.memory_space<hbm>>) dst(%arg9 : memref<80x64xf32, #tpu.memory_space<vmem>>)
    %multiple_of3A_30 = arith.constant 0 : i32
    %multiple_of3A_31 = tpu.assume_multiple %multiple_of3A_30, 8 : i32
    %dma_start3A_32 = tpu.memref_slice %arg8[%multiple_of3A_31] : memref<10000xi32, #tpu.memory_space<vmem>> -> memref<80xi32, #tpu.memory_space<vmem>>
    %dma_start3A_33 = arith.constant 0 : i32
    %dma_start3A_34 = arith.constant 0 : i32
    %dma_start3A_35 = tpu.memref_slice %arg13[%dma_start3A_33, %dma_start3A_34] : memref<10240x64xf32, #tpu.memory_space<vmem_shared>> -> memref<10240x64xf32, #tpu.memory_space<vmem_shared>>
    tpu.enqueue_indirect_dma source(%arg9 : memref<80x64xf32, #tpu.memory_space<vmem>>) target(%dma_start3A_35 : memref<10240x64xf32, #tpu.memory_space<vmem_shared>>) offsets(%dma_start3A_32 : memref<80xi32, #tpu.memory_space<vmem>>) semaphore(%arg18 : memref<!tpu.dma_semaphore, #tpu.memory_space<semaphore_mem>>) {add = true}
    %multiple_of3A_36 = arith.constant 240 : i32
    %multiple_of3A_37 = tpu.assume_multiple %multiple_of3A_36, 8 : i32
    %dma_start3A_38 = tpu.memref_slice %arg7[%multiple_of3A_37] : memref<10000xi32, #tpu.memory_space<vmem>> -> memref<80xi32, #tpu.memory_space<vmem>>
    %dma_start3A_39 = arith.constant 0 : i32
    %dma_start3A_40 = arith.constant 0 : i32
    %dma_start3A_41 = tpu.memref_slice %arg4[%dma_start3A_39, %dma_start3A_40] : memref<10000x64xf32, #tpu.memory_space<hbm>> -> memref<10000x64xf32, #tpu.memory_space<hbm>>
    tpu.enqueue_indirect_dma source(%dma_start3A_41 : memref<10000x64xf32, #tpu.memory_space<hbm>>) target(%arg12 : memref<80x64xf32, #tpu.memory_space<vmem>>) offsets(%dma_start3A_38 : memref<80xi32, #tpu.memory_space<vmem>>) semaphore(%arg17 : memref<!tpu.dma_semaphore, #tpu.memory_space<semaphore_mem>>)
    %multiple_of3A_42 = arith.constant 80 : i32
    %multiple_of3A_43 = tpu.assume_multiple %multiple_of3A_42, 8 : i32
    %dma_wait3A_44 = tpu.memref_slice %arg7[%multiple_of3A_43] : memref<10000xi32, #tpu.memory_space<vmem>> -> memref<80xi32, #tpu.memory_space<vmem>>
    %dma_wait3A_45 = arith.constant 0 : i32
    %dma_wait3A_46 = arith.constant 0 : i32
    %dma_wait3A_47 = tpu.memref_slice %arg4[%dma_wait3A_45, %dma_wait3A_46] : memref<10000x64xf32, #tpu.memory_space<hbm>> -> memref<10000x64xf32, #tpu.memory_space<hbm>>
    tpu.wait_indirect_dma semaphore(%arg15 : memref<!tpu.dma_semaphore, #tpu.memory_space<semaphore_mem>>) src(%dma_wait3A_47 : memref<10000x64xf32, #tpu.memory_space<hbm>>) dst(%arg10 : memref<80x64xf32, #tpu.memory_space<vmem>>)
    %multiple_of3A_48 = arith.constant 80 : i32
    %multiple_of3A_49 = tpu.assume_multiple %multiple_of3A_48, 8 : i32
    %dma_start3A_50 = tpu.memref_slice %arg8[%multiple_of3A_49] : memref<10000xi32, #tpu.memory_space<vmem>> -> memref<80xi32, #tpu.memory_space<vmem>>
    %dma_start3A_51 = arith.constant 0 : i32
    %dma_start3A_52 = arith.constant 0 : i32
    %dma_start3A_53 = tpu.memref_slice %arg13[%dma_start3A_51, %dma_start3A_52] : memref<10240x64xf32, #tpu.memory_space<vmem_shared>> -> memref<10240x64xf32, #tpu.memory_space<vmem_shared>>
    tpu.enqueue_indirect_dma source(%arg10 : memref<80x64xf32, #tpu.memory_space<vmem>>) target(%dma_start3A_53 : memref<10240x64xf32, #tpu.memory_space<vmem_shared>>) offsets(%dma_start3A_50 : memref<80xi32, #tpu.memory_space<vmem>>) semaphore(%arg19 : memref<!tpu.dma_semaphore, #tpu.memory_space<semaphore_mem>>) {add = true}
    %scan3A = arith.constant 0 : i32
    %scan3A_54 = arith.constant 0 : i32
    %scan3A_55 = arith.constant 30 : i32
    %scan3A_56 = arith.addi %scan3A_54, %scan3A_55 : i32
    %scan3A_57 = arith.constant 1 : i32
    scf.for %scan3A_136 = %scan3A_54 to %scan3A_56 step %scan3A_57  : i32 {
      %mul3A_137 = arith.constant 4 : i32
      %mul3A_138 = arith.muli %scan3A_136, %mul3A_137 : i32
      %add3A_139 = arith.constant 2 : i32
      %add3A_140 = arith.addi %add3A_139, %mul3A_138 : i32
      %add3A_141 = arith.constant 0 : i32
      %add3A_142 = arith.addi %add3A_140, %add3A_141 : i32
      %sub3A = arith.constant 2 : i32
      %sub3A_143 = arith.subi %add3A_142, %sub3A : i32
      %mul3A_144 = arith.constant 80 : i32
      %mul3A_145 = arith.muli %sub3A_143, %mul3A_144 : i32
      %multiple_of3A_146 = tpu.assume_multiple %mul3A_145, 8 : i32
      %dma_wait3A_147 = tpu.memref_slice %arg8[%multiple_of3A_146] : memref<10000xi32, #tpu.memory_space<vmem>> -> memref<80xi32, #tpu.memory_space<vmem>>
      %dma_wait3A_148 = arith.constant 0 : i32
      %dma_wait3A_149 = arith.constant 0 : i32
      %dma_wait3A_150 = tpu.memref_slice %arg13[%dma_wait3A_148, %dma_wait3A_149] : memref<10240x64xf32, #tpu.memory_space<vmem_shared>> -> memref<10240x64xf32, #tpu.memory_space<vmem_shared>>
      tpu.wait_indirect_dma semaphore(%arg18 : memref<!tpu.dma_semaphore, #tpu.memory_space<semaphore_mem>>) src(%arg9 : memref<80x64xf32, #tpu.memory_space<vmem>>) dst(%dma_wait3A_150 : memref<10240x64xf32, #tpu.memory_space<vmem_shared>>)
      %add3A_151 = arith.constant 2 : i32
      %add3A_152 = arith.addi %add3A_142, %add3A_151 : i32
      %mul3A_153 = arith.constant 80 : i32
      %mul3A_154 = arith.muli %add3A_152, %mul3A_153 : i32
      %multiple_of3A_155 = tpu.assume_multiple %mul3A_154, 8 : i32
      %dma_start3A_156 = tpu.memref_slice %arg7[%multiple_of3A_155] : memref<10000xi32, #tpu.memory_space<vmem>> -> memref<80xi32, #tpu.memory_space<vmem>>
      %dma_start3A_157 = arith.constant 0 : i32
      %dma_start3A_158 = arith.constant 0 : i32
      %dma_start3A_159 = tpu.memref_slice %arg4[%dma_start3A_157, %dma_start3A_158] : memref<10000x64xf32, #tpu.memory_space<hbm>> -> memref<10000x64xf32, #tpu.memory_space<hbm>>
      tpu.enqueue_indirect_dma source(%dma_start3A_159 : memref<10000x64xf32, #tpu.memory_space<hbm>>) target(%arg9 : memref<80x64xf32, #tpu.memory_space<vmem>>) offsets(%dma_start3A_156 : memref<80xi32, #tpu.memory_space<vmem>>) semaphore(%arg14 : memref<!tpu.dma_semaphore, #tpu.memory_space<semaphore_mem>>)
      %mul3A_160 = arith.constant 80 : i32
      %mul3A_161 = arith.muli %add3A_142, %mul3A_160 : i32
      %multiple_of3A_162 = tpu.assume_multiple %mul3A_161, 8 : i32
      %dma_wait3A_163 = tpu.memref_slice %arg7[%multiple_of3A_162] : memref<10000xi32, #tpu.memory_space<vmem>> -> memref<80xi32, #tpu.memory_space<vmem>>
      %dma_wait3A_164 = arith.constant 0 : i32
      %dma_wait3A_165 = arith.constant 0 : i32
      %dma_wait3A_166 = tpu.memref_slice %arg4[%dma_wait3A_164, %dma_wait3A_165] : memref<10000x64xf32, #tpu.memory_space<hbm>> -> memref<10000x64xf32, #tpu.memory_space<hbm>>
      tpu.wait_indirect_dma semaphore(%arg16 : memref<!tpu.dma_semaphore, #tpu.memory_space<semaphore_mem>>) src(%dma_wait3A_166 : memref<10000x64xf32, #tpu.memory_space<hbm>>) dst(%arg11 : memref<80x64xf32, #tpu.memory_space<vmem>>)
      %mul3A_167 = arith.constant 80 : i32
      %mul3A_168 = arith.muli %add3A_142, %mul3A_167 : i32
      %multiple_of3A_169 = tpu.assume_multiple %mul3A_168, 8 : i32
      %dma_start3A_170 = tpu.memref_slice %arg8[%multiple_of3A_169] : memref<10000xi32, #tpu.memory_space<vmem>> -> memref<80xi32, #tpu.memory_space<vmem>>
      %dma_start3A_171 = arith.constant 0 : i32
      %dma_start3A_172 = arith.constant 0 : i32
      %dma_start3A_173 = tpu.memref_slice %arg13[%dma_start3A_171, %dma_start3A_172] : memref<10240x64xf32, #tpu.memory_space<vmem_shared>> -> memref<10240x64xf32, #tpu.memory_space<vmem_shared>>
      tpu.enqueue_indirect_dma source(%arg11 : memref<80x64xf32, #tpu.memory_space<vmem>>) target(%dma_start3A_173 : memref<10240x64xf32, #tpu.memory_space<vmem_shared>>) offsets(%dma_start3A_170 : memref<80xi32, #tpu.memory_space<vmem>>) semaphore(%arg20 : memref<!tpu.dma_semaphore, #tpu.memory_space<semaphore_mem>>) {add = true}
      %add3A_174 = arith.constant 1 : i32
      %add3A_175 = arith.addi %add3A_140, %add3A_174 : i32
      %sub3A_176 = arith.constant 2 : i32
      %sub3A_177 = arith.subi %add3A_175, %sub3A_176 : i32
      %mul3A_178 = arith.constant 80 : i32
      %mul3A_179 = arith.muli %sub3A_177, %mul3A_178 : i32
      %multiple_of3A_180 = tpu.assume_multiple %mul3A_179, 8 : i32
      %dma_wait3A_181 = tpu.memref_slice %arg8[%multiple_of3A_180] : memref<10000xi32, #tpu.memory_space<vmem>> -> memref<80xi32, #tpu.memory_space<vmem>>
      %dma_wait3A_182 = arith.constant 0 : i32
      %dma_wait3A_183 = arith.constant 0 : i32
      %dma_wait3A_184 = tpu.memref_slice %arg13[%dma_wait3A_182, %dma_wait3A_183] : memref<10240x64xf32, #tpu.memory_space<vmem_shared>> -> memref<10240x64xf32, #tpu.memory_space<vmem_shared>>
      tpu.wait_indirect_dma semaphore(%arg19 : memref<!tpu.dma_semaphore, #tpu.memory_space<semaphore_mem>>) src(%arg10 : memref<80x64xf32, #tpu.memory_space<vmem>>) dst(%dma_wait3A_184 : memref<10240x64xf32, #tpu.memory_space<vmem_shared>>)
      %add3A_185 = arith.constant 2 : i32
      %add3A_186 = arith.addi %add3A_175, %add3A_185 : i32
      %mul3A_187 = arith.constant 80 : i32
      %mul3A_188 = arith.muli %add3A_186, %mul3A_187 : i32
      %multiple_of3A_189 = tpu.assume_multiple %mul3A_188, 8 : i32
      %dma_start3A_190 = tpu.memref_slice %arg7[%multiple_of3A_189] : memref<10000xi32, #tpu.memory_space<vmem>> -> memref<80xi32, #tpu.memory_space<vmem>>
      %dma_start3A_191 = arith.constant 0 : i32
      %dma_start3A_192 = arith.constant 0 : i32
      %dma_start3A_193 = tpu.memref_slice %arg4[%dma_start3A_191, %dma_start3A_192] : memref<10000x64xf32, #tpu.memory_space<hbm>> -> memref<10000x64xf32, #tpu.memory_space<hbm>>
      tpu.enqueue_indirect_dma source(%dma_start3A_193 : memref<10000x64xf32, #tpu.memory_space<hbm>>) target(%arg10 : memref<80x64xf32, #tpu.memory_space<vmem>>) offsets(%dma_start3A_190 : memref<80xi32, #tpu.memory_space<vmem>>) semaphore(%arg15 : memref<!tpu.dma_semaphore, #tpu.memory_space<semaphore_mem>>)
      %mul3A_194 = arith.constant 80 : i32
      %mul3A_195 = arith.muli %add3A_175, %mul3A_194 : i32
      %multiple_of3A_196 = tpu.assume_multiple %mul3A_195, 8 : i32
      %dma_wait3A_197 = tpu.memref_slice %arg7[%multiple_of3A_196] : memref<10000xi32, #tpu.memory_space<vmem>> -> memref<80xi32, #tpu.memory_space<vmem>>
      %dma_wait3A_198 = arith.constant 0 : i32
      %dma_wait3A_199 = arith.constant 0 : i32
      %dma_wait3A_200 = tpu.memref_slice %arg4[%dma_wait3A_198, %dma_wait3A_199] : memref<10000x64xf32, #tpu.memory_space<hbm>> -> memref<10000x64xf32, #tpu.memory_space<hbm>>
      tpu.wait_indirect_dma semaphore(%arg17 : memref<!tpu.dma_semaphore, #tpu.memory_space<semaphore_mem>>) src(%dma_wait3A_200 : memref<10000x64xf32, #tpu.memory_space<hbm>>) dst(%arg12 : memref<80x64xf32, #tpu.memory_space<vmem>>)
      %mul3A_201 = arith.constant 80 : i32
      %mul3A_202 = arith.muli %add3A_175, %mul3A_201 : i32
      %multiple_of3A_203 = tpu.assume_multiple %mul3A_202, 8 : i32
      %dma_start3A_204 = tpu.memref_slice %arg8[%multiple_of3A_203] : memref<10000xi32, #tpu.memory_space<vmem>> -> memref<80xi32, #tpu.memory_space<vmem>>
      %dma_start3A_205 = arith.constant 0 : i32
      %dma_start3A_206 = arith.constant 0 : i32
      %dma_start3A_207 = tpu.memref_slice %arg13[%dma_start3A_205, %dma_start3A_206] : memref<10240x64xf32, #tpu.memory_space<vmem_shared>> -> memref<10240x64xf32, #tpu.memory_space<vmem_shared>>
      tpu.enqueue_indirect_dma source(%arg12 : memref<80x64xf32, #tpu.memory_space<vmem>>) target(%dma_start3A_207 : memref<10240x64xf32, #tpu.memory_space<vmem_shared>>) offsets(%dma_start3A_204 : memref<80xi32, #tpu.memory_space<vmem>>) semaphore(%arg21 : memref<!tpu.dma_semaphore, #tpu.memory_space<semaphore_mem>>) {add = true}
      %add3A_208 = arith.constant 2 : i32
      %add3A_209 = arith.addi %add3A_140, %add3A_208 : i32
      %sub3A_210 = arith.constant 2 : i32
      %sub3A_211 = arith.subi %add3A_209, %sub3A_210 : i32
      %mul3A_212 = arith.constant 80 : i32
      %mul3A_213 = arith.muli %sub3A_211, %mul3A_212 : i32
      %multiple_of3A_214 = tpu.assume_multiple %mul3A_213, 8 : i32
      %dma_wait3A_215 = tpu.memref_slice %arg8[%multiple_of3A_214] : memref<10000xi32, #tpu.memory_space<vmem>> -> memref<80xi32, #tpu.memory_space<vmem>>
      %dma_wait3A_216 = arith.constant 0 : i32
      %dma_wait3A_217 = arith.constant 0 : i32
      %dma_wait3A_218 = tpu.memref_slice %arg13[%dma_wait3A_216, %dma_wait3A_217] : memref<10240x64xf32, #tpu.memory_space<vmem_shared>> -> memref<10240x64xf32, #tpu.memory_space<vmem_shared>>
      tpu.wait_indirect_dma semaphore(%arg20 : memref<!tpu.dma_semaphore, #tpu.memory_space<semaphore_mem>>) src(%arg11 : memref<80x64xf32, #tpu.memory_space<vmem>>) dst(%dma_wait3A_218 : memref<10240x64xf32, #tpu.memory_space<vmem_shared>>)
      %add3A_219 = arith.constant 2 : i32
      %add3A_220 = arith.addi %add3A_209, %add3A_219 : i32
      %mul3A_221 = arith.constant 80 : i32
      %mul3A_222 = arith.muli %add3A_220, %mul3A_221 : i32
      %multiple_of3A_223 = tpu.assume_multiple %mul3A_222, 8 : i32
      %dma_start3A_224 = tpu.memref_slice %arg7[%multiple_of3A_223] : memref<10000xi32, #tpu.memory_space<vmem>> -> memref<80xi32, #tpu.memory_space<vmem>>
      %dma_start3A_225 = arith.constant 0 : i32
      %dma_start3A_226 = arith.constant 0 : i32
      %dma_start3A_227 = tpu.memref_slice %arg4[%dma_start3A_225, %dma_start3A_226] : memref<10000x64xf32, #tpu.memory_space<hbm>> -> memref<10000x64xf32, #tpu.memory_space<hbm>>
      tpu.enqueue_indirect_dma source(%dma_start3A_227 : memref<10000x64xf32, #tpu.memory_space<hbm>>) target(%arg11 : memref<80x64xf32, #tpu.memory_space<vmem>>) offsets(%dma_start3A_224 : memref<80xi32, #tpu.memory_space<vmem>>) semaphore(%arg16 : memref<!tpu.dma_semaphore, #tpu.memory_space<semaphore_mem>>)
      %mul3A_228 = arith.constant 80 : i32
      %mul3A_229 = arith.muli %add3A_209, %mul3A_228 : i32
      %multiple_of3A_230 = tpu.assume_multiple %mul3A_229, 8 : i32
      %dma_wait3A_231 = tpu.memref_slice %arg7[%multiple_of3A_230] : memref<10000xi32, #tpu.memory_space<vmem>> -> memref<80xi32, #tpu.memory_space<vmem>>
      %dma_wait3A_232 = arith.constant 0 : i32
      %dma_wait3A_233 = arith.constant 0 : i32
      %dma_wait3A_234 = tpu.memref_slice %arg4[%dma_wait3A_232, %dma_wait3A_233] : memref<10000x64xf32, #tpu.memory_space<hbm>> -> memref<10000x64xf32, #tpu.memory_space<hbm>>
      tpu.wait_indirect_dma semaphore(%arg14 : memref<!tpu.dma_semaphore, #tpu.memory_space<semaphore_mem>>) src(%dma_wait3A_234 : memref<10000x64xf32, #tpu.memory_space<hbm>>) dst(%arg9 : memref<80x64xf32, #tpu.memory_space<vmem>>)
      %mul3A_235 = arith.constant 80 : i32
      %mul3A_236 = arith.muli %add3A_209, %mul3A_235 : i32
      %multiple_of3A_237 = tpu.assume_multiple %mul3A_236, 8 : i32
      %dma_start3A_238 = tpu.memref_slice %arg8[%multiple_of3A_237] : memref<10000xi32, #tpu.memory_space<vmem>> -> memref<80xi32, #tpu.memory_space<vmem>>
      %dma_start3A_239 = arith.constant 0 : i32
      %dma_start3A_240 = arith.constant 0 : i32
      %dma_start3A_241 = tpu.memref_slice %arg13[%dma_start3A_239, %dma_start3A_240] : memref<10240x64xf32, #tpu.memory_space<vmem_shared>> -> memref<10240x64xf32, #tpu.memory_space<vmem_shared>>
      tpu.enqueue_indirect_dma source(%arg9 : memref<80x64xf32, #tpu.memory_space<vmem>>) target(%dma_start3A_241 : memref<10240x64xf32, #tpu.memory_space<vmem_shared>>) offsets(%dma_start3A_238 : memref<80xi32, #tpu.memory_space<vmem>>) semaphore(%arg18 : memref<!tpu.dma_semaphore, #tpu.memory_space<semaphore_mem>>) {add = true}
      %add3A_242 = arith.constant 3 : i32
      %add3A_243 = arith.addi %add3A_140, %add3A_242 : i32
      %sub3A_244 = arith.constant 2 : i32
      %sub3A_245 = arith.subi %add3A_243, %sub3A_244 : i32
      %mul3A_246 = arith.constant 80 : i32
      %mul3A_247 = arith.muli %sub3A_245, %mul3A_246 : i32
      %multiple_of3A_248 = tpu.assume_multiple %mul3A_247, 8 : i32
      %dma_wait3A_249 = tpu.memref_slice %arg8[%multiple_of3A_248] : memref<10000xi32, #tpu.memory_space<vmem>> -> memref<80xi32, #tpu.memory_space<vmem>>
      %dma_wait3A_250 = arith.constant 0 : i32
      %dma_wait3A_251 = arith.constant 0 : i32
      %dma_wait3A_252 = tpu.memref_slice %arg13[%dma_wait3A_250, %dma_wait3A_251] : memref<10240x64xf32, #tpu.memory_space<vmem_shared>> -> memref<10240x64xf32, #tpu.memory_space<vmem_shared>>
      tpu.wait_indirect_dma semaphore(%arg21 : memref<!tpu.dma_semaphore, #tpu.memory_space<semaphore_mem>>) src(%arg12 : memref<80x64xf32, #tpu.memory_space<vmem>>) dst(%dma_wait3A_252 : memref<10240x64xf32, #tpu.memory_space<vmem_shared>>)
      %add3A_253 = arith.constant 2 : i32
      %add3A_254 = arith.addi %add3A_243, %add3A_253 : i32
      %mul3A_255 = arith.constant 80 : i32
      %mul3A_256 = arith.muli %add3A_254, %mul3A_255 : i32
      %multiple_of3A_257 = tpu.assume_multiple %mul3A_256, 8 : i32
      %dma_start3A_258 = tpu.memref_slice %arg7[%multiple_of3A_257] : memref<10000xi32, #tpu.memory_space<vmem>> -> memref<80xi32, #tpu.memory_space<vmem>>
      %dma_start3A_259 = arith.constant 0 : i32
      %dma_start3A_260 = arith.constant 0 : i32
      %dma_start3A_261 = tpu.memref_slice %arg4[%dma_start3A_259, %dma_start3A_260] : memref<10000x64xf32, #tpu.memory_space<hbm>> -> memref<10000x64xf32, #tpu.memory_space<hbm>>
      tpu.enqueue_indirect_dma source(%dma_start3A_261 : memref<10000x64xf32, #tpu.memory_space<hbm>>) target(%arg12 : memref<80x64xf32, #tpu.memory_space<vmem>>) offsets(%dma_start3A_258 : memref<80xi32, #tpu.memory_space<vmem>>) semaphore(%arg17 : memref<!tpu.dma_semaphore, #tpu.memory_space<semaphore_mem>>)
      %mul3A_262 = arith.constant 80 : i32
      %mul3A_263 = arith.muli %add3A_243, %mul3A_262 : i32
      %multiple_of3A_264 = tpu.assume_multiple %mul3A_263, 8 : i32
      %dma_wait3A_265 = tpu.memref_slice %arg7[%multiple_of3A_264] : memref<10000xi32, #tpu.memory_space<vmem>> -> memref<80xi32, #tpu.memory_space<vmem>>
      %dma_wait3A_266 = arith.constant 0 : i32
      %dma_wait3A_267 = arith.constant 0 : i32
      %dma_wait3A_268 = tpu.memref_slice %arg4[%dma_wait3A_266, %dma_wait3A_267] : memref<10000x64xf32, #tpu.memory_space<hbm>> -> memref<10000x64xf32, #tpu.memory_space<hbm>>
      tpu.wait_indirect_dma semaphore(%arg15 : memref<!tpu.dma_semaphore, #tpu.memory_space<semaphore_mem>>) src(%dma_wait3A_268 : memref<10000x64xf32, #tpu.memory_space<hbm>>) dst(%arg10 : memref<80x64xf32, #tpu.memory_space<vmem>>)
      %mul3A_269 = arith.constant 80 : i32
      %mul3A_270 = arith.muli %add3A_243, %mul3A_269 : i32
      %multiple_of3A_271 = tpu.assume_multiple %mul3A_270, 8 : i32
      %dma_start3A_272 = tpu.memref_slice %arg8[%multiple_of3A_271] : memref<10000xi32, #tpu.memory_space<vmem>> -> memref<80xi32, #tpu.memory_space<vmem>>
      %dma_start3A_273 = arith.constant 0 : i32
      %dma_start3A_274 = arith.constant 0 : i32
      %dma_start3A_275 = tpu.memref_slice %arg13[%dma_start3A_273, %dma_start3A_274] : memref<10240x64xf32, #tpu.memory_space<vmem_shared>> -> memref<10240x64xf32, #tpu.memory_space<vmem_shared>>
      tpu.enqueue_indirect_dma source(%arg10 : memref<80x64xf32, #tpu.memory_space<vmem>>) target(%dma_start3A_275 : memref<10240x64xf32, #tpu.memory_space<vmem_shared>>) offsets(%dma_start3A_272 : memref<80xi32, #tpu.memory_space<vmem>>) semaphore(%arg19 : memref<!tpu.dma_semaphore, #tpu.memory_space<semaphore_mem>>) {add = true}
    }
    %scan3A_58 = arith.constant 30 : i32
    %multiple_of3A_59 = arith.constant 9600 : i32
    %multiple_of3A_60 = tpu.assume_multiple %multiple_of3A_59, 8 : i32
    %dma_wait3A_61 = tpu.memref_slice %arg8[%multiple_of3A_60] : memref<10000xi32, #tpu.memory_space<vmem>> -> memref<80xi32, #tpu.memory_space<vmem>>
    %dma_wait3A_62 = arith.constant 0 : i32
    %dma_wait3A_63 = arith.constant 0 : i32
    %dma_wait3A_64 = tpu.memref_slice %arg13[%dma_wait3A_62, %dma_wait3A_63] : memref<10240x64xf32, #tpu.memory_space<vmem_shared>> -> memref<10240x64xf32, #tpu.memory_space<vmem_shared>>
    tpu.wait_indirect_dma semaphore(%arg18 : memref<!tpu.dma_semaphore, #tpu.memory_space<semaphore_mem>>) src(%arg9 : memref<80x64xf32, #tpu.memory_space<vmem>>) dst(%dma_wait3A_64 : memref<10240x64xf32, #tpu.memory_space<vmem_shared>>)
    %multiple_of3A_65 = arith.constant 9920 : i32
    %multiple_of3A_66 = tpu.assume_multiple %multiple_of3A_65, 8 : i32
    %dma_start3A_67 = tpu.memref_slice %arg7[%multiple_of3A_66] : memref<10000xi32, #tpu.memory_space<vmem>> -> memref<80xi32, #tpu.memory_space<vmem>>
    %dma_start3A_68 = arith.constant 0 : i32
    %dma_start3A_69 = arith.constant 0 : i32
    %dma_start3A_70 = tpu.memref_slice %arg4[%dma_start3A_68, %dma_start3A_69] : memref<10000x64xf32, #tpu.memory_space<hbm>> -> memref<10000x64xf32, #tpu.memory_space<hbm>>
    tpu.enqueue_indirect_dma source(%dma_start3A_70 : memref<10000x64xf32, #tpu.memory_space<hbm>>) target(%arg9 : memref<80x64xf32, #tpu.memory_space<vmem>>) offsets(%dma_start3A_67 : memref<80xi32, #tpu.memory_space<vmem>>) semaphore(%arg14 : memref<!tpu.dma_semaphore, #tpu.memory_space<semaphore_mem>>)
    %multiple_of3A_71 = arith.constant 9760 : i32
    %multiple_of3A_72 = tpu.assume_multiple %multiple_of3A_71, 8 : i32
    %dma_wait3A_73 = tpu.memref_slice %arg7[%multiple_of3A_72] : memref<10000xi32, #tpu.memory_space<vmem>> -> memref<80xi32, #tpu.memory_space<vmem>>
    %dma_wait3A_74 = arith.constant 0 : i32
    %dma_wait3A_75 = arith.constant 0 : i32
    %dma_wait3A_76 = tpu.memref_slice %arg4[%dma_wait3A_74, %dma_wait3A_75] : memref<10000x64xf32, #tpu.memory_space<hbm>> -> memref<10000x64xf32, #tpu.memory_space<hbm>>
    tpu.wait_indirect_dma semaphore(%arg16 : memref<!tpu.dma_semaphore, #tpu.memory_space<semaphore_mem>>) src(%dma_wait3A_76 : memref<10000x64xf32, #tpu.memory_space<hbm>>) dst(%arg11 : memref<80x64xf32, #tpu.memory_space<vmem>>)
    %multiple_of3A_77 = arith.constant 9760 : i32
    %multiple_of3A_78 = tpu.assume_multiple %multiple_of3A_77, 8 : i32
    %dma_start3A_79 = tpu.memref_slice %arg8[%multiple_of3A_78] : memref<10000xi32, #tpu.memory_space<vmem>> -> memref<80xi32, #tpu.memory_space<vmem>>
    %dma_start3A_80 = arith.constant 0 : i32
    %dma_start3A_81 = arith.constant 0 : i32
    %dma_start3A_82 = tpu.memref_slice %arg13[%dma_start3A_80, %dma_start3A_81] : memref<10240x64xf32, #tpu.memory_space<vmem_shared>> -> memref<10240x64xf32, #tpu.memory_space<vmem_shared>>
    tpu.enqueue_indirect_dma source(%arg11 : memref<80x64xf32, #tpu.memory_space<vmem>>) target(%dma_start3A_82 : memref<10240x64xf32, #tpu.memory_space<vmem_shared>>) offsets(%dma_start3A_79 : memref<80xi32, #tpu.memory_space<vmem>>) semaphore(%arg20 : memref<!tpu.dma_semaphore, #tpu.memory_space<semaphore_mem>>) {add = true}
    %multiple_of3A_83 = arith.constant 9840 : i32
    %multiple_of3A_84 = tpu.assume_multiple %multiple_of3A_83, 8 : i32
    %dma_wait3A_85 = tpu.memref_slice %arg7[%multiple_of3A_84] : memref<10000xi32, #tpu.memory_space<vmem>> -> memref<80xi32, #tpu.memory_space<vmem>>
    %dma_wait3A_86 = arith.constant 0 : i32
    %dma_wait3A_87 = arith.constant 0 : i32
    %dma_wait3A_88 = tpu.memref_slice %arg4[%dma_wait3A_86, %dma_wait3A_87] : memref<10000x64xf32, #tpu.memory_space<hbm>> -> memref<10000x64xf32, #tpu.memory_space<hbm>>
    tpu.wait_indirect_dma semaphore(%arg17 : memref<!tpu.dma_semaphore, #tpu.memory_space<semaphore_mem>>) src(%dma_wait3A_88 : memref<10000x64xf32, #tpu.memory_space<hbm>>) dst(%arg12 : memref<80x64xf32, #tpu.memory_space<vmem>>)
    %multiple_of3A_89 = arith.constant 9840 : i32
    %multiple_of3A_90 = tpu.assume_multiple %multiple_of3A_89, 8 : i32
    %dma_start3A_91 = tpu.memref_slice %arg8[%multiple_of3A_90] : memref<10000xi32, #tpu.memory_space<vmem>> -> memref<80xi32, #tpu.memory_space<vmem>>
    %dma_start3A_92 = arith.constant 0 : i32
    %dma_start3A_93 = arith.constant 0 : i32
    %dma_start3A_94 = tpu.memref_slice %arg13[%dma_start3A_92, %dma_start3A_93] : memref<10240x64xf32, #tpu.memory_space<vmem_shared>> -> memref<10240x64xf32, #tpu.memory_space<vmem_shared>>
    tpu.enqueue_indirect_dma source(%arg12 : memref<80x64xf32, #tpu.memory_space<vmem>>) target(%dma_start3A_94 : memref<10240x64xf32, #tpu.memory_space<vmem_shared>>) offsets(%dma_start3A_91 : memref<80xi32, #tpu.memory_space<vmem>>) semaphore(%arg21 : memref<!tpu.dma_semaphore, #tpu.memory_space<semaphore_mem>>) {add = true}
    %multiple_of3A_95 = arith.constant 9920 : i32
    %multiple_of3A_96 = tpu.assume_multiple %multiple_of3A_95, 8 : i32
    %dma_wait3A_97 = tpu.memref_slice %arg7[%multiple_of3A_96] : memref<10000xi32, #tpu.memory_space<vmem>> -> memref<80xi32, #tpu.memory_space<vmem>>
    %dma_wait3A_98 = arith.constant 0 : i32
    %dma_wait3A_99 = arith.constant 0 : i32
    %dma_wait3A_100 = tpu.memref_slice %arg4[%dma_wait3A_98, %dma_wait3A_99] : memref<10000x64xf32, #tpu.memory_space<hbm>> -> memref<10000x64xf32, #tpu.memory_space<hbm>>
    tpu.wait_indirect_dma semaphore(%arg14 : memref<!tpu.dma_semaphore, #tpu.memory_space<semaphore_mem>>) src(%dma_wait3A_100 : memref<10000x64xf32, #tpu.memory_space<hbm>>) dst(%arg9 : memref<80x64xf32, #tpu.memory_space<vmem>>)
    %multiple_of3A_101 = arith.constant 9920 : i32
    %multiple_of3A_102 = tpu.assume_multiple %multiple_of3A_101, 8 : i32
    %dma_start3A_103 = tpu.memref_slice %arg8[%multiple_of3A_102] : memref<10000xi32, #tpu.memory_space<vmem>> -> memref<80xi32, #tpu.memory_space<vmem>>
    %dma_start3A_104 = arith.constant 0 : i32
    %dma_start3A_105 = arith.constant 0 : i32
    %dma_start3A_106 = tpu.memref_slice %arg13[%dma_start3A_104, %dma_start3A_105] : memref<10240x64xf32, #tpu.memory_space<vmem_shared>> -> memref<10240x64xf32, #tpu.memory_space<vmem_shared>>
    tpu.enqueue_indirect_dma source(%arg9 : memref<80x64xf32, #tpu.memory_space<vmem>>) target(%dma_start3A_106 : memref<10240x64xf32, #tpu.memory_space<vmem_shared>>) offsets(%dma_start3A_103 : memref<80xi32, #tpu.memory_space<vmem>>) semaphore(%arg18 : memref<!tpu.dma_semaphore, #tpu.memory_space<semaphore_mem>>) {add = true}
    %multiple_of3A_107 = arith.constant 9680 : i32
    %multiple_of3A_108 = tpu.assume_multiple %multiple_of3A_107, 8 : i32
    %dma_wait3A_109 = tpu.memref_slice %arg8[%multiple_of3A_108] : memref<10000xi32, #tpu.memory_space<vmem>> -> memref<80xi32, #tpu.memory_space<vmem>>
    %dma_wait3A_110 = arith.constant 0 : i32
    %dma_wait3A_111 = arith.constant 0 : i32
    %dma_wait3A_112 = tpu.memref_slice %arg13[%dma_wait3A_110, %dma_wait3A_111] : memref<10240x64xf32, #tpu.memory_space<vmem_shared>> -> memref<10240x64xf32, #tpu.memory_space<vmem_shared>>
    tpu.wait_indirect_dma semaphore(%arg19 : memref<!tpu.dma_semaphore, #tpu.memory_space<semaphore_mem>>) src(%arg10 : memref<80x64xf32, #tpu.memory_space<vmem>>) dst(%dma_wait3A_112 : memref<10240x64xf32, #tpu.memory_space<vmem_shared>>)
    %multiple_of3A_113 = arith.constant 9760 : i32
    %multiple_of3A_114 = tpu.assume_multiple %multiple_of3A_113, 8 : i32
    %dma_wait3A_115 = tpu.memref_slice %arg8[%multiple_of3A_114] : memref<10000xi32, #tpu.memory_space<vmem>> -> memref<80xi32, #tpu.memory_space<vmem>>
    %dma_wait3A_116 = arith.constant 0 : i32
    %dma_wait3A_117 = arith.constant 0 : i32
    %dma_wait3A_118 = tpu.memref_slice %arg13[%dma_wait3A_116, %dma_wait3A_117] : memref<10240x64xf32, #tpu.memory_space<vmem_shared>> -> memref<10240x64xf32, #tpu.memory_space<vmem_shared>>
    tpu.wait_indirect_dma semaphore(%arg20 : memref<!tpu.dma_semaphore, #tpu.memory_space<semaphore_mem>>) src(%arg11 : memref<80x64xf32, #tpu.memory_space<vmem>>) dst(%dma_wait3A_118 : memref<10240x64xf32, #tpu.memory_space<vmem_shared>>)
    %multiple_of3A_119 = arith.constant 9840 : i32
    %multiple_of3A_120 = tpu.assume_multiple %multiple_of3A_119, 8 : i32
    %dma_wait3A_121 = tpu.memref_slice %arg8[%multiple_of3A_120] : memref<10000xi32, #tpu.memory_space<vmem>> -> memref<80xi32, #tpu.memory_space<vmem>>
    %dma_wait3A_122 = arith.constant 0 : i32
    %dma_wait3A_123 = arith.constant 0 : i32
    %dma_wait3A_124 = tpu.memref_slice %arg13[%dma_wait3A_122, %dma_wait3A_123] : memref<10240x64xf32, #tpu.memory_space<vmem_shared>> -> memref<10240x64xf32, #tpu.memory_space<vmem_shared>>
    tpu.wait_indirect_dma semaphore(%arg21 : memref<!tpu.dma_semaphore, #tpu.memory_space<semaphore_mem>>) src(%arg12 : memref<80x64xf32, #tpu.memory_space<vmem>>) dst(%dma_wait3A_124 : memref<10240x64xf32, #tpu.memory_space<vmem_shared>>)
    %multiple_of3A_125 = arith.constant 9920 : i32
    %multiple_of3A_126 = tpu.assume_multiple %multiple_of3A_125, 8 : i32
    %dma_wait3A_127 = tpu.memref_slice %arg8[%multiple_of3A_126] : memref<10000xi32, #tpu.memory_space<vmem>> -> memref<80xi32, #tpu.memory_space<vmem>>
    %dma_wait3A_128 = arith.constant 0 : i32
    %dma_wait3A_129 = arith.constant 0 : i32
    %dma_wait3A_130 = tpu.memref_slice %arg13[%dma_wait3A_128, %dma_wait3A_129] : memref<10240x64xf32, #tpu.memory_space<vmem_shared>> -> memref<10240x64xf32, #tpu.memory_space<vmem_shared>>
    tpu.wait_indirect_dma semaphore(%arg18 : memref<!tpu.dma_semaphore, #tpu.memory_space<semaphore_mem>>) src(%arg9 : memref<80x64xf32, #tpu.memory_space<vmem>>) dst(%dma_wait3A_130 : memref<10240x64xf32, #tpu.memory_space<vmem_shared>>)
    %barrier3A_131 = arith.constant 0 : index
    tpu.barrier barrier_id(%barrier3A_131)
    %mul3A_132 = arith.constant 640 : i32
    %mul3A_133 = arith.muli %arg1, %mul3A_132 : i32
    %mul3A_134 = arith.constant 640 : i32
    %mul3A_135 = arith.muli %arg1, %mul3A_134 : i32
    "tpu.region"() ({
      %run_scoped3A = tpu.sem_alloc : memref<!tpu.dma_semaphore, #tpu.memory_space<semaphore_mem>>
      %dma_start3A_136 = arith.constant 0 : i32
      %dma_start3A_137 = tpu.memref_slice %arg6[%arg0, %mul3A_135, %dma_start3A_136] : memref<2x10240x64xf32, #tpu.memory_space<hbm>> -> memref<1x640x64xf32, #tpu.memory_space<hbm>>
      %dma_start3A_138 = tpu.memref_squeeze %dma_start3A_137 : memref<1x640x64xf32, #tpu.memory_space<hbm>> -> memref<640x64xf32, #tpu.memory_space<hbm>>
      %dma_start3A_139 = arith.constant 0 : i32
      %dma_start3A_140 = tpu.memref_slice %arg13[%mul3A_133, %dma_start3A_139] : memref<10240x64xf32, #tpu.memory_space<vmem_shared>> -> memref<640x64xf32, #tpu.memory_space<vmem_shared>>
      tpu.enqueue_dma source(%dma_start3A_140 : memref<640x64xf32, #tpu.memory_space<vmem_shared>>) target(%dma_start3A_138 : memref<640x64xf32, #tpu.memory_space<hbm>>) target_semaphore(%run_scoped3A : memref<!tpu.dma_semaphore, #tpu.memory_space<semaphore_mem>>)
      %dma_wait3A_141 = arith.constant 0 : i32
      %dma_wait3A_142 = tpu.memref_slice %arg6[%arg0, %mul3A_135, %dma_wait3A_141] : memref<2x10240x64xf32, #tpu.memory_space<hbm>> -> memref<1x640x64xf32, #tpu.memory_space<hbm>>
      %dma_wait3A_143 = tpu.memref_squeeze %dma_wait3A_142 : memref<1x640x64xf32, #tpu.memory_space<hbm>> -> memref<640x64xf32, #tpu.memory_space<hbm>>
      %dma_wait3A_144 = arith.constant 0 : i32
      %dma_wait3A_145 = tpu.memref_slice %arg13[%mul3A_133, %dma_wait3A_144] : memref<10240x64xf32, #tpu.memory_space<vmem_shared>> -> memref<640x64xf32, #tpu.memory_space<vmem_shared>>
      tpu.wait_dma2 semaphore(%run_scoped3A : memref<!tpu.dma_semaphore, #tpu.memory_space<semaphore_mem>>) src(%dma_wait3A_145 : memref<640x64xf32, #tpu.memory_space<vmem_shared>>) dst(%dma_wait3A_143 : memref<640x64xf32, #tpu.memory_space<hbm>>)
      tpu.yield
    }) : () -> ()
    return
  }
}

#map = affine_map<(d0, d1) -> (0)>
#map1 = affine_map<(d0, d1) -> (0, 0)>
#map2 = affine_map<(d0, d1) -> (0, 0, 0)>
module attributes {stable_mosaic.version = 14 : i64} {
  func.func @_agg_kernel(%arg0: i32, %arg1: i32, %arg2: memref<320000xi32, #tpu.memory_space<hbm>>, %arg3: memref<320000xi32, #tpu.memory_space<hbm>>, %arg4: memref<10000x64xf32, #tpu.memory_space<hbm>>, %arg5: memref<10240x64xf32, #tpu.memory_space<hbm>>, %arg6: memref<2x10240x64xf32, #tpu.memory_space<hbm>>, %arg7: memref<10000xi32, #tpu.memory_space<vmem>>, %arg8: memref<10000xi32, #tpu.memory_space<vmem>>, %arg9: memref<80x64xf32, #tpu.memory_space<vmem>>, %arg10: memref<80x64xf32, #tpu.memory_space<vmem>>, %arg11: memref<80x64xf32, #tpu.memory_space<vmem>>, %arg12: memref<80x64xf32, #tpu.memory_space<vmem>>, %arg13: memref<10240x64xf32, #tpu.memory_space<vmem_shared>>, %arg14: memref<!tpu.dma_semaphore, #tpu.memory_space<semaphore_mem>>, %arg15: memref<!tpu.dma_semaphore, #tpu.memory_space<semaphore_mem>>, %arg16: memref<!tpu.dma_semaphore, #tpu.memory_space<semaphore_mem>>, %arg17: memref<!tpu.dma_semaphore, #tpu.memory_space<semaphore_mem>>, %arg18: memref<!tpu.dma_semaphore, #tpu.memory_space<semaphore_mem>>, %arg19: memref<!tpu.dma_semaphore, #tpu.memory_space<semaphore_mem>>, %arg20: memref<!tpu.dma_semaphore, #tpu.memory_space<semaphore_mem>>, %arg21: memref<!tpu.dma_semaphore, #tpu.memory_space<semaphore_mem>>) attributes {dimension_semantics = [#tpu.dimension_semantics<core_parallel>, #tpu.dimension_semantics<subcore_parallel>], iteration_bounds = array<i64: 2, 16>, scalar_prefetch = 0 : i64, scratch_operands = 15 : i64, tpu.core_type = #tpu.core_type<sc_vector_subcore>, window_params = [{transform_indices = #map}, {transform_indices = #map}, {transform_indices = #map1}, {transform_indices = #map1}, {transform_indices = #map2}]} {
    %mul3A = arith.constant 2 : i32
    %mul3A_0 = arith.muli %arg1, %mul3A : i32
    %add3A = arith.addi %mul3A_0, %arg0 : i32
    %mul3A_1 = arith.constant 10000 : i32
    %mul3A_2 = arith.muli %add3A, %mul3A_1 : i32
    "tpu.region"() ({
      %run_scoped3A = tpu.sem_alloc : memref<!tpu.dma_semaphore, #tpu.memory_space<semaphore_mem>>
      %dma_start3A_136 = tpu.memref_slice %arg2[%mul3A_2] : memref<320000xi32, #tpu.memory_space<hbm>> -> memref<10000xi32, #tpu.memory_space<hbm>>
      %dma_start3A_137 = tpu.memref_slice %arg2[%mul3A_2] : memref<320000xi32, #tpu.memory_space<hbm>> -> memref<10000xi32, #tpu.memory_space<hbm>>
      tpu.enqueue_dma source(%dma_start3A_137 : memref<10000xi32, #tpu.memory_space<hbm>>) target(%arg7 : memref<10000xi32, #tpu.memory_space<vmem>>) target_semaphore(%run_scoped3A : memref<!tpu.dma_semaphore, #tpu.memory_space<semaphore_mem>>)
      %dma_wait3A_138 = tpu.memref_slice %arg2[%mul3A_2] : memref<320000xi32, #tpu.memory_space<hbm>> -> memref<10000xi32, #tpu.memory_space<hbm>>
      %dma_wait3A_139 = tpu.memref_slice %arg2[%mul3A_2] : memref<320000xi32, #tpu.memory_space<hbm>> -> memref<10000xi32, #tpu.memory_space<hbm>>
      tpu.wait_dma2 semaphore(%run_scoped3A : memref<!tpu.dma_semaphore, #tpu.memory_space<semaphore_mem>>) src(%dma_wait3A_139 : memref<10000xi32, #tpu.memory_space<hbm>>) dst(%arg7 : memref<10000xi32, #tpu.memory_space<vmem>>)
      tpu.yield
    }) : () -> ()
    %mul3A_3 = arith.constant 10000 : i32
    %mul3A_4 = arith.muli %add3A, %mul3A_3 : i32
    "tpu.region"() ({
      %run_scoped3A = tpu.sem_alloc : memref<!tpu.dma_semaphore, #tpu.memory_space<semaphore_mem>>
      %dma_start3A_136 = tpu.memref_slice %arg3[%mul3A_4] : memref<320000xi32, #tpu.memory_space<hbm>> -> memref<10000xi32, #tpu.memory_space<hbm>>
      %dma_start3A_137 = tpu.memref_slice %arg3[%mul3A_4] : memref<320000xi32, #tpu.memory_space<hbm>> -> memref<10000xi32, #tpu.memory_space<hbm>>
      tpu.enqueue_dma source(%dma_start3A_137 : memref<10000xi32, #tpu.memory_space<hbm>>) target(%arg8 : memref<10000xi32, #tpu.memory_space<vmem>>) target_semaphore(%run_scoped3A : memref<!tpu.dma_semaphore, #tpu.memory_space<semaphore_mem>>)
      %dma_wait3A_138 = tpu.memref_slice %arg3[%mul3A_4] : memref<320000xi32, #tpu.memory_space<hbm>> -> memref<10000xi32, #tpu.memory_space<hbm>>
      %dma_wait3A_139 = tpu.memref_slice %arg3[%mul3A_4] : memref<320000xi32, #tpu.memory_space<hbm>> -> memref<10000xi32, #tpu.memory_space<hbm>>
      tpu.wait_dma2 semaphore(%run_scoped3A : memref<!tpu.dma_semaphore, #tpu.memory_space<semaphore_mem>>) src(%dma_wait3A_139 : memref<10000xi32, #tpu.memory_space<hbm>>) dst(%arg8 : memref<10000xi32, #tpu.memory_space<vmem>>)
      tpu.yield
    }) : () -> ()
    %mul3A_5 = arith.constant 640 : i32
    %mul3A_6 = arith.muli %arg1, %mul3A_5 : i32
    %mul3A_7 = arith.constant 640 : i32
    %mul3A_8 = arith.muli %arg1, %mul3A_7 : i32
    "tpu.region"() ({
      %run_scoped3A = tpu.sem_alloc : memref<!tpu.dma_semaphore, #tpu.memory_space<semaphore_mem>>
      %dma_start3A_136 = arith.constant 0 : i32
      %dma_start3A_137 = tpu.memref_slice %arg13[%mul3A_8, %dma_start3A_136] : memref<10240x64xf32, #tpu.memory_space<vmem_shared>> -> memref<640x64xf32, #tpu.memory_space<vmem_shared>>
      %dma_start3A_138 = arith.constant 0 : i32
      %dma_start3A_139 = tpu.memref_slice %arg5[%mul3A_6, %dma_start3A_138] : memref<10240x64xf32, #tpu.memory_space<hbm>> -> memref<640x64xf32, #tpu.memory_space<hbm>>
      tpu.enqueue_dma source(%dma_start3A_139 : memref<640x64xf32, #tpu.memory_space<hbm>>) target(%dma_start3A_137 : memref<640x64xf32, #tpu.memory_space<vmem_shared>>) target_semaphore(%run_scoped3A : memref<!tpu.dma_semaphore, #tpu.memory_space<semaphore_mem>>)
      %dma_wait3A_140 = arith.constant 0 : i32
      %dma_wait3A_141 = tpu.memref_slice %arg13[%mul3A_8, %dma_wait3A_140] : memref<10240x64xf32, #tpu.memory_space<vmem_shared>> -> memref<640x64xf32, #tpu.memory_space<vmem_shared>>
      %dma_wait3A_142 = arith.constant 0 : i32
      %dma_wait3A_143 = tpu.memref_slice %arg5[%mul3A_6, %dma_wait3A_142] : memref<10240x64xf32, #tpu.memory_space<hbm>> -> memref<640x64xf32, #tpu.memory_space<hbm>>
      tpu.wait_dma2 semaphore(%run_scoped3A : memref<!tpu.dma_semaphore, #tpu.memory_space<semaphore_mem>>) src(%dma_wait3A_143 : memref<640x64xf32, #tpu.memory_space<hbm>>) dst(%dma_wait3A_141 : memref<640x64xf32, #tpu.memory_space<vmem_shared>>)
      tpu.yield
    }) : () -> ()
    %barrier3A = arith.constant 0 : index
    tpu.barrier barrier_id(%barrier3A)
    %multiple_of3A = arith.constant 0 : i32
    %multiple_of3A_9 = tpu.assume_multiple %multiple_of3A, 8 : i32
    %dma_start3A = tpu.memref_slice %arg7[%multiple_of3A_9] : memref<10000xi32, #tpu.memory_space<vmem>> -> memref<80xi32, #tpu.memory_space<vmem>>
    %dma_start3A_10 = arith.constant 0 : i32
    %dma_start3A_11 = arith.constant 0 : i32
    %dma_start3A_12 = tpu.memref_slice %arg4[%dma_start3A_10, %dma_start3A_11] : memref<10000x64xf32, #tpu.memory_space<hbm>> -> memref<10000x64xf32, #tpu.memory_space<hbm>>
    tpu.enqueue_indirect_dma source(%dma_start3A_12 : memref<10000x64xf32, #tpu.memory_space<hbm>>) target(%arg9 : memref<80x64xf32, #tpu.memory_space<vmem>>) offsets(%dma_start3A : memref<80xi32, #tpu.memory_space<vmem>>) semaphore(%arg14 : memref<!tpu.dma_semaphore, #tpu.memory_space<semaphore_mem>>)
    %multiple_of3A_13 = arith.constant 80 : i32
    %multiple_of3A_14 = tpu.assume_multiple %multiple_of3A_13, 8 : i32
    %dma_start3A_15 = tpu.memref_slice %arg7[%multiple_of3A_14] : memref<10000xi32, #tpu.memory_space<vmem>> -> memref<80xi32, #tpu.memory_space<vmem>>
    %dma_start3A_16 = arith.constant 0 : i32
    %dma_start3A_17 = arith.constant 0 : i32
    %dma_start3A_18 = tpu.memref_slice %arg4[%dma_start3A_16, %dma_start3A_17] : memref<10000x64xf32, #tpu.memory_space<hbm>> -> memref<10000x64xf32, #tpu.memory_space<hbm>>
    tpu.enqueue_indirect_dma source(%dma_start3A_18 : memref<10000x64xf32, #tpu.memory_space<hbm>>) target(%arg10 : memref<80x64xf32, #tpu.memory_space<vmem>>) offsets(%dma_start3A_15 : memref<80xi32, #tpu.memory_space<vmem>>) semaphore(%arg15 : memref<!tpu.dma_semaphore, #tpu.memory_space<semaphore_mem>>)
    %multiple_of3A_19 = arith.constant 160 : i32
    %multiple_of3A_20 = tpu.assume_multiple %multiple_of3A_19, 8 : i32
    %dma_start3A_21 = tpu.memref_slice %arg7[%multiple_of3A_20] : memref<10000xi32, #tpu.memory_space<vmem>> -> memref<80xi32, #tpu.memory_space<vmem>>
    %dma_start3A_22 = arith.constant 0 : i32
    %dma_start3A_23 = arith.constant 0 : i32
    %dma_start3A_24 = tpu.memref_slice %arg4[%dma_start3A_22, %dma_start3A_23] : memref<10000x64xf32, #tpu.memory_space<hbm>> -> memref<10000x64xf32, #tpu.memory_space<hbm>>
    tpu.enqueue_indirect_dma source(%dma_start3A_24 : memref<10000x64xf32, #tpu.memory_space<hbm>>) target(%arg11 : memref<80x64xf32, #tpu.memory_space<vmem>>) offsets(%dma_start3A_21 : memref<80xi32, #tpu.memory_space<vmem>>) semaphore(%arg16 : memref<!tpu.dma_semaphore, #tpu.memory_space<semaphore_mem>>)
    %multiple_of3A_25 = arith.constant 0 : i32
    %multiple_of3A_26 = tpu.assume_multiple %multiple_of3A_25, 8 : i32
    %dma_wait3A = tpu.memref_slice %arg7[%multiple_of3A_26] : memref<10000xi32, #tpu.memory_space<vmem>> -> memref<80xi32, #tpu.memory_space<vmem>>
    %dma_wait3A_27 = arith.constant 0 : i32
    %dma_wait3A_28 = arith.constant 0 : i32
    %dma_wait3A_29 = tpu.memref_slice %arg4[%dma_wait3A_27, %dma_wait3A_28] : memref<10000x64xf32, #tpu.memory_space<hbm>> -> memref<10000x64xf32, #tpu.memory_space<hbm>>
    tpu.wait_indirect_dma semaphore(%arg14 : memref<!tpu.dma_semaphore, #tpu.memory_space<semaphore_mem>>) src(%dma_wait3A_29 : memref<10000x64xf32, #tpu.memory_space<hbm>>) dst(%arg9 : memref<80x64xf32, #tpu.memory_space<vmem>>)
    %multiple_of3A_30 = arith.constant 0 : i32
    %multiple_of3A_31 = tpu.assume_multiple %multiple_of3A_30, 8 : i32
    %dma_start3A_32 = tpu.memref_slice %arg8[%multiple_of3A_31] : memref<10000xi32, #tpu.memory_space<vmem>> -> memref<80xi32, #tpu.memory_space<vmem>>
    %dma_start3A_33 = arith.constant 0 : i32
    %dma_start3A_34 = arith.constant 0 : i32
    %dma_start3A_35 = tpu.memref_slice %arg13[%dma_start3A_33, %dma_start3A_34] : memref<10240x64xf32, #tpu.memory_space<vmem_shared>> -> memref<10240x64xf32, #tpu.memory_space<vmem_shared>>
    tpu.enqueue_indirect_dma source(%arg9 : memref<80x64xf32, #tpu.memory_space<vmem>>) target(%dma_start3A_35 : memref<10240x64xf32, #tpu.memory_space<vmem_shared>>) offsets(%dma_start3A_32 : memref<80xi32, #tpu.memory_space<vmem>>) semaphore(%arg18 : memref<!tpu.dma_semaphore, #tpu.memory_space<semaphore_mem>>) {add = true}
    %multiple_of3A_36 = arith.constant 240 : i32
    %multiple_of3A_37 = tpu.assume_multiple %multiple_of3A_36, 8 : i32
    %dma_start3A_38 = tpu.memref_slice %arg7[%multiple_of3A_37] : memref<10000xi32, #tpu.memory_space<vmem>> -> memref<80xi32, #tpu.memory_space<vmem>>
    %dma_start3A_39 = arith.constant 0 : i32
    %dma_start3A_40 = arith.constant 0 : i32
    %dma_start3A_41 = tpu.memref_slice %arg4[%dma_start3A_39, %dma_start3A_40] : memref<10000x64xf32, #tpu.memory_space<hbm>> -> memref<10000x64xf32, #tpu.memory_space<hbm>>
    tpu.enqueue_indirect_dma source(%dma_start3A_41 : memref<10000x64xf32, #tpu.memory_space<hbm>>) target(%arg12 : memref<80x64xf32, #tpu.memory_space<vmem>>) offsets(%dma_start3A_38 : memref<80xi32, #tpu.memory_space<vmem>>) semaphore(%arg17 : memref<!tpu.dma_semaphore, #tpu.memory_space<semaphore_mem>>)
    %multiple_of3A_42 = arith.constant 80 : i32
    %multiple_of3A_43 = tpu.assume_multiple %multiple_of3A_42, 8 : i32
    %dma_wait3A_44 = tpu.memref_slice %arg7[%multiple_of3A_43] : memref<10000xi32, #tpu.memory_space<vmem>> -> memref<80xi32, #tpu.memory_space<vmem>>
    %dma_wait3A_45 = arith.constant 0 : i32
    %dma_wait3A_46 = arith.constant 0 : i32
    %dma_wait3A_47 = tpu.memref_slice %arg4[%dma_wait3A_45, %dma_wait3A_46] : memref<10000x64xf32, #tpu.memory_space<hbm>> -> memref<10000x64xf32, #tpu.memory_space<hbm>>
    tpu.wait_indirect_dma semaphore(%arg15 : memref<!tpu.dma_semaphore, #tpu.memory_space<semaphore_mem>>) src(%dma_wait3A_47 : memref<10000x64xf32, #tpu.memory_space<hbm>>) dst(%arg10 : memref<80x64xf32, #tpu.memory_space<vmem>>)
    %multiple_of3A_48 = arith.constant 80 : i32
    %multiple_of3A_49 = tpu.assume_multiple %multiple_of3A_48, 8 : i32
    %dma_start3A_50 = tpu.memref_slice %arg8[%multiple_of3A_49] : memref<10000xi32, #tpu.memory_space<vmem>> -> memref<80xi32, #tpu.memory_space<vmem>>
    %dma_start3A_51 = arith.constant 0 : i32
    %dma_start3A_52 = arith.constant 0 : i32
    %dma_start3A_53 = tpu.memref_slice %arg13[%dma_start3A_51, %dma_start3A_52] : memref<10240x64xf32, #tpu.memory_space<vmem_shared>> -> memref<10240x64xf32, #tpu.memory_space<vmem_shared>>
    tpu.enqueue_indirect_dma source(%arg10 : memref<80x64xf32, #tpu.memory_space<vmem>>) target(%dma_start3A_53 : memref<10240x64xf32, #tpu.memory_space<vmem_shared>>) offsets(%dma_start3A_50 : memref<80xi32, #tpu.memory_space<vmem>>) semaphore(%arg19 : memref<!tpu.dma_semaphore, #tpu.memory_space<semaphore_mem>>) {add = true}
    %scan3A = arith.constant 0 : i32
    %scan3A_54 = arith.constant 0 : i32
    %scan3A_55 = arith.constant 30 : i32
    %scan3A_56 = arith.addi %scan3A_54, %scan3A_55 : i32
    %scan3A_57 = arith.constant 1 : i32
    scf.for %scan3A_136 = %scan3A_54 to %scan3A_56 step %scan3A_57  : i32 {
      %mul3A_137 = arith.constant 4 : i32
      %mul3A_138 = arith.muli %scan3A_136, %mul3A_137 : i32
      %add3A_139 = arith.constant 2 : i32
      %add3A_140 = arith.addi %add3A_139, %mul3A_138 : i32
      %add3A_141 = arith.constant 0 : i32
      %add3A_142 = arith.addi %add3A_140, %add3A_141 : i32
      %sub3A = arith.constant 2 : i32
      %sub3A_143 = arith.subi %add3A_142, %sub3A : i32
      %mul3A_144 = arith.constant 80 : i32
      %mul3A_145 = arith.muli %sub3A_143, %mul3A_144 : i32
      %multiple_of3A_146 = tpu.assume_multiple %mul3A_145, 8 : i32
      %dma_wait3A_147 = tpu.memref_slice %arg8[%multiple_of3A_146] : memref<10000xi32, #tpu.memory_space<vmem>> -> memref<80xi32, #tpu.memory_space<vmem>>
      %dma_wait3A_148 = arith.constant 0 : i32
      %dma_wait3A_149 = arith.constant 0 : i32
      %dma_wait3A_150 = tpu.memref_slice %arg13[%dma_wait3A_148, %dma_wait3A_149] : memref<10240x64xf32, #tpu.memory_space<vmem_shared>> -> memref<10240x64xf32, #tpu.memory_space<vmem_shared>>
      tpu.wait_indirect_dma semaphore(%arg18 : memref<!tpu.dma_semaphore, #tpu.memory_space<semaphore_mem>>) src(%arg9 : memref<80x64xf32, #tpu.memory_space<vmem>>) dst(%dma_wait3A_150 : memref<10240x64xf32, #tpu.memory_space<vmem_shared>>)
      %add3A_151 = arith.constant 2 : i32
      %add3A_152 = arith.addi %add3A_142, %add3A_151 : i32
      %mul3A_153 = arith.constant 80 : i32
      %mul3A_154 = arith.muli %add3A_152, %mul3A_153 : i32
      %multiple_of3A_155 = tpu.assume_multiple %mul3A_154, 8 : i32
      %dma_start3A_156 = tpu.memref_slice %arg7[%multiple_of3A_155] : memref<10000xi32, #tpu.memory_space<vmem>> -> memref<80xi32, #tpu.memory_space<vmem>>
      %dma_start3A_157 = arith.constant 0 : i32
      %dma_start3A_158 = arith.constant 0 : i32
      %dma_start3A_159 = tpu.memref_slice %arg4[%dma_start3A_157, %dma_start3A_158] : memref<10000x64xf32, #tpu.memory_space<hbm>> -> memref<10000x64xf32, #tpu.memory_space<hbm>>
      tpu.enqueue_indirect_dma source(%dma_start3A_159 : memref<10000x64xf32, #tpu.memory_space<hbm>>) target(%arg9 : memref<80x64xf32, #tpu.memory_space<vmem>>) offsets(%dma_start3A_156 : memref<80xi32, #tpu.memory_space<vmem>>) semaphore(%arg14 : memref<!tpu.dma_semaphore, #tpu.memory_space<semaphore_mem>>)
      %mul3A_160 = arith.constant 80 : i32
      %mul3A_161 = arith.muli %add3A_142, %mul3A_160 : i32
      %multiple_of3A_162 = tpu.assume_multiple %mul3A_161, 8 : i32
      %dma_wait3A_163 = tpu.memref_slice %arg7[%multiple_of3A_162] : memref<10000xi32, #tpu.memory_space<vmem>> -> memref<80xi32, #tpu.memory_space<vmem>>
      %dma_wait3A_164 = arith.constant 0 : i32
      %dma_wait3A_165 = arith.constant 0 : i32
      %dma_wait3A_166 = tpu.memref_slice %arg4[%dma_wait3A_164, %dma_wait3A_165] : memref<10000x64xf32, #tpu.memory_space<hbm>> -> memref<10000x64xf32, #tpu.memory_space<hbm>>
      tpu.wait_indirect_dma semaphore(%arg16 : memref<!tpu.dma_semaphore, #tpu.memory_space<semaphore_mem>>) src(%dma_wait3A_166 : memref<10000x64xf32, #tpu.memory_space<hbm>>) dst(%arg11 : memref<80x64xf32, #tpu.memory_space<vmem>>)
      %mul3A_167 = arith.constant 80 : i32
      %mul3A_168 = arith.muli %add3A_142, %mul3A_167 : i32
      %multiple_of3A_169 = tpu.assume_multiple %mul3A_168, 8 : i32
      %dma_start3A_170 = tpu.memref_slice %arg8[%multiple_of3A_169] : memref<10000xi32, #tpu.memory_space<vmem>> -> memref<80xi32, #tpu.memory_space<vmem>>
      %dma_start3A_171 = arith.constant 0 : i32
      %dma_start3A_172 = arith.constant 0 : i32
      %dma_start3A_173 = tpu.memref_slice %arg13[%dma_start3A_171, %dma_start3A_172] : memref<10240x64xf32, #tpu.memory_space<vmem_shared>> -> memref<10240x64xf32, #tpu.memory_space<vmem_shared>>
      tpu.enqueue_indirect_dma source(%arg11 : memref<80x64xf32, #tpu.memory_space<vmem>>) target(%dma_start3A_173 : memref<10240x64xf32, #tpu.memory_space<vmem_shared>>) offsets(%dma_start3A_170 : memref<80xi32, #tpu.memory_space<vmem>>) semaphore(%arg20 : memref<!tpu.dma_semaphore, #tpu.memory_space<semaphore_mem>>) {add = true}
      %add3A_174 = arith.constant 1 : i32
      %add3A_175 = arith.addi %add3A_140, %add3A_174 : i32
      %sub3A_176 = arith.constant 2 : i32
      %sub3A_177 = arith.subi %add3A_175, %sub3A_176 : i32
      %mul3A_178 = arith.constant 80 : i32
      %mul3A_179 = arith.muli %sub3A_177, %mul3A_178 : i32
      %multiple_of3A_180 = tpu.assume_multiple %mul3A_179, 8 : i32
      %dma_wait3A_181 = tpu.memref_slice %arg8[%multiple_of3A_180] : memref<10000xi32, #tpu.memory_space<vmem>> -> memref<80xi32, #tpu.memory_space<vmem>>
      %dma_wait3A_182 = arith.constant 0 : i32
      %dma_wait3A_183 = arith.constant 0 : i32
      %dma_wait3A_184 = tpu.memref_slice %arg13[%dma_wait3A_182, %dma_wait3A_183] : memref<10240x64xf32, #tpu.memory_space<vmem_shared>> -> memref<10240x64xf32, #tpu.memory_space<vmem_shared>>
      tpu.wait_indirect_dma semaphore(%arg19 : memref<!tpu.dma_semaphore, #tpu.memory_space<semaphore_mem>>) src(%arg10 : memref<80x64xf32, #tpu.memory_space<vmem>>) dst(%dma_wait3A_184 : memref<10240x64xf32, #tpu.memory_space<vmem_shared>>)
      %add3A_185 = arith.constant 2 : i32
      %add3A_186 = arith.addi %add3A_175, %add3A_185 : i32
      %mul3A_187 = arith.constant 80 : i32
      %mul3A_188 = arith.muli %add3A_186, %mul3A_187 : i32
      %multiple_of3A_189 = tpu.assume_multiple %mul3A_188, 8 : i32
      %dma_start3A_190 = tpu.memref_slice %arg7[%multiple_of3A_189] : memref<10000xi32, #tpu.memory_space<vmem>> -> memref<80xi32, #tpu.memory_space<vmem>>
      %dma_start3A_191 = arith.constant 0 : i32
      %dma_start3A_192 = arith.constant 0 : i32
      %dma_start3A_193 = tpu.memref_slice %arg4[%dma_start3A_191, %dma_start3A_192] : memref<10000x64xf32, #tpu.memory_space<hbm>> -> memref<10000x64xf32, #tpu.memory_space<hbm>>
      tpu.enqueue_indirect_dma source(%dma_start3A_193 : memref<10000x64xf32, #tpu.memory_space<hbm>>) target(%arg10 : memref<80x64xf32, #tpu.memory_space<vmem>>) offsets(%dma_start3A_190 : memref<80xi32, #tpu.memory_space<vmem>>) semaphore(%arg15 : memref<!tpu.dma_semaphore, #tpu.memory_space<semaphore_mem>>)
      %mul3A_194 = arith.constant 80 : i32
      %mul3A_195 = arith.muli %add3A_175, %mul3A_194 : i32
      %multiple_of3A_196 = tpu.assume_multiple %mul3A_195, 8 : i32
      %dma_wait3A_197 = tpu.memref_slice %arg7[%multiple_of3A_196] : memref<10000xi32, #tpu.memory_space<vmem>> -> memref<80xi32, #tpu.memory_space<vmem>>
      %dma_wait3A_198 = arith.constant 0 : i32
      %dma_wait3A_199 = arith.constant 0 : i32
      %dma_wait3A_200 = tpu.memref_slice %arg4[%dma_wait3A_198, %dma_wait3A_199] : memref<10000x64xf32, #tpu.memory_space<hbm>> -> memref<10000x64xf32, #tpu.memory_space<hbm>>
      tpu.wait_indirect_dma semaphore(%arg17 : memref<!tpu.dma_semaphore, #tpu.memory_space<semaphore_mem>>) src(%dma_wait3A_200 : memref<10000x64xf32, #tpu.memory_space<hbm>>) dst(%arg12 : memref<80x64xf32, #tpu.memory_space<vmem>>)
      %mul3A_201 = arith.constant 80 : i32
      %mul3A_202 = arith.muli %add3A_175, %mul3A_201 : i32
      %multiple_of3A_203 = tpu.assume_multiple %mul3A_202, 8 : i32
      %dma_start3A_204 = tpu.memref_slice %arg8[%multiple_of3A_203] : memref<10000xi32, #tpu.memory_space<vmem>> -> memref<80xi32, #tpu.memory_space<vmem>>
      %dma_start3A_205 = arith.constant 0 : i32
      %dma_start3A_206 = arith.constant 0 : i32
      %dma_start3A_207 = tpu.memref_slice %arg13[%dma_start3A_205, %dma_start3A_206] : memref<10240x64xf32, #tpu.memory_space<vmem_shared>> -> memref<10240x64xf32, #tpu.memory_space<vmem_shared>>
      tpu.enqueue_indirect_dma source(%arg12 : memref<80x64xf32, #tpu.memory_space<vmem>>) target(%dma_start3A_207 : memref<10240x64xf32, #tpu.memory_space<vmem_shared>>) offsets(%dma_start3A_204 : memref<80xi32, #tpu.memory_space<vmem>>) semaphore(%arg21 : memref<!tpu.dma_semaphore, #tpu.memory_space<semaphore_mem>>) {add = true}
      %add3A_208 = arith.constant 2 : i32
      %add3A_209 = arith.addi %add3A_140, %add3A_208 : i32
      %sub3A_210 = arith.constant 2 : i32
      %sub3A_211 = arith.subi %add3A_209, %sub3A_210 : i32
      %mul3A_212 = arith.constant 80 : i32
      %mul3A_213 = arith.muli %sub3A_211, %mul3A_212 : i32
      %multiple_of3A_214 = tpu.assume_multiple %mul3A_213, 8 : i32
      %dma_wait3A_215 = tpu.memref_slice %arg8[%multiple_of3A_214] : memref<10000xi32, #tpu.memory_space<vmem>> -> memref<80xi32, #tpu.memory_space<vmem>>
      %dma_wait3A_216 = arith.constant 0 : i32
      %dma_wait3A_217 = arith.constant 0 : i32
      %dma_wait3A_218 = tpu.memref_slice %arg13[%dma_wait3A_216, %dma_wait3A_217] : memref<10240x64xf32, #tpu.memory_space<vmem_shared>> -> memref<10240x64xf32, #tpu.memory_space<vmem_shared>>
      tpu.wait_indirect_dma semaphore(%arg20 : memref<!tpu.dma_semaphore, #tpu.memory_space<semaphore_mem>>) src(%arg11 : memref<80x64xf32, #tpu.memory_space<vmem>>) dst(%dma_wait3A_218 : memref<10240x64xf32, #tpu.memory_space<vmem_shared>>)
      %add3A_219 = arith.constant 2 : i32
      %add3A_220 = arith.addi %add3A_209, %add3A_219 : i32
      %mul3A_221 = arith.constant 80 : i32
      %mul3A_222 = arith.muli %add3A_220, %mul3A_221 : i32
      %multiple_of3A_223 = tpu.assume_multiple %mul3A_222, 8 : i32
      %dma_start3A_224 = tpu.memref_slice %arg7[%multiple_of3A_223] : memref<10000xi32, #tpu.memory_space<vmem>> -> memref<80xi32, #tpu.memory_space<vmem>>
      %dma_start3A_225 = arith.constant 0 : i32
      %dma_start3A_226 = arith.constant 0 : i32
      %dma_start3A_227 = tpu.memref_slice %arg4[%dma_start3A_225, %dma_start3A_226] : memref<10000x64xf32, #tpu.memory_space<hbm>> -> memref<10000x64xf32, #tpu.memory_space<hbm>>
      tpu.enqueue_indirect_dma source(%dma_start3A_227 : memref<10000x64xf32, #tpu.memory_space<hbm>>) target(%arg11 : memref<80x64xf32, #tpu.memory_space<vmem>>) offsets(%dma_start3A_224 : memref<80xi32, #tpu.memory_space<vmem>>) semaphore(%arg16 : memref<!tpu.dma_semaphore, #tpu.memory_space<semaphore_mem>>)
      %mul3A_228 = arith.constant 80 : i32
      %mul3A_229 = arith.muli %add3A_209, %mul3A_228 : i32
      %multiple_of3A_230 = tpu.assume_multiple %mul3A_229, 8 : i32
      %dma_wait3A_231 = tpu.memref_slice %arg7[%multiple_of3A_230] : memref<10000xi32, #tpu.memory_space<vmem>> -> memref<80xi32, #tpu.memory_space<vmem>>
      %dma_wait3A_232 = arith.constant 0 : i32
      %dma_wait3A_233 = arith.constant 0 : i32
      %dma_wait3A_234 = tpu.memref_slice %arg4[%dma_wait3A_232, %dma_wait3A_233] : memref<10000x64xf32, #tpu.memory_space<hbm>> -> memref<10000x64xf32, #tpu.memory_space<hbm>>
      tpu.wait_indirect_dma semaphore(%arg14 : memref<!tpu.dma_semaphore, #tpu.memory_space<semaphore_mem>>) src(%dma_wait3A_234 : memref<10000x64xf32, #tpu.memory_space<hbm>>) dst(%arg9 : memref<80x64xf32, #tpu.memory_space<vmem>>)
      %mul3A_235 = arith.constant 80 : i32
      %mul3A_236 = arith.muli %add3A_209, %mul3A_235 : i32
      %multiple_of3A_237 = tpu.assume_multiple %mul3A_236, 8 : i32
      %dma_start3A_238 = tpu.memref_slice %arg8[%multiple_of3A_237] : memref<10000xi32, #tpu.memory_space<vmem>> -> memref<80xi32, #tpu.memory_space<vmem>>
      %dma_start3A_239 = arith.constant 0 : i32
      %dma_start3A_240 = arith.constant 0 : i32
      %dma_start3A_241 = tpu.memref_slice %arg13[%dma_start3A_239, %dma_start3A_240] : memref<10240x64xf32, #tpu.memory_space<vmem_shared>> -> memref<10240x64xf32, #tpu.memory_space<vmem_shared>>
      tpu.enqueue_indirect_dma source(%arg9 : memref<80x64xf32, #tpu.memory_space<vmem>>) target(%dma_start3A_241 : memref<10240x64xf32, #tpu.memory_space<vmem_shared>>) offsets(%dma_start3A_238 : memref<80xi32, #tpu.memory_space<vmem>>) semaphore(%arg18 : memref<!tpu.dma_semaphore, #tpu.memory_space<semaphore_mem>>) {add = true}
      %add3A_242 = arith.constant 3 : i32
      %add3A_243 = arith.addi %add3A_140, %add3A_242 : i32
      %sub3A_244 = arith.constant 2 : i32
      %sub3A_245 = arith.subi %add3A_243, %sub3A_244 : i32
      %mul3A_246 = arith.constant 80 : i32
      %mul3A_247 = arith.muli %sub3A_245, %mul3A_246 : i32
      %multiple_of3A_248 = tpu.assume_multiple %mul3A_247, 8 : i32
      %dma_wait3A_249 = tpu.memref_slice %arg8[%multiple_of3A_248] : memref<10000xi32, #tpu.memory_space<vmem>> -> memref<80xi32, #tpu.memory_space<vmem>>
      %dma_wait3A_250 = arith.constant 0 : i32
      %dma_wait3A_251 = arith.constant 0 : i32
      %dma_wait3A_252 = tpu.memref_slice %arg13[%dma_wait3A_250, %dma_wait3A_251] : memref<10240x64xf32, #tpu.memory_space<vmem_shared>> -> memref<10240x64xf32, #tpu.memory_space<vmem_shared>>
      tpu.wait_indirect_dma semaphore(%arg21 : memref<!tpu.dma_semaphore, #tpu.memory_space<semaphore_mem>>) src(%arg12 : memref<80x64xf32, #tpu.memory_space<vmem>>) dst(%dma_wait3A_252 : memref<10240x64xf32, #tpu.memory_space<vmem_shared>>)
      %add3A_253 = arith.constant 2 : i32
      %add3A_254 = arith.addi %add3A_243, %add3A_253 : i32
      %mul3A_255 = arith.constant 80 : i32
      %mul3A_256 = arith.muli %add3A_254, %mul3A_255 : i32
      %multiple_of3A_257 = tpu.assume_multiple %mul3A_256, 8 : i32
      %dma_start3A_258 = tpu.memref_slice %arg7[%multiple_of3A_257] : memref<10000xi32, #tpu.memory_space<vmem>> -> memref<80xi32, #tpu.memory_space<vmem>>
      %dma_start3A_259 = arith.constant 0 : i32
      %dma_start3A_260 = arith.constant 0 : i32
      %dma_start3A_261 = tpu.memref_slice %arg4[%dma_start3A_259, %dma_start3A_260] : memref<10000x64xf32, #tpu.memory_space<hbm>> -> memref<10000x64xf32, #tpu.memory_space<hbm>>
      tpu.enqueue_indirect_dma source(%dma_start3A_261 : memref<10000x64xf32, #tpu.memory_space<hbm>>) target(%arg12 : memref<80x64xf32, #tpu.memory_space<vmem>>) offsets(%dma_start3A_258 : memref<80xi32, #tpu.memory_space<vmem>>) semaphore(%arg17 : memref<!tpu.dma_semaphore, #tpu.memory_space<semaphore_mem>>)
      %mul3A_262 = arith.constant 80 : i32
      %mul3A_263 = arith.muli %add3A_243, %mul3A_262 : i32
      %multiple_of3A_264 = tpu.assume_multiple %mul3A_263, 8 : i32
      %dma_wait3A_265 = tpu.memref_slice %arg7[%multiple_of3A_264] : memref<10000xi32, #tpu.memory_space<vmem>> -> memref<80xi32, #tpu.memory_space<vmem>>
      %dma_wait3A_266 = arith.constant 0 : i32
      %dma_wait3A_267 = arith.constant 0 : i32
      %dma_wait3A_268 = tpu.memref_slice %arg4[%dma_wait3A_266, %dma_wait3A_267] : memref<10000x64xf32, #tpu.memory_space<hbm>> -> memref<10000x64xf32, #tpu.memory_space<hbm>>
      tpu.wait_indirect_dma semaphore(%arg15 : memref<!tpu.dma_semaphore, #tpu.memory_space<semaphore_mem>>) src(%dma_wait3A_268 : memref<10000x64xf32, #tpu.memory_space<hbm>>) dst(%arg10 : memref<80x64xf32, #tpu.memory_space<vmem>>)
      %mul3A_269 = arith.constant 80 : i32
      %mul3A_270 = arith.muli %add3A_243, %mul3A_269 : i32
      %multiple_of3A_271 = tpu.assume_multiple %mul3A_270, 8 : i32
      %dma_start3A_272 = tpu.memref_slice %arg8[%multiple_of3A_271] : memref<10000xi32, #tpu.memory_space<vmem>> -> memref<80xi32, #tpu.memory_space<vmem>>
      %dma_start3A_273 = arith.constant 0 : i32
      %dma_start3A_274 = arith.constant 0 : i32
      %dma_start3A_275 = tpu.memref_slice %arg13[%dma_start3A_273, %dma_start3A_274] : memref<10240x64xf32, #tpu.memory_space<vmem_shared>> -> memref<10240x64xf32, #tpu.memory_space<vmem_shared>>
      tpu.enqueue_indirect_dma source(%arg10 : memref<80x64xf32, #tpu.memory_space<vmem>>) target(%dma_start3A_275 : memref<10240x64xf32, #tpu.memory_space<vmem_shared>>) offsets(%dma_start3A_272 : memref<80xi32, #tpu.memory_space<vmem>>) semaphore(%arg19 : memref<!tpu.dma_semaphore, #tpu.memory_space<semaphore_mem>>) {add = true}
    }
    %scan3A_58 = arith.constant 30 : i32
    %multiple_of3A_59 = arith.constant 9600 : i32
    %multiple_of3A_60 = tpu.assume_multiple %multiple_of3A_59, 8 : i32
    %dma_wait3A_61 = tpu.memref_slice %arg8[%multiple_of3A_60] : memref<10000xi32, #tpu.memory_space<vmem>> -> memref<80xi32, #tpu.memory_space<vmem>>
    %dma_wait3A_62 = arith.constant 0 : i32
    %dma_wait3A_63 = arith.constant 0 : i32
    %dma_wait3A_64 = tpu.memref_slice %arg13[%dma_wait3A_62, %dma_wait3A_63] : memref<10240x64xf32, #tpu.memory_space<vmem_shared>> -> memref<10240x64xf32, #tpu.memory_space<vmem_shared>>
    tpu.wait_indirect_dma semaphore(%arg18 : memref<!tpu.dma_semaphore, #tpu.memory_space<semaphore_mem>>) src(%arg9 : memref<80x64xf32, #tpu.memory_space<vmem>>) dst(%dma_wait3A_64 : memref<10240x64xf32, #tpu.memory_space<vmem_shared>>)
    %multiple_of3A_65 = arith.constant 9920 : i32
    %multiple_of3A_66 = tpu.assume_multiple %multiple_of3A_65, 8 : i32
    %dma_start3A_67 = tpu.memref_slice %arg7[%multiple_of3A_66] : memref<10000xi32, #tpu.memory_space<vmem>> -> memref<80xi32, #tpu.memory_space<vmem>>
    %dma_start3A_68 = arith.constant 0 : i32
    %dma_start3A_69 = arith.constant 0 : i32
    %dma_start3A_70 = tpu.memref_slice %arg4[%dma_start3A_68, %dma_start3A_69] : memref<10000x64xf32, #tpu.memory_space<hbm>> -> memref<10000x64xf32, #tpu.memory_space<hbm>>
    tpu.enqueue_indirect_dma source(%dma_start3A_70 : memref<10000x64xf32, #tpu.memory_space<hbm>>) target(%arg9 : memref<80x64xf32, #tpu.memory_space<vmem>>) offsets(%dma_start3A_67 : memref<80xi32, #tpu.memory_space<vmem>>) semaphore(%arg14 : memref<!tpu.dma_semaphore, #tpu.memory_space<semaphore_mem>>)
    %multiple_of3A_71 = arith.constant 9760 : i32
    %multiple_of3A_72 = tpu.assume_multiple %multiple_of3A_71, 8 : i32
    %dma_wait3A_73 = tpu.memref_slice %arg7[%multiple_of3A_72] : memref<10000xi32, #tpu.memory_space<vmem>> -> memref<80xi32, #tpu.memory_space<vmem>>
    %dma_wait3A_74 = arith.constant 0 : i32
    %dma_wait3A_75 = arith.constant 0 : i32
    %dma_wait3A_76 = tpu.memref_slice %arg4[%dma_wait3A_74, %dma_wait3A_75] : memref<10000x64xf32, #tpu.memory_space<hbm>> -> memref<10000x64xf32, #tpu.memory_space<hbm>>
    tpu.wait_indirect_dma semaphore(%arg16 : memref<!tpu.dma_semaphore, #tpu.memory_space<semaphore_mem>>) src(%dma_wait3A_76 : memref<10000x64xf32, #tpu.memory_space<hbm>>) dst(%arg11 : memref<80x64xf32, #tpu.memory_space<vmem>>)
    %multiple_of3A_77 = arith.constant 9760 : i32
    %multiple_of3A_78 = tpu.assume_multiple %multiple_of3A_77, 8 : i32
    %dma_start3A_79 = tpu.memref_slice %arg8[%multiple_of3A_78] : memref<10000xi32, #tpu.memory_space<vmem>> -> memref<80xi32, #tpu.memory_space<vmem>>
    %dma_start3A_80 = arith.constant 0 : i32
    %dma_start3A_81 = arith.constant 0 : i32
    %dma_start3A_82 = tpu.memref_slice %arg13[%dma_start3A_80, %dma_start3A_81] : memref<10240x64xf32, #tpu.memory_space<vmem_shared>> -> memref<10240x64xf32, #tpu.memory_space<vmem_shared>>
    tpu.enqueue_indirect_dma source(%arg11 : memref<80x64xf32, #tpu.memory_space<vmem>>) target(%dma_start3A_82 : memref<10240x64xf32, #tpu.memory_space<vmem_shared>>) offsets(%dma_start3A_79 : memref<80xi32, #tpu.memory_space<vmem>>) semaphore(%arg20 : memref<!tpu.dma_semaphore, #tpu.memory_space<semaphore_mem>>) {add = true}
    %multiple_of3A_83 = arith.constant 9840 : i32
    %multiple_of3A_84 = tpu.assume_multiple %multiple_of3A_83, 8 : i32
    %dma_wait3A_85 = tpu.memref_slice %arg7[%multiple_of3A_84] : memref<10000xi32, #tpu.memory_space<vmem>> -> memref<80xi32, #tpu.memory_space<vmem>>
    %dma_wait3A_86 = arith.constant 0 : i32
    %dma_wait3A_87 = arith.constant 0 : i32
    %dma_wait3A_88 = tpu.memref_slice %arg4[%dma_wait3A_86, %dma_wait3A_87] : memref<10000x64xf32, #tpu.memory_space<hbm>> -> memref<10000x64xf32, #tpu.memory_space<hbm>>
    tpu.wait_indirect_dma semaphore(%arg17 : memref<!tpu.dma_semaphore, #tpu.memory_space<semaphore_mem>>) src(%dma_wait3A_88 : memref<10000x64xf32, #tpu.memory_space<hbm>>) dst(%arg12 : memref<80x64xf32, #tpu.memory_space<vmem>>)
    %multiple_of3A_89 = arith.constant 9840 : i32
    %multiple_of3A_90 = tpu.assume_multiple %multiple_of3A_89, 8 : i32
    %dma_start3A_91 = tpu.memref_slice %arg8[%multiple_of3A_90] : memref<10000xi32, #tpu.memory_space<vmem>> -> memref<80xi32, #tpu.memory_space<vmem>>
    %dma_start3A_92 = arith.constant 0 : i32
    %dma_start3A_93 = arith.constant 0 : i32
    %dma_start3A_94 = tpu.memref_slice %arg13[%dma_start3A_92, %dma_start3A_93] : memref<10240x64xf32, #tpu.memory_space<vmem_shared>> -> memref<10240x64xf32, #tpu.memory_space<vmem_shared>>
    tpu.enqueue_indirect_dma source(%arg12 : memref<80x64xf32, #tpu.memory_space<vmem>>) target(%dma_start3A_94 : memref<10240x64xf32, #tpu.memory_space<vmem_shared>>) offsets(%dma_start3A_91 : memref<80xi32, #tpu.memory_space<vmem>>) semaphore(%arg21 : memref<!tpu.dma_semaphore, #tpu.memory_space<semaphore_mem>>) {add = true}
    %multiple_of3A_95 = arith.constant 9920 : i32
    %multiple_of3A_96 = tpu.assume_multiple %multiple_of3A_95, 8 : i32
    %dma_wait3A_97 = tpu.memref_slice %arg7[%multiple_of3A_96] : memref<10000xi32, #tpu.memory_space<vmem>> -> memref<80xi32, #tpu.memory_space<vmem>>
    %dma_wait3A_98 = arith.constant 0 : i32
    %dma_wait3A_99 = arith.constant 0 : i32
    %dma_wait3A_100 = tpu.memref_slice %arg4[%dma_wait3A_98, %dma_wait3A_99] : memref<10000x64xf32, #tpu.memory_space<hbm>> -> memref<10000x64xf32, #tpu.memory_space<hbm>>
    tpu.wait_indirect_dma semaphore(%arg14 : memref<!tpu.dma_semaphore, #tpu.memory_space<semaphore_mem>>) src(%dma_wait3A_100 : memref<10000x64xf32, #tpu.memory_space<hbm>>) dst(%arg9 : memref<80x64xf32, #tpu.memory_space<vmem>>)
    %multiple_of3A_101 = arith.constant 9920 : i32
    %multiple_of3A_102 = tpu.assume_multiple %multiple_of3A_101, 8 : i32
    %dma_start3A_103 = tpu.memref_slice %arg8[%multiple_of3A_102] : memref<10000xi32, #tpu.memory_space<vmem>> -> memref<80xi32, #tpu.memory_space<vmem>>
    %dma_start3A_104 = arith.constant 0 : i32
    %dma_start3A_105 = arith.constant 0 : i32
    %dma_start3A_106 = tpu.memref_slice %arg13[%dma_start3A_104, %dma_start3A_105] : memref<10240x64xf32, #tpu.memory_space<vmem_shared>> -> memref<10240x64xf32, #tpu.memory_space<vmem_shared>>
    tpu.enqueue_indirect_dma source(%arg9 : memref<80x64xf32, #tpu.memory_space<vmem>>) target(%dma_start3A_106 : memref<10240x64xf32, #tpu.memory_space<vmem_shared>>) offsets(%dma_start3A_103 : memref<80xi32, #tpu.memory_space<vmem>>) semaphore(%arg18 : memref<!tpu.dma_semaphore, #tpu.memory_space<semaphore_mem>>) {add = true}
    %multiple_of3A_107 = arith.constant 9680 : i32
    %multiple_of3A_108 = tpu.assume_multiple %multiple_of3A_107, 8 : i32
    %dma_wait3A_109 = tpu.memref_slice %arg8[%multiple_of3A_108] : memref<10000xi32, #tpu.memory_space<vmem>> -> memref<80xi32, #tpu.memory_space<vmem>>
    %dma_wait3A_110 = arith.constant 0 : i32
    %dma_wait3A_111 = arith.constant 0 : i32
    %dma_wait3A_112 = tpu.memref_slice %arg13[%dma_wait3A_110, %dma_wait3A_111] : memref<10240x64xf32, #tpu.memory_space<vmem_shared>> -> memref<10240x64xf32, #tpu.memory_space<vmem_shared>>
    tpu.wait_indirect_dma semaphore(%arg19 : memref<!tpu.dma_semaphore, #tpu.memory_space<semaphore_mem>>) src(%arg10 : memref<80x64xf32, #tpu.memory_space<vmem>>) dst(%dma_wait3A_112 : memref<10240x64xf32, #tpu.memory_space<vmem_shared>>)
    %multiple_of3A_113 = arith.constant 9760 : i32
    %multiple_of3A_114 = tpu.assume_multiple %multiple_of3A_113, 8 : i32
    %dma_wait3A_115 = tpu.memref_slice %arg8[%multiple_of3A_114] : memref<10000xi32, #tpu.memory_space<vmem>> -> memref<80xi32, #tpu.memory_space<vmem>>
    %dma_wait3A_116 = arith.constant 0 : i32
    %dma_wait3A_117 = arith.constant 0 : i32
    %dma_wait3A_118 = tpu.memref_slice %arg13[%dma_wait3A_116, %dma_wait3A_117] : memref<10240x64xf32, #tpu.memory_space<vmem_shared>> -> memref<10240x64xf32, #tpu.memory_space<vmem_shared>>
    tpu.wait_indirect_dma semaphore(%arg20 : memref<!tpu.dma_semaphore, #tpu.memory_space<semaphore_mem>>) src(%arg11 : memref<80x64xf32, #tpu.memory_space<vmem>>) dst(%dma_wait3A_118 : memref<10240x64xf32, #tpu.memory_space<vmem_shared>>)
    %multiple_of3A_119 = arith.constant 9840 : i32
    %multiple_of3A_120 = tpu.assume_multiple %multiple_of3A_119, 8 : i32
    %dma_wait3A_121 = tpu.memref_slice %arg8[%multiple_of3A_120] : memref<10000xi32, #tpu.memory_space<vmem>> -> memref<80xi32, #tpu.memory_space<vmem>>
    %dma_wait3A_122 = arith.constant 0 : i32
    %dma_wait3A_123 = arith.constant 0 : i32
    %dma_wait3A_124 = tpu.memref_slice %arg13[%dma_wait3A_122, %dma_wait3A_123] : memref<10240x64xf32, #tpu.memory_space<vmem_shared>> -> memref<10240x64xf32, #tpu.memory_space<vmem_shared>>
    tpu.wait_indirect_dma semaphore(%arg21 : memref<!tpu.dma_semaphore, #tpu.memory_space<semaphore_mem>>) src(%arg12 : memref<80x64xf32, #tpu.memory_space<vmem>>) dst(%dma_wait3A_124 : memref<10240x64xf32, #tpu.memory_space<vmem_shared>>)
    %multiple_of3A_125 = arith.constant 9920 : i32
    %multiple_of3A_126 = tpu.assume_multiple %multiple_of3A_125, 8 : i32
    %dma_wait3A_127 = tpu.memref_slice %arg8[%multiple_of3A_126] : memref<10000xi32, #tpu.memory_space<vmem>> -> memref<80xi32, #tpu.memory_space<vmem>>
    %dma_wait3A_128 = arith.constant 0 : i32
    %dma_wait3A_129 = arith.constant 0 : i32
    %dma_wait3A_130 = tpu.memref_slice %arg13[%dma_wait3A_128, %dma_wait3A_129] : memref<10240x64xf32, #tpu.memory_space<vmem_shared>> -> memref<10240x64xf32, #tpu.memory_space<vmem_shared>>
    tpu.wait_indirect_dma semaphore(%arg18 : memref<!tpu.dma_semaphore, #tpu.memory_space<semaphore_mem>>) src(%arg9 : memref<80x64xf32, #tpu.memory_space<vmem>>) dst(%dma_wait3A_130 : memref<10240x64xf32, #tpu.memory_space<vmem_shared>>)
    %barrier3A_131 = arith.constant 0 : index
    tpu.barrier barrier_id(%barrier3A_131)
    %mul3A_132 = arith.constant 640 : i32
    %mul3A_133 = arith.muli %arg1, %mul3A_132 : i32
    %mul3A_134 = arith.constant 640 : i32
    %mul3A_135 = arith.muli %arg1, %mul3A_134 : i32
    "tpu.region"() ({
      %run_scoped3A = tpu.sem_alloc : memref<!tpu.dma_semaphore, #tpu.memory_space<semaphore_mem>>
      %dma_start3A_136 = arith.constant 0 : i32
      %dma_start3A_137 = tpu.memref_slice %arg6[%arg0, %mul3A_135, %dma_start3A_136] : memref<2x10240x64xf32, #tpu.memory_space<hbm>> -> memref<1x640x64xf32, #tpu.memory_space<hbm>>
      %dma_start3A_138 = tpu.memref_squeeze %dma_start3A_137 : memref<1x640x64xf32, #tpu.memory_space<hbm>> -> memref<640x64xf32, #tpu.memory_space<hbm>>
      %dma_start3A_139 = arith.constant 0 : i32
      %dma_start3A_140 = tpu.memref_slice %arg13[%mul3A_133, %dma_start3A_139] : memref<10240x64xf32, #tpu.memory_space<vmem_shared>> -> memref<640x64xf32, #tpu.memory_space<vmem_shared>>
      tpu.enqueue_dma source(%dma_start3A_140 : memref<640x64xf32, #tpu.memory_space<vmem_shared>>) target(%dma_start3A_138 : memref<640x64xf32, #tpu.memory_space<hbm>>) target_semaphore(%run_scoped3A : memref<!tpu.dma_semaphore, #tpu.memory_space<semaphore_mem>>)
      %dma_wait3A_141 = arith.constant 0 : i32
      %dma_wait3A_142 = tpu.memref_slice %arg6[%arg0, %mul3A_135, %dma_wait3A_141] : memref<2x10240x64xf32, #tpu.memory_space<hbm>> -> memref<1x640x64xf32, #tpu.memory_space<hbm>>
      %dma_wait3A_143 = tpu.memref_squeeze %dma_wait3A_142 : memref<1x640x64xf32, #tpu.memory_space<hbm>> -> memref<640x64xf32, #tpu.memory_space<hbm>>
      %dma_wait3A_144 = arith.constant 0 : i32
      %dma_wait3A_145 = tpu.memref_slice %arg13[%mul3A_133, %dma_wait3A_144] : memref<10240x64xf32, #tpu.memory_space<vmem_shared>> -> memref<640x64xf32, #tpu.memory_space<vmem_shared>>
      tpu.wait_dma2 semaphore(%run_scoped3A : memref<!tpu.dma_semaphore, #tpu.memory_space<semaphore_mem>>) src(%dma_wait3A_145 : memref<640x64xf32, #tpu.memory_space<vmem_shared>>) dst(%dma_wait3A_143 : memref<640x64xf32, #tpu.memory_space<hbm>>)
      tpu.yield
    }) : () -> ()
    return
  }
}

module attributes {stable_mosaic.version = 14 : i64} {
  func.func @_tc_a_body(%arg0: i32, %arg1: memref<2x2x2000x16xf32, #tpu.memory_space<vmem>>, %arg2: memref<2000x128xf32, #tpu.memory_space<vmem>>, %arg3: memref<128x64xf32, #tpu.memory_space<vmem>>, %arg4: memref<2000x64xf32, #tpu.memory_space<vmem>>, %arg5: memref<1x2x2000xf32, #tpu.memory_space<vmem>>) attributes {dimension_semantics = [#tpu.dimension_semantics<arbitrary>], iteration_bounds = array<i64: 5>, scalar_prefetch = 0 : i64, scratch_operands = 0 : i64, tpu.core_type = #tpu.core_type<tc>, window_params = [{transform_indices = @transform_0, window_bounds = array<i64: 2, 2, 2000, 16>}, {transform_indices = @transform_1, window_bounds = array<i64: 2000, 128>}, {pipeline_mode = #tpu.pipeline_mode<synchronous>, transform_indices = @transform_2, window_bounds = array<i64: 128, 64>}, {transform_indices = @transform_3, window_bounds = array<i64: 2000, 64>}, {transform_indices = @transform_4, window_bounds = array<i64: 1, 2, 2000>}]} {
    %get3A = arith.constant 0 : index
    %get3A_0 = arith.constant 0 : index
    %get3A_1 = arith.constant 0 : index
    %get3A_2 = arith.constant 0 : index
    %get3A_3 = vector.load %arg1[%get3A, %get3A_0, %get3A_1, %get3A_2] : memref<2x2x2000x16xf32, #tpu.memory_space<vmem>>, vector<2x2x2000x16xf32>
    %reduce_sum3A = arith.constant dense<0.000000e+00> : vector<2x2000xf32>
    %reduce_sum3A_4 = vector.multi_reduction <add>, %get3A_3, %reduce_sum3A [0, 3] : vector<2x2x2000x16xf32> to vector<2x2000xf32>
    %mul3A = arith.constant 6.250000e-02 : f32
    %mul3A_5 = vector.broadcast %mul3A : f32 to vector<2x2000xf32>
    %mul3A_6 = arith.mulf %reduce_sum3A_4, %mul3A_5 : vector<2x2000xf32>
    %max3A = arith.constant 1.000000e+00 : f32
    %max3A_7 = vector.broadcast %max3A : f32 to vector<2x2000xf32>
    %max3A_8 = arith.maximumf %mul3A_6, %max3A_7 : vector<2x2000xf32>
    %rsqrt3A = math.rsqrt %max3A_8 : vector<2x2000xf32>
    %broadcast_in_dim3A = vector.shape_cast %rsqrt3A : vector<2x2000xf32> to vector<1x2x2000xf32>
    %swap3A = arith.constant 0 : index
    %swap3A_9 = arith.constant 0 : index
    %swap3A_10 = arith.constant 0 : index
    %swap3A_11 = vector.load %arg5[%swap3A, %swap3A_9, %swap3A_10] : memref<1x2x2000xf32, #tpu.memory_space<vmem>>, vector<1x2x2000xf32>
    tpu.vector_store %arg5[%swap3A, %swap3A_9, %swap3A_10], %broadcast_in_dim3A {strides = array<i32>} : memref<1x2x2000xf32, #tpu.memory_space<vmem>>, vector<1x2x2000xf32>,
    %get3A_12 = arith.constant 0 : index
    %get3A_13 = arith.constant 0 : index
    %get3A_14 = vector.load %arg2[%get3A_12, %get3A_13] : memref<2000x128xf32, #tpu.memory_space<vmem>>, vector<2000x128xf32>
    %get3A_15 = arith.constant 0 : index
    %get3A_16 = arith.constant 0 : index
    %get3A_17 = vector.load %arg3[%get3A_15, %get3A_16] : memref<128x64xf32, #tpu.memory_space<vmem>>, vector<128x64xf32>
    %dot_general3A = arith.constant dense<0.000000e+00> : vector<2000x64xf32>
    %dot_general3A_18 = tpu.matmul %get3A_14, %get3A_17, %dot_general3A {dimension_numbers = #tpu.dot_dimension_numbers<[1], [0], [0], [1], [0, 0, 1, 1], [], []>, transpose_lhs_hint = false} : vector<2000x128xf32>, vector<128x64xf32>, vector<2000x64xf32> -> vector<2000x64xf32>
    %slice3A = vector.extract_strided_slice %rsqrt3A {offsets = [0, 0], sizes = [1, 2000], strides = [1, 1]} : vector<2x2000xf32> to vector<1x2000xf32>
    %squeeze3A = vector.shape_cast %slice3A : vector<1x2000xf32> to vector<2000xf32>
    %broadcast_in_dim3A_19 = vector.shape_cast %squeeze3A : vector<2000xf32> to vector<2000x1xf32>
    %mul3A_20 = vector.broadcast %broadcast_in_dim3A_19 : vector<2000x1xf32> to vector<2000x64xf32>
    %mul3A_21 = arith.mulf %dot_general3A_18, %mul3A_20 : vector<2000x64xf32>
    %swap3A_22 = arith.constant 0 : index
    %swap3A_23 = arith.constant 0 : index
    %swap3A_24 = vector.load %arg4[%swap3A_22, %swap3A_23] : memref<2000x64xf32, #tpu.memory_space<vmem>>, vector<2000x64xf32>
    tpu.vector_store %arg4[%swap3A_22, %swap3A_23], %mul3A_21 {strides = array<i32>} : memref<2000x64xf32, #tpu.memory_space<vmem>>, vector<2000x64xf32>,
    return
  }
  func.func @transform_0(%arg0: i32) -> (i32, i32, i32, i32) {
    %c0_i32 = arith.constant 0 : i32
    %c0_i32_0 = arith.constant 0 : i32
    %c0_i32_1 = arith.constant 0 : i32
    %c0_i32_2 = arith.constant 0 : i32
    return %c0_i32, %c0_i32_0, %arg0, %c0_i32_1 : i32, i32, i32, i32
  }
  func.func @transform_1(%arg0: i32) -> (i32, i32) {
    %c0_i32 = arith.constant 0 : i32
    %c0_i32_0 = arith.constant 0 : i32
    return %arg0, %c0_i32 : i32, i32
  }
  func.func @transform_2(%arg0: i32) -> (i32, i32) {
    %c0_i32 = arith.constant 0 : i32
    %c0_i32_0 = arith.constant 0 : i32
    %c0_i32_1 = arith.constant 0 : i32
    return %c0_i32, %c0_i32_0 : i32, i32
  }
  func.func @transform_3(%arg0: i32) -> (i32, i32) {
    %c0_i32 = arith.constant 0 : i32
    %c0_i32_0 = arith.constant 0 : i32
    return %arg0, %c0_i32 : i32, i32
  }
  func.func @transform_4(%arg0: i32) -> (i32, i32, i32) {
    %c0_i32 = arith.constant 0 : i32
    %c0_i32_0 = arith.constant 0 : i32
    %c0_i32_1 = arith.constant 0 : i32
    return %arg0, %c0_i32, %c0_i32_0 : i32, i32, i32
  }
}

module attributes {stable_mosaic.version = 14 : i64} {
  func.func @_tc_b_body(%arg0: i32, %arg1: memref<2x2000x64xf32, #tpu.memory_space<vmem>>, %arg2: memref<1x2x2000xf32, #tpu.memory_space<vmem>>, %arg3: memref<64x64xf32, #tpu.memory_space<vmem>>, %arg4: memref<2000x64xf32, #tpu.memory_space<vmem>>) attributes {dimension_semantics = [#tpu.dimension_semantics<arbitrary>], iteration_bounds = array<i64: 5>, scalar_prefetch = 0 : i64, scratch_operands = 0 : i64, tpu.core_type = #tpu.core_type<tc>, window_params = [{transform_indices = @transform_0, window_bounds = array<i64: 2, 2000, 64>}, {transform_indices = @transform_1, window_bounds = array<i64: 1, 2, 2000>}, {pipeline_mode = #tpu.pipeline_mode<synchronous>, transform_indices = @transform_2, window_bounds = array<i64: 64, 64>}, {transform_indices = @transform_3, window_bounds = array<i64: 2000, 64>}]} {
    %get3A = arith.constant 0 : index
    %get3A_0 = arith.constant 0 : index
    %get3A_1 = arith.constant 0 : index
    %get3A_2 = vector.load %arg2[%get3A, %get3A_0, %get3A_1] : memref<1x2x2000xf32, #tpu.memory_space<vmem>>, vector<1x2x2000xf32>
    %get3A_3 = vector.shape_cast %get3A_2 : vector<1x2x2000xf32> to vector<2x2000xf32>
    %get3A_4 = arith.constant 0 : index
    %get3A_5 = arith.constant 0 : index
    %get3A_6 = arith.constant 0 : index
    %get3A_7 = vector.load %arg1[%get3A_4, %get3A_5, %get3A_6] : memref<2x2000x64xf32, #tpu.memory_space<vmem>>, vector<2x2000x64xf32>
    %slice3A = vector.extract_strided_slice %get3A_7 {offsets = [0, 0, 0], sizes = [1, 2000, 64], strides = [1, 1, 1]} : vector<2x2000x64xf32> to vector<1x2000x64xf32>
    %squeeze3A = vector.shape_cast %slice3A : vector<1x2000x64xf32> to vector<2000x64xf32>
    %slice3A_8 = vector.extract_strided_slice %get3A_7 {offsets = [1, 0, 0], sizes = [1, 2000, 64], strides = [1, 1, 1]} : vector<2x2000x64xf32> to vector<1x2000x64xf32>
    %squeeze3A_9 = vector.shape_cast %slice3A_8 : vector<1x2000x64xf32> to vector<2000x64xf32>
    %add3A = arith.addf %squeeze3A, %squeeze3A_9 : vector<2000x64xf32>
    %slice3A_10 = vector.extract_strided_slice %get3A_3 {offsets = [1, 0], sizes = [1, 2000], strides = [1, 1]} : vector<2x2000xf32> to vector<1x2000xf32>
    %squeeze3A_11 = vector.shape_cast %slice3A_10 : vector<1x2000xf32> to vector<2000xf32>
    %broadcast_in_dim3A = vector.shape_cast %squeeze3A_11 : vector<2000xf32> to vector<2000x1xf32>
    %mul3A = vector.broadcast %broadcast_in_dim3A : vector<2000x1xf32> to vector<2000x64xf32>
    %mul3A_12 = arith.mulf %add3A, %mul3A : vector<2000x64xf32>
    %tanh3A = math.tanh %mul3A_12 : vector<2000x64xf32>
    %get3A_13 = arith.constant 0 : index
    %get3A_14 = arith.constant 0 : index
    %get3A_15 = vector.load %arg3[%get3A_13, %get3A_14] : memref<64x64xf32, #tpu.memory_space<vmem>>, vector<64x64xf32>
    %dot_general3A = arith.constant dense<0.000000e+00> : vector<2000x64xf32>
    %dot_general3A_16 = tpu.matmul %tanh3A, %get3A_15, %dot_general3A {dimension_numbers = #tpu.dot_dimension_numbers<[1], [0], [0], [1], [0, 0, 1, 1], [], []>, transpose_lhs_hint = false} : vector<2000x64xf32>, vector<64x64xf32>, vector<2000x64xf32> -> vector<2000x64xf32>
    %slice3A_17 = vector.extract_strided_slice %get3A_3 {offsets = [0, 0], sizes = [1, 2000], strides = [1, 1]} : vector<2x2000xf32> to vector<1x2000xf32>
    %squeeze3A_18 = vector.shape_cast %slice3A_17 : vector<1x2000xf32> to vector<2000xf32>
    %broadcast_in_dim3A_19 = vector.shape_cast %squeeze3A_18 : vector<2000xf32> to vector<2000x1xf32>
    %mul3A_20 = vector.broadcast %broadcast_in_dim3A_19 : vector<2000x1xf32> to vector<2000x64xf32>
    %mul3A_21 = arith.mulf %dot_general3A_16, %mul3A_20 : vector<2000x64xf32>
    %swap3A = arith.constant 0 : index
    %swap3A_22 = arith.constant 0 : index
    %swap3A_23 = vector.load %arg4[%swap3A, %swap3A_22] : memref<2000x64xf32, #tpu.memory_space<vmem>>, vector<2000x64xf32>
    tpu.vector_store %arg4[%swap3A, %swap3A_22], %mul3A_21 {strides = array<i32>} : memref<2000x64xf32, #tpu.memory_space<vmem>>, vector<2000x64xf32>,
    return
  }
  func.func @transform_0(%arg0: i32) -> (i32, i32, i32) {
    %c0_i32 = arith.constant 0 : i32
    %c0_i32_0 = arith.constant 0 : i32
    %c0_i32_1 = arith.constant 0 : i32
    return %c0_i32, %arg0, %c0_i32_0 : i32, i32, i32
  }
  func.func @transform_1(%arg0: i32) -> (i32, i32, i32) {
    %c0_i32 = arith.constant 0 : i32
    %c0_i32_0 = arith.constant 0 : i32
    %c0_i32_1 = arith.constant 0 : i32
    return %arg0, %c0_i32, %c0_i32_0 : i32, i32, i32
  }
  func.func @transform_2(%arg0: i32) -> (i32, i32) {
    %c0_i32 = arith.constant 0 : i32
    %c0_i32_0 = arith.constant 0 : i32
    %c0_i32_1 = arith.constant 0 : i32
    return %c0_i32, %c0_i32_0 : i32, i32
  }
  func.func @transform_3(%arg0: i32) -> (i32, i32) {
    %c0_i32 = arith.constant 0 : i32
    %c0_i32_0 = arith.constant 0 : i32
    return %arg0, %c0_i32 : i32, i32
  }
}

module attributes {stable_mosaic.version = 14 : i64} {
  func.func @_tc_c_body(%arg0: i32, %arg1: memref<2x2000x64xf32, #tpu.memory_space<vmem>>, %arg2: memref<1x2x2000xf32, #tpu.memory_space<vmem>>, %arg3: memref<2000x32xf32, #tpu.memory_space<vmem>>, %arg4: memref<2000x32xf32, #tpu.memory_space<vmem>>, %arg5: memref<2000x32xf32, #tpu.memory_space<vmem>>, %arg6: memref<2000x32xf32, #tpu.memory_space<vmem>>) attributes {dimension_semantics = [#tpu.dimension_semantics<arbitrary>], iteration_bounds = array<i64: 5>, scalar_prefetch = 0 : i64, scratch_operands = 0 : i64, tpu.core_type = #tpu.core_type<tc>, window_params = [{transform_indices = @transform_0, window_bounds = array<i64: 2, 2000, 64>}, {transform_indices = @transform_1, window_bounds = array<i64: 1, 2, 2000>}, {transform_indices = @transform_2, window_bounds = array<i64: 2000, 32>}, {transform_indices = @transform_3, window_bounds = array<i64: 2000, 32>}, {transform_indices = @transform_4, window_bounds = array<i64: 2000, 32>}, {transform_indices = @transform_5, window_bounds = array<i64: 2000, 32>}]} {
    %get3A = arith.constant 0 : index
    %get3A_0 = arith.constant 0 : index
    %get3A_1 = arith.constant 0 : index
    %get3A_2 = vector.load %arg2[%get3A, %get3A_0, %get3A_1] : memref<1x2x2000xf32, #tpu.memory_space<vmem>>, vector<1x2x2000xf32>
    %get3A_3 = vector.shape_cast %get3A_2 : vector<1x2x2000xf32> to vector<2x2000xf32>
    %get3A_4 = arith.constant 0 : index
    %get3A_5 = arith.constant 0 : index
    %get3A_6 = arith.constant 0 : index
    %get3A_7 = vector.load %arg1[%get3A_4, %get3A_5, %get3A_6] : memref<2x2000x64xf32, #tpu.memory_space<vmem>>, vector<2x2000x64xf32>
    %slice3A = vector.extract_strided_slice %get3A_7 {offsets = [0, 0, 0], sizes = [1, 2000, 64], strides = [1, 1, 1]} : vector<2x2000x64xf32> to vector<1x2000x64xf32>
    %squeeze3A = vector.shape_cast %slice3A : vector<1x2000x64xf32> to vector<2000x64xf32>
    %slice3A_8 = vector.extract_strided_slice %get3A_7 {offsets = [1, 0, 0], sizes = [1, 2000, 64], strides = [1, 1, 1]} : vector<2x2000x64xf32> to vector<1x2000x64xf32>
    %squeeze3A_9 = vector.shape_cast %slice3A_8 : vector<1x2000x64xf32> to vector<2000x64xf32>
    %add3A = arith.addf %squeeze3A, %squeeze3A_9 : vector<2000x64xf32>
    %slice3A_10 = vector.extract_strided_slice %get3A_3 {offsets = [1, 0], sizes = [1, 2000], strides = [1, 1]} : vector<2x2000xf32> to vector<1x2000xf32>
    %squeeze3A_11 = vector.shape_cast %slice3A_10 : vector<1x2000xf32> to vector<2000xf32>
    %broadcast_in_dim3A = vector.shape_cast %squeeze3A_11 : vector<2000xf32> to vector<2000x1xf32>
    %mul3A = vector.broadcast %broadcast_in_dim3A : vector<2000x1xf32> to vector<2000x64xf32>
    %mul3A_12 = arith.mulf %add3A, %mul3A : vector<2000x64xf32>
    %slice3A_13 = vector.extract_strided_slice %mul3A_12 {offsets = [0, 0], sizes = [2000, 32], strides = [1, 1]} : vector<2000x64xf32> to vector<2000x32xf32>
    %slice3A_14 = vector.extract_strided_slice %mul3A_12 {offsets = [0, 32], sizes = [2000, 32], strides = [1, 1]} : vector<2000x64xf32> to vector<2000x32xf32>
    %max3A = arith.constant 0.000000e+00 : f32
    %max3A_15 = vector.broadcast %max3A : f32 to vector<2000x32xf32>
    %max3A_16 = arith.maximumf %slice3A_14, %max3A_15 : vector<2000x32xf32>
    %add3A_17 = arith.constant 9.99999974E-5 : f32
    %add3A_18 = vector.broadcast %add3A_17 : f32 to vector<2000x32xf32>
    %add3A_19 = arith.addf %max3A_16, %add3A_18 : vector<2000x32xf32>
    %swap3A = arith.constant 0 : index
    %swap3A_20 = arith.constant 0 : index
    %swap3A_21 = vector.load %arg5[%swap3A, %swap3A_20] : memref<2000x32xf32, #tpu.memory_space<vmem>>, vector<2000x32xf32>
    tpu.vector_store %arg5[%swap3A, %swap3A_20], %slice3A_13 {strides = array<i32>} : memref<2000x32xf32, #tpu.memory_space<vmem>>, vector<2000x32xf32>,
    %swap3A_22 = arith.constant 0 : index
    %swap3A_23 = arith.constant 0 : index
    %swap3A_24 = vector.load %arg6[%swap3A_22, %swap3A_23] : memref<2000x32xf32, #tpu.memory_space<vmem>>, vector<2000x32xf32>
    tpu.vector_store %arg6[%swap3A_22, %swap3A_23], %add3A_19 {strides = array<i32>} : memref<2000x32xf32, #tpu.memory_space<vmem>>, vector<2000x32xf32>,
    %get3A_25 = arith.constant 0 : index
    %get3A_26 = arith.constant 0 : index
    %get3A_27 = vector.load %arg3[%get3A_25, %get3A_26] : memref<2000x32xf32, #tpu.memory_space<vmem>>, vector<2000x32xf32>
    %mul3A_28 = arith.mulf %get3A_27, %add3A_19 : vector<2000x32xf32>
    %add3A_29 = arith.addf %mul3A_28, %slice3A_13 : vector<2000x32xf32>
    %swap3A_30 = arith.constant 0 : index
    %swap3A_31 = arith.constant 0 : index
    %swap3A_32 = vector.load %arg4[%swap3A_30, %swap3A_31] : memref<2000x32xf32, #tpu.memory_space<vmem>>, vector<2000x32xf32>
    tpu.vector_store %arg4[%swap3A_30, %swap3A_31], %add3A_29 {strides = array<i32>} : memref<2000x32xf32, #tpu.memory_space<vmem>>, vector<2000x32xf32>,
    return
  }
  func.func @transform_0(%arg0: i32) -> (i32, i32, i32) {
    %c0_i32 = arith.constant 0 : i32
    %c0_i32_0 = arith.constant 0 : i32
    %c0_i32_1 = arith.constant 0 : i32
    return %c0_i32, %arg0, %c0_i32_0 : i32, i32, i32
  }
  func.func @transform_1(%arg0: i32) -> (i32, i32, i32) {
    %c0_i32 = arith.constant 0 : i32
    %c0_i32_0 = arith.constant 0 : i32
    %c0_i32_1 = arith.constant 0 : i32
    return %arg0, %c0_i32, %c0_i32_0 : i32, i32, i32
  }
  func.func @transform_2(%arg0: i32) -> (i32, i32) {
    %c0_i32 = arith.constant 0 : i32
    %c0_i32_0 = arith.constant 0 : i32
    return %arg0, %c0_i32 : i32, i32
  }
  func.func @transform_3(%arg0: i32) -> (i32, i32) {
    %c0_i32 = arith.constant 0 : i32
    %c0_i32_0 = arith.constant 0 : i32
    return %arg0, %c0_i32 : i32, i32
  }
  func.func @transform_4(%arg0: i32) -> (i32, i32) {
    %c0_i32 = arith.constant 0 : i32
    %c0_i32_0 = arith.constant 0 : i32
    return %arg0, %c0_i32 : i32, i32
  }
  func.func @transform_5(%arg0: i32) -> (i32, i32) {
    %c0_i32 = arith.constant 0 : i32
    %c0_i32_0 = arith.constant 0 : i32
    return %arg0, %c0_i32 : i32, i32
  }
}

</mosaic_0001>

<sc_bundles>
// kernel: kernel.10.cloned.1.call-start
scs
__scs_entry_jumppad:
0x0: {  	(pc) =	sbr.rel $0x88, $3  }
0x1: {  	(tag) =	ssettag $0x0;
	lr =	simm.s32 $0x1  }
0x2: {  	[smem:$0x3F9B] =	sst lr;
	_ =	strace $0xD0000000  }
0x3: {  	_ = 	snop  }
0x4: {  	_ = 	snop  }
0x5: {  	_ = 	snop  }
0x6: {  	_ = 	snop  }
0x7: {  	_ = 	snop  }
__scs_overlays_trampoline_lowered:
0x8: {  	[smem:$0x3FAA] =	sst s0  }
0x9: {  	[smem:$0x3FAB] =	sst s1  }
0xa: {  	[smem:$0x3FAC] =	sst s2  }
0xb: {  	[smem:$0x3FAD] =	sst s3  }
0xc: {  	[smem:$0x3FAE] =	sst s4  }
0xd: {  	[smem:$0x3FAF] =	sst s5  }
0xe: {  	[smem:$0x3FB0] =	sst s6  }
0xf: {  	[smem:$0x3FB1] =	sst s7  }
0x10: {  	[smem:$0x3FB2] =	sst s8  }
0x11: {  	[smem:$0x3FB3] =	sst s9;
	s0 =	simm.s32 @!p0 $0x0  }
0x12: {  	s1 =	sld [smem:$0x3F99];
	s0 =	simm.s32 @p0 $0x1  }
0x13: {  	[smem:$0x3FB4] =	sst s0;
	s0 =	simm.s32 @!p1 $0x0  }
0x14: {  	s2 =	sld [smem:$0x3F98];
	s0 =	simm.s32 @p1 $0x1  }
0x15: {  	[smem:$0x3FB5] =	sst s0;
	s0 =	simm.s32 @!p2 $0x0  }
0x16: {  	s3 =	sld [smem:$0x3FDB];
	s0 =	simm.s32 @p2 $0x1  }
0x17: {  	s4 =	simm.s32 $0x1BF5;
	[smem:$0x3FB7] =	sst s0  }
0x18: {  	s0 =	sld [smem:$0x3F9A];
	_ =	swait.ge [sflag:s4], $0x0  }
0x19: {  	s7 =	sld [smem:$0x3F9B]  }
0x1a: {  	s8 =	sadd.s32 $0xFFFFE003, lr  }
0x1b: {  	s9 =	sadd.s32 $0xFFFFFEF7, lr;
	s5 =	simm.s32 $0xFFFFFFFF;
	p2 =	slt.u32 s8, $0xFFFFF086  }
0x1c: {  	p1 =	slt.u32 s9, $0xF7A;
	s5 =	simm.s32 @!p2 $0x0  }
0x1d: {  	s5 =	simm.s32 @p1 $0x1;
	p0 =	seq.s32 s7, s2  }
0x1e: {  	s7 =	smul.u32 @!p0 $0xF7A, s2;
	p2 =	seq.s32 @!p0 s5, $0x0  }
0x1f: {  	s9 =	smul.u32 $0xF7A, s1;
	s8 =	simm.s32 @!p0 $0x1BF5;
	p2 =	por !p2, p0  }
0x20: {  	[sflag:s8] =	ssyncset.s32 @!p0 $0xFFFFF086;
	s6 =	sadd.s32 @!p0 s3, s7;
	s7 =	simm.s32 @!p0 $0x108  }
0x21: {  	s3 =	sadd.s32 s3, s9;
	s6 =	sadd.s32 @!p0 $0x88, s6;
	s7 =	simm.s32 @p2 $0x1082  }
0x22: {  	[simem:s7], [sflag:s8] =	dma.local @!p0 [hbm:s6], $0xF7A  }
0x23: {  	s9 =	sor.u32 $0xD0000000, s2;
	s6 =	simm.s32 $0x108;
	_ =	swait.ge @!p0 [sflag:s8], $0x0  }
0x24: {  	s3 =	sadd.s32 $0x88, s3;
	s6 =	simm.s32 @!p1 $0x1082;
	[sflag:s4] =	ssyncset.s32 $0xFFFFF086  }
0x25: {  	[simem:s6], [sflag:s4] =	dma.local [hbm:s3], $0xF7A  }
0x26: {  	[smem:$0x3F9B] =	sst s1;
	(tag) =	ssettag s2;
	_ =	strace s9  }
0x27: {  	s1 =	sld [smem:$0x3FAB]  }
0x28: {  	s2 =	sld [smem:$0x3FAC]  }
0x29: {  	s4 =	sld [smem:$0x3FAE]  }
0x2a: {  	p0 =	seq.s32 s5, $0x0;
	s5 =	sld [smem:$0x3FAF]  }
0x2b: {  	s6 =	sld [smem:$0x3FB0]  }
0x2c: {  	s7 =	sld [smem:$0x3FB1]  }
0x2d: {  	s3 =	simm.s32 $0x108;
	s8 =	sld [smem:$0x3FB2]  }
0x2e: {  	s3 =	simm.s32 @!p0 $0x1082;
	s9 =	sld [smem:$0x3FB3]  }
0x2f: {  	lr =	sadd.s32 s0, s3;
	s0 =	sld [smem:$0x3FAA]  }
0x30: {  	s3 =	sld [smem:$0x3FAD]  }
0x31: {  	[smem:$0x3FB6] =	sst s10  }
0x32: {  	s10 =	sld [smem:$0x3FB4];
	_ =	sdelay $0x3  }
0x33: {  	p0 =	seq.s32 s10, $0x1;
	s10 =	sld [smem:$0x3FB6];
	_ =	sdelay $0x3  }
0x34: {  	[smem:$0x3FB6] =	sst s10  }
0x35: {  	s10 =	sld [smem:$0x3FB5];
	_ =	sdelay $0x3  }
0x36: {  	p1 =	seq.s32 s10, $0x1;
	s10 =	sld [smem:$0x3FB6];
	_ =	sdelay $0x3  }
0x37: {  	[smem:$0x3FB6] =	sst s10  }
0x38: {  	s10 =	sld [smem:$0x3FB7]  }
0x39: {  	_ = 	snop;
	(pc) =	sbr.ind lr, $3  }
0x3a: {  	_ = 	snop  }
0x3b: {  	_ = 	snop  }
0x3c: {  	p2 =	seq.s32 s10, $0x1;
	s10 =	sld [smem:$0x3FB6]  }
0x3d: {  	_ =	shalt  }
0x3e: {  	_ =	shalt  }
0x3f: {  	_ =	shalt  }
0x40: {  	_ =	shalt  }
0x41: {  	_ =	shalt  }
0x42: {  	_ =	shalt  }
0x43: {  	_ =	shalt  }
0x44: {  	_ =	shalt  }
0x45: {  	_ =	shalt  }
0x46: {  	_ =	shalt  }
0x47: {  	_ =	shalt  }
0x48: {  	_ =	shalt  }
0x49: {  	_ =	shalt  }
0x4a: {  	_ =	shalt  }
0x4b: {  	_ =	shalt  }
0x4c: {  	_ =	shalt  }
0x4d: {  	_ =	shalt  }
0x4e: {  	_ =	shalt  }
0x4f: {  	_ =	shalt  }
0x50: {  	_ =	shalt  }
0x51: {  	_ =	shalt  }
0x52: {  	_ =	shalt  }
0x53: {  	_ =	shalt  }
0x54: {  	_ =	shalt  }
0x55: {  	_ =	shalt  }
0x56: {  	_ =	shalt  }
0x57: {  	_ =	shalt  }
0x58: {  	_ =	shalt  }
0x59: {  	_ =	shalt  }
0x5a: {  	_ =	shalt  }
0x5b: {  	_ =	shalt  }
0x5c: {  	_ =	shalt  }
0x5d: {  	_ =	shalt  }
0x5e: {  	_ =	shalt  }
0x5f: {  	_ =	shalt  }
0x60: {  	_ =	shalt  }
0x61: {  	_ =	shalt  }
0x62: {  	_ =	shalt  }
0x63: {  	_ =	shalt  }
0x64: {  	_ =	shalt  }
0x65: {  	_ =	shalt  }
0x66: {  	_ =	shalt  }
0x67: {  	_ =	shalt  }
0x68: {  	_ =	shalt  }
0x69: {  	_ =	shalt  }
0x6a: {  	_ =	shalt  }
0x6b: {  	_ =	shalt  }
0x6c: {  	_ =	shalt  }
0x6d: {  	_ =	shalt  }
0x6e: {  	_ =	shalt  }
0x6f: {  	_ =	shalt  }
0x70: {  	_ =	shalt  }
0x71: {  	_ =	shalt  }
0x72: {  	_ =	shalt  }
0x73: {  	_ =	shalt  }
0x74: {  	_ =	shalt  }
0x75: {  	_ =	shalt  }
0x76: {  	_ =	shalt  }
0x77: {  	_ =	shalt  }
0x78: {  	_ =	shalt  }
0x79: {  	_ =	shalt  }
0x7a: {  	_ =	shalt  }
0x7b: {  	_ =	shalt  }
0x7c: {  	_ =	shalt  }
0x7d: {  	_ =	shalt  }
0x7e: {  	_ =	shalt  }
0x7f: {  	_ =	shalt  }
0x80: {  	_ =	shalt  }
0x81: {  	_ =	shalt  }
0x82: {  	_ =	shalt  }
0x83: {  	_ =	shalt  }
0x84: {  	_ =	shalt  }
0x85: {  	_ =	shalt  }
0x86: {  	_ =	shalt  }
0x87: {  	_ =	shalt  }
.Lfunc_end0:
.L_simem_size_0:
called_computation_lowered:
.L_overlay_start_0:
0x88: {  	s2 =	sld [smem:$0x3FD9]  }
0x89: {  	s3 =	sld [smem:$0x3FFE];
	_ =	sdelay $0x1  }
0x8a: {  	s1 =	srdreg.scid  }
0x8b: {  	s0 =	sand.u32 $0x1, s1  }
0x8c: {  	s14 =	sshll.u32 s0, $0xA;
	s2 =	sadd.s32 s3, s2  }
0x8d: {  	s2 =	sadd.s32 s2, s14  }
0x8e: {  	[smem:$0x3FC2] =	sst s2  }
0x8f: {  	_ = 	snop  }
0x90: {  	s2 =	sld [smem:$0x3FD0];
	_ =	sdelay $0x2  }
0x91: {  	s15 =	simm.s32 $0xA;
	s4 =	simm.s32 $0x10  }
0x92: {  	[smem:s4], [sflag:s15] =	dma.local [hbm:s2], $0x1  }
0x93: {  	_ =	swait.eq [sflag:s15], $0x1  }
0x94: {  	s16 =	sld [smem:$0x10];
	[sflag:s15] =	ssyncset.done $0x0  }
0x95: {  	s17 =	sld [smem:$0x11];
	[sflag:s15] =	ssyncadd.s32 $0xFFFFFFFF  }
0x96: {  	s18 =	sld [smem:$0x12];
	(tm) =	ssettm $0x1  }
0x97: {  	s5 =	sld [smem:$0x3FFB];
	_ =	sdelay $0x3  }
0x98: {  	_ =	strace s5  }
0x99: {  	s5 =	sld [smem:$0x3FFC];
	_ =	sdelay $0x3  }
0x9a: {  	_ =	strace s5  }
0x9b: {  	s5 =	sld [smem:$0x3FFD];
	_ =	sdelay $0x3  }
0x9c: {  	_ =	strace s5  }
0x9d: {  	_ =	strace $0x8FFFFFFF  }
0x9e: {  	s19 =	sld [smem:$0x3FDB];
	_ =	sdelay $0x1  }
0x9f: {  	s6 =	simm.s32 $_scs_section_size  }
0xa0: {  	s7 =	simm.s32 $_size__tile_overlayer_lowered;
	s8 =	simm.s32 $_tile_overlayer_lowered  }
0xa1: {  	s22 =	simm.s32 $0x1BFF;
	s21 =	sshll.u32 s8, $0x1;
	s5 =	sadd.s32 s6, s19  }
0xa2: {  	s9 =	simm.s32 $0x0;
	s20 =	sshll.u32 s7, $0x1;
	s7 =	sadd.s32 s21, s5  }
0xa3: {  	[timem:s9], [sflag:s22] =	dma.local [hbm:s7], s20  }
0xa4: {  	_ =	swait.ge [sflag:s22], s20  }
0xa5: {  	s6 =	ssub.s32 $0x0, s20;
	[sflag:s22] =	ssyncset.done $0x0  }
0xa6: {  	[sflag:s22] =	ssyncadd.s32 s6;
	_ =	sdelay $0x1  }
0xa7: {  	s23 =	simm.s32 $0x1B8B  }
0xa8: {  	_ =	swait.ge [sflag:s23], $0x1  }
0xa9: {  	[sflag:s23] =	ssyncset.done $0x0  }
0xaa: {  	s25 =	simm.s32 $0x1B8E;
	s24 =	sld [smem:$0x3FFE];
	[sflag:s23] =	ssyncadd.s32 $0xFFFFFFFF  }
0xab: {  	s26 =	simm.s32 $execute0_lowered;
	[smem:$0x3FD2] =	sst s25  }
0xac: {  	s7 =	sshll.u32 s26, $0x1;
	_ =	strace $0x80000046;
	[dreg:$0x1] =	wrdreg $0xFFFFFFFF  }
0xad: {  	s28 =	simm.s32 $_size_execute0_lowered;
	s5 =	sadd.s32 s5, s7;
	[dreg:$0x0] =	wrdreg $0x0  }
0xae: {  	s7 =	sshll.u32 s28, $0x1;
	[dreg:$0x2] =	wrdreg s5  }
0xaf: {  	[dreg:$0x3] =	wrdreg s7  }
0xb0: {  	[dreg:$0x4] =	wrdreg $0xC0  }
0xb1: {  	_ =	task [dreg:s9], $0x5FFFF  }
0xb2: {  	[dreg:$0x1] =	wrdreg $0xFFFFFFFF  }
0xb3: {  	[dreg:$0x0] =	wrdreg $0x60  }
0xb4: {  	[dreg:$0x2] =	wrdreg s17  }
0xb5: {  	[dreg:$0x3] =	wrdreg s18  }
0xb6: {  	[dreg:$0x4] =	wrdreg s24  }
0xb7: {  	[dreg:$0x5] =	wrdreg s16  }
0xb8: {  	[dreg:$0x6] =	wrdreg $0x53200  }
0xb9: {  	[dreg:$0x7] =	wrdreg $0x7B200  }
0xba: {  	[dreg:$0x8] =	wrdreg $0x9  }
0xbb: {  	_ =	task.clear_ibuf [dreg:s9], $0x9FFFF;
	_ =	strace $0x90000046  }
0xbc: {  	s29 =	simm.s32 $0x9;
	_ =	strace $0x80000048  }
0xbd: {  	_ =	swait.ge [sflag:s29], $0x1  }
0xbe: {  	[sflag:s29] =	ssyncadd.s32 $0xFFFFFFFF  }
0xbf: {  	_ =	strace $0x90000048  }
0xc0: {  	_ =	sfence  }
0xc1: {  	s30 =	sld [smem:$0x0];
	_ =	sdelay $0x2  }
0xc2: {  	s31 =	sshll.u32 s1, $0xD;
	s1 =	sshrl.u32 s1, $0x2  }
0xc3: {  	s3 =	sand.u32 $0x4000, s31;
	s1 =	sadd.s32 s1, s30  }
0xc4: {  	s0 =	sor.u32 s3, s0;
	s1 =	sshll.u32 s1, $0x11  }
0xc5: {  	s0 =	sor.u32 s1, s0  }
0xc6: {  	s0 =	sadd.s32 $0x8F2B, s0  }
0xc7: {  	[sflag:s0] =	ssyncadd.remote.s32 $0x1  }
0xc8: {  	_ =	sfence.sel $0xFFFF  }
0xc9: {  	[dreg:$0x0] =	wrdreg $0xFFFFFFFF;
	(pc) =	sbr.abs _section_cstart, $3  }
0xca: {  	[dreg:$0x1] =	wrdreg $0xFFFFFFFF  }
0xcb: {  	_ =	task.clear_ibuf [dreg:s9], $0x2FFFF;
	_ =	strace $0x9FFFFFFF  }
0xcc: {  	(tm) =	ssettm $0x7FFFFFFF  }
0xcd: {  	_ =	shalt  }
tec
execute0_lowered:
.L_overlay_start_1:
0x0: {  	(tag) =	ssettag $0x1  }
0x1: {  	s6 =	rddreg [dreg:$0x0]  }
0x2: {  	s7 =	rddreg [dreg:$0x1]  }
0x3: {  	s8 =	rddreg [dreg:$0x2]  }
0x4: {  	s9 =	rddreg [dreg:$0x3]  }
0x5: {  	s2 =	rddreg [dreg:$0x4];
	s1 =	srdreg.scid  }
0x6: {  	s0 =	stileid.u32;
	s3 =	rddreg [dreg:$0x5];
	s4 =	simm.s32 $0x0  }
0x7: {  	s14 =	simm.s32 $0x4E20;
	s18 =	simm.s32 $0x50;
	s19 =	simm.s32 $0x2760  }
0x8: {  	s20 =	simm.s32 $0x1;
	s5 =	sand.u32 $0x1, s1;
	s1 =	rddreg [dreg:$0x6]  }
0x9: {  	s21 =	simm.s32 $0x0;
	s10 =	smul.u32 $0x2800, s0;
	[smem:$0x7FF] =	sst s4  }
0xa: {  	s12 =	sshll.u32 s0, $0x1;
	s15 =	sshll.u32 s0, $0x6;
	s11 =	smul.u32 $0x50000, s5  }
0xb: {  	_ =	strace $0x80000047;
	s12 =	sor.u32 s5, s12;
	s13 =	ssub.s32 $0x2, s5  }
0xc: {  	s5 =	sadd.s32 $0x1E00, s8;
	s15 =	sor.u32 $0x1C02, s15;
	s12 =	smul.u32 $0x4E2, s12  }
0xd: {  	s30 =	sshrl.u32 s13, $0x1;
	s31 =	sshrl.u32 s10, $0x3;
	s16 =	sadd.s32 s10, s2  }
0xe: {  	s17 =	sadd.s32 s10, s3;
	s11 =	sadd.s32 s10, s11;
	s13 =	ssub.s32 s13, s30  }
0xf: {  	s16 =	sshrl.u32 s16, $0x3;
	s17 =	sshrl.u32 s17, $0x3;
	s11 =	sshrl.u32 s11, $0x3  }
0x10: {  	s6 =	sadd.s32 s6, s12;
	s7 =	sadd.s32 s7, s12;
	s11 =	sadd.s32 s11, s8  }
0x11: {  	s12 =	simm.s32 $0x2;
	s8 =	sadd.s32 s9, s31;
	s9 =	sadd.s32 $0x2000, s11  }
0x12: {  	s10 =	sadd.s32 $0x7000, s11;
	s11 =	smax.u32 s13, $0x1;
	s13 =	simm.s32 $0x2710  }
.LBB2_1:
0x13: {  	[tilespmem:s4], [sflag:$0x2] =	stream.linear.gather [hbm4b:s6+s4], $0x2710, $0x38;
	[tilespmem:$0xA320] =	vst v63  }
0x14: {  	_ =	swait.ge [sflag:s12], $0x2710  }
0x15: {  	[sflag:s12] =	ssyncset.done $0x0  }
0x16: {  	[sflag:s12] =	ssyncadd.s32 $0xFFFFD8F0  }
0x17: {  	[tilespmem:s13], [sflag:$0x2] =	stream.linear.gather [hbm4b:s7+s4], $0x2710, $0x38;
	[tilespmem:$0xA320] =	vst v63  }
0x18: {  	_ =	swait.ge [sflag:s12], $0x2710  }
0x19: {  	[sflag:s12] =	ssyncset.done $0x0  }
0x1a: {  	[sflag:s12] =	ssyncadd.s32 $0xFFFFD8F0  }
0x1b: {  	[tilespmem:s14], [sflag:$0x2] =	stream.linear.gather [hbm4b:s5+s4], $0x500, $0x38;
	[tilespmem:$0xA320] =	vst v63  }
0x1c: {  	_ =	swait.ge [sflag:s12], $0x500  }
0x1d: {  	[sflag:s12] =	ssyncset.done $0x0  }
0x1e: {  	[sflag:s12] =	ssyncadd.s32 $0xFFFFFB00  }
0x1f: {  	[spmem:s16], [sflag:s15] =	dma.local [hbm:s8], $0x500  }
0x20: {  	_ =	swait.ge [sflag:s12], $0x500  }
0x21: {  	[sflag:s12] =	ssyncset.done $0x0  }
0x22: {  	[sflag:s12] =	ssyncadd.s32 $0xFFFFFB00  }
0x23: {  	[spmem:s17], [sflag:s15] =	dma.local [hbm:s8], $0x500  }
0x24: {  	_ =	swait.ge [sflag:s12], $0x500  }
0x25: {  	[sflag:s12] =	ssyncset.done $0x0  }
0x26: {  	[sflag:s12] =	ssyncadd.s32 $0xFFFFFB00  }
0x27: {  	[bflag:$0x0] =	sbarrier.arrive $0xFFFF  }
0x28: {  	[spmem:s2] =	stream.indirect.scatter.add.f32 [tilespmem:s14], [sflag:$0x1], $0x10, s4, s18, $0xb8;
	[tilespmem:$0xA320] =	vst v63  }
0x29: {  	_ = 	snop  }
0x2a: {  	[spmem:s3] =	stream.indirect.scatter.add.f32 [tilespmem:s14], [sflag:$0x1], $0x10, s13, s18, $0xb8;
	[tilespmem:$0xA320] =	vst v63  }
0x2b: {  	_ = 	snop  }
0x2c: {  	[spmem:s2] =	stream.indirect.scatter.add.f32 [tilespmem:s14], [sflag:$0x1], $0x10, s18, s18, $0xb8;
	[tilespmem:$0xA320] =	vst v63  }
0x2d: {  	_ = 	snop  }
0x2e: {  	[spmem:s3] =	stream.indirect.scatter.add.f32 [tilespmem:s14], [sflag:$0x1], $0x10, s19, s18, $0xb8;
	[tilespmem:$0xA320] =	vst v63  }
0x2f: {  	s22 =	simm.s32 $0xA0  }
0x30: {  	[spmem:s2] =	stream.indirect.scatter.add.f32 [tilespmem:s14], [sflag:$0x1], $0x10, s22, s18, $0xb8;
	[tilespmem:$0xA320] =	vst v63  }
0x31: {  	s31 =	simm.s32 $0x27B0  }
0x32: {  	[spmem:s3] =	stream.indirect.scatter.add.f32 [tilespmem:s14], [sflag:$0x1], $0x10, s31, s18, $0xb8;
	[tilespmem:$0xA320] =	vst v63  }
0x33: {  	_ =	swait.ge [sflag:s20], $0x500  }
0x34: {  	[sflag:s20] =	ssyncset.done $0x0  }
0x35: {  	[sflag:s20] =	ssyncadd.s32 $0xFFFFFB00  }
0x36: {  	_ =	swait.ge [sflag:s20], $0x500  }
0x37: {  	s23 =	simm.s32 $0x500;
	s22 =	simm.s32 $0x3C0;
	[sflag:s20] =	ssyncset.done $0x0  }
.LBB2_2:
0x38: {  	s24 =	sshra.s32 s22, $0x2  }
0x39: {  	[sflag:s20] =	ssyncadd.s32 $0xFFFFFB00;
	s22 =	smov.u32 s23;
	s25 =	sadd.s32 $0x140, s23  }
0x3a: {  	[spmem:s2] =	stream.indirect.scatter.add.f32 [tilespmem:s14], [sflag:$0x1], $0x10, s24, s18, $0xb8;
	[tilespmem:$0xA320] =	vst v63  }
0x3b: {  	p0 =	sne.s32 s23, $0x9B00;
	s23 =	sadd.s32 $0x2710, s24  }
0x3c: {  	[spmem:s3] =	stream.indirect.scatter.add.f32 [tilespmem:s14], [sflag:$0x1], $0x10, s23, s18, $0xb8;
	[tilespmem:$0xA320] =	vst v63  }
.Ltmp0:
0x3d: {  	_ =	swait.ge [sflag:s20], $0x500;
	(pc) =	sbr.rel @p0 .LBB2_2-.Ltmp0, $4  }
0x3e: {  	[sflag:s20] =	ssyncset.done $0x0  }
0x3f: {  	[sflag:s20] =	ssyncadd.s32 $0xFFFFFB00  }
0x40: {  	_ =	swait.ge [sflag:s20], $0x500  }
0x41: {  	s23 =	smov.u32 s25;
	[sflag:s20] =	ssyncset.done $0x0  }
0x42: {  	s22 =	sshra.s32 s22, $0x2;
	[sflag:s20] =	ssyncadd.s32 $0xFFFFFB00  }
0x43: {  	[spmem:s2] =	stream.indirect.scatter.add.f32 [tilespmem:s14], [sflag:$0x1], $0x10, s22, s18, $0xb8;
	[tilespmem:$0xA320] =	vst v63  }
0x44: {  	s22 =	sadd.s32 $0x2710, s22  }
0x45: {  	[spmem:s3] =	stream.indirect.scatter.add.f32 [tilespmem:s14], [sflag:$0x1], $0x10, s22, s18, $0xb8;
	[tilespmem:$0xA320] =	vst v63  }
0x46: {  	_ =	swait.ge [sflag:s20], $0x500  }
0x47: {  	[sflag:s20] =	ssyncset.done $0x0  }
0x48: {  	[sflag:s20] =	ssyncadd.s32 $0xFFFFFB00  }
0x49: {  	_ =	swait.ge [sflag:s20], $0x500  }
0x4a: {  	[sflag:s20] =	ssyncset.done $0x0  }
0x4b: {  	[sflag:s20] =	ssyncadd.s32 $0xFFFFFB00  }
0x4c: {  	_ =	swait.ge [sflag:s20], $0x500  }
0x4d: {  	[sflag:s20] =	ssyncset.done $0x0  }
0x4e: {  	[sflag:s20] =	ssyncadd.s32 $0xFFFFFB00  }
0x4f: {  	_ =	swait.ge [sflag:s20], $0x500  }
0x50: {  	[sflag:s20] =	ssyncset.done $0x0  }
0x51: {  	[sflag:s20] =	ssyncadd.s32 $0xFFFFFB00  }
0x52: {  	_ =	swait.ge [sflag:s20], $0x500  }
0x53: {  	[sflag:s20] =	ssyncset.done $0x0  }
0x54: {  	[sflag:s20] =	ssyncadd.s32 $0xFFFFFB00  }
0x55: {  	_ =	swait.ge [sflag:s20], $0x500  }
0x56: {  	[sflag:s20] =	ssyncset.done $0x0  }
0x57: {  	[sflag:s20] =	ssyncadd.s32 $0xFFFFFB00  }
0x58: {  	[bflag:$0x0] =	sbarrier.arrive $0xFFFF  }
0x59: {  	[hbm:s9], [sflag:s15] =	dma.local [spmem:s16], $0x500  }
0x5a: {  	s21 =	sadd.s32 $0x1, s21;
	_ =	swait.ge [sflag:s12], $0x500  }
0x5b: {  	p0 =	sne.s32 s21, s11;
	[sflag:s12] =	ssyncset.done $0x0  }
.Ltmp1:
0x5c: {  	[sflag:s12] =	ssyncadd.s32 $0xFFFFFB00;
	(pc) =	sbr.rel @p0 .LBB2_1-.Ltmp1, $4  }
0x5d: {  	[hbm:s10], [sflag:s15] =	dma.local [spmem:s17], $0x500  }
0x5e: {  	_ =	swait.ge [sflag:s12], $0x500  }
0x5f: {  	[sflag:s12] =	ssyncset.done $0x0  }
0x60: {  	[sflag:s12] =	ssyncadd.s32 $0xFFFFFB00  }
0x61: {  	_ =	sfence.sel $0x180000  }
0x62: {  	[bflag:$0x0] =	sbarrier.arrive $0xFFFF  }
0x63: {  	p0 =	sne.s32 s0, $0x0;
	_ =	strace $0x90000047  }
0x64: {  	s0 =	sadd.s32 @!p0 $0x100000, s1;
	[bflag:$0x2] =	sbarrier.arrive $0xFFFF  }
0x65: {  	[sflag:s0] =	ssyncadd.tile.s32 @!p0 $0x1;
	_ =	shalt  }
.Lfunc_end2:
_tile_overlayer_lowered:
.L_overlay_start_2:
0x66: {  	(tag) =	ssettag $0x2  }
0x67: {  	s0 =	rddreg [dreg:$0x0];
	s2 =	stileid.u32  }
0x68: {  	s1 =	rddreg [dreg:$0x1];
	p0 =	sne.s32 s2, $0x0  }
0x69: {  	s3 =	rddreg [dreg:$0x2];
	[bflag:$0x3] =	sbarrier.arrive $0xFFFF;
	s2 =	simm.s32 @!p0 $0x1C02  }
0x6a: {  	[timem:s3], [sflag:s2] =	dma.local @!p0 [hbm:s0], s1  }
0x6b: {  	s0 =	simm.s32 @!p0 $0x2  }
0x6c: {  	_ =	swait.ge @!p0 [sflag:s0], s1  }
0x6d: {  	s1 =	ssub.s32 @!p0 $0x0, s1;
	[sflag:s0] =	ssyncset.done @!p0 $0x0  }
0x6e: {  	[sflag:s0] =	ssyncadd.s32 @!p0 s1  }
0x6f: {  	[bflag:$0x3] =	sbarrier.arrive $0xFFFF  }
0x70: {  	_ =	shalt  }

// kernel: kernel.13.cloned.1.call-start
scs
__scs_entry_jumppad:
0x0: {  	(pc) =	sbr.rel $0x88, $3  }
0x1: {  	(tag) =	ssettag $0x0;
	lr =	simm.s32 $0x1  }
0x2: {  	[smem:$0x3F9B] =	sst lr;
	_ =	strace $0xD0000000  }
0x3: {  	_ = 	snop  }
0x4: {  	_ = 	snop  }
0x5: {  	_ = 	snop  }
0x6: {  	_ = 	snop  }
0x7: {  	_ = 	snop  }
__scs_overlays_trampoline_lowered:
0x8: {  	[smem:$0x3FAA] =	sst s0  }
0x9: {  	[smem:$0x3FAB] =	sst s1  }
0xa: {  	[smem:$0x3FAC] =	sst s2  }
0xb: {  	[smem:$0x3FAD] =	sst s3  }
0xc: {  	[smem:$0x3FAE] =	sst s4  }
0xd: {  	[smem:$0x3FAF] =	sst s5  }
0xe: {  	[smem:$0x3FB0] =	sst s6  }
0xf: {  	[smem:$0x3FB1] =	sst s7  }
0x10: {  	[smem:$0x3FB2] =	sst s8  }
0x11: {  	[smem:$0x3FB3] =	sst s9;
	s0 =	simm.s32 @!p0 $0x0  }
0x12: {  	s1 =	sld [smem:$0x3F99];
	s0 =	simm.s32 @p0 $0x1  }
0x13: {  	[smem:$0x3FB4] =	sst s0;
	s0 =	simm.s32 @!p1 $0x0  }
0x14: {  	s2 =	sld [smem:$0x3F98];
	s0 =	simm.s32 @p1 $0x1  }
0x15: {  	[smem:$0x3FB5] =	sst s0;
	s0 =	simm.s32 @!p2 $0x0  }
0x16: {  	s3 =	sld [smem:$0x3FDB];
	s0 =	simm.s32 @p2 $0x1  }
0x17: {  	s4 =	simm.s32 $0x1BF5;
	[smem:$0x3FB7] =	sst s0  }
0x18: {  	s0 =	sld [smem:$0x3F9A];
	_ =	swait.ge [sflag:s4], $0x0  }
0x19: {  	s7 =	sld [smem:$0x3F9B]  }
0x1a: {  	s8 =	sadd.s32 $0xFFFFE003, lr  }
0x1b: {  	s9 =	sadd.s32 $0xFFFFFEF7, lr;
	s5 =	simm.s32 $0xFFFFFFFF;
	p2 =	slt.u32 s8, $0xFFFFF086  }
0x1c: {  	p1 =	slt.u32 s9, $0xF7A;
	s5 =	simm.s32 @!p2 $0x0  }
0x1d: {  	s5 =	simm.s32 @p1 $0x1;
	p0 =	seq.s32 s7, s2  }
0x1e: {  	s7 =	smul.u32 @!p0 $0xF7A, s2;
	p2 =	seq.s32 @!p0 s5, $0x0  }
0x1f: {  	s9 =	smul.u32 $0xF7A, s1;
	s8 =	simm.s32 @!p0 $0x1BF5;
	p2 =	por !p2, p0  }
0x20: {  	[sflag:s8] =	ssyncset.s32 @!p0 $0xFFFFF086;
	s6 =	sadd.s32 @!p0 s3, s7;
	s7 =	simm.s32 @!p0 $0x108  }
0x21: {  	s3 =	sadd.s32 s3, s9;
	s6 =	sadd.s32 @!p0 $0x88, s6;
	s7 =	simm.s32 @p2 $0x1082  }
0x22: {  	[simem:s7], [sflag:s8] =	dma.local @!p0 [hbm:s6], $0xF7A  }
0x23: {  	s9 =	sor.u32 $0xD0000000, s2;
	s6 =	simm.s32 $0x108;
	_ =	swait.ge @!p0 [sflag:s8], $0x0  }
0x24: {  	s3 =	sadd.s32 $0x88, s3;
	s6 =	simm.s32 @!p1 $0x1082;
	[sflag:s4] =	ssyncset.s32 $0xFFFFF086  }
0x25: {  	[simem:s6], [sflag:s4] =	dma.local [hbm:s3], $0xF7A  }
0x26: {  	[smem:$0x3F9B] =	sst s1;
	(tag) =	ssettag s2;
	_ =	strace s9  }
0x27: {  	s1 =	sld [smem:$0x3FAB]  }
0x28: {  	s2 =	sld [smem:$0x3FAC]  }
0x29: {  	s4 =	sld [smem:$0x3FAE]  }
0x2a: {  	p0 =	seq.s32 s5, $0x0;
	s5 =	sld [smem:$0x3FAF]  }
0x2b: {  	s6 =	sld [smem:$0x3FB0]  }
0x2c: {  	s7 =	sld [smem:$0x3FB1]  }
0x2d: {  	s3 =	simm.s32 $0x108;
	s8 =	sld [smem:$0x3FB2]  }
0x2e: {  	s3 =	simm.s32 @!p0 $0x1082;
	s9 =	sld [smem:$0x3FB3]  }
0x2f: {  	lr =	sadd.s32 s0, s3;
	s0 =	sld [smem:$0x3FAA]  }
0x30: {  	s3 =	sld [smem:$0x3FAD]  }
0x31: {  	[smem:$0x3FB6] =	sst s10  }
0x32: {  	s10 =	sld [smem:$0x3FB4];
	_ =	sdelay $0x3  }
0x33: {  	p0 =	seq.s32 s10, $0x1;
	s10 =	sld [smem:$0x3FB6];
	_ =	sdelay $0x3  }
0x34: {  	[smem:$0x3FB6] =	sst s10  }
0x35: {  	s10 =	sld [smem:$0x3FB5];
	_ =	sdelay $0x3  }
0x36: {  	p1 =	seq.s32 s10, $0x1;
	s10 =	sld [smem:$0x3FB6];
	_ =	sdelay $0x3  }
0x37: {  	[smem:$0x3FB6] =	sst s10  }
0x38: {  	s10 =	sld [smem:$0x3FB7]  }
0x39: {  	_ = 	snop;
	(pc) =	sbr.ind lr, $3  }
0x3a: {  	_ = 	snop  }
0x3b: {  	_ = 	snop  }
0x3c: {  	p2 =	seq.s32 s10, $0x1;
	s10 =	sld [smem:$0x3FB6]  }
0x3d: {  	_ =	shalt  }
0x3e: {  	_ =	shalt  }
0x3f: {  	_ =	shalt  }
0x40: {  	_ =	shalt  }
0x41: {  	_ =	shalt  }
0x42: {  	_ =	shalt  }
0x43: {  	_ =	shalt  }
0x44: {  	_ =	shalt  }
0x45: {  	_ =	shalt  }
0x46: {  	_ =	shalt  }
0x47: {  	_ =	shalt  }
0x48: {  	_ =	shalt  }
0x49: {  	_ =	shalt  }
0x4a: {  	_ =	shalt  }
0x4b: {  	_ =	shalt  }
0x4c: {  	_ =	shalt  }
0x4d: {  	_ =	shalt  }
0x4e: {  	_ =	shalt  }
0x4f: {  	_ =	shalt  }
0x50: {  	_ =	shalt  }
0x51: {  	_ =	shalt  }
0x52: {  	_ =	shalt  }
0x53: {  	_ =	shalt  }
0x54: {  	_ =	shalt  }
0x55: {  	_ =	shalt  }
0x56: {  	_ =	shalt  }
0x57: {  	_ =	shalt  }
0x58: {  	_ =	shalt  }
0x59: {  	_ =	shalt  }
0x5a: {  	_ =	shalt  }
0x5b: {  	_ =	shalt  }
0x5c: {  	_ =	shalt  }
0x5d: {  	_ =	shalt  }
0x5e: {  	_ =	shalt  }
0x5f: {  	_ =	shalt  }
0x60: {  	_ =	shalt  }
0x61: {  	_ =	shalt  }
0x62: {  	_ =	shalt  }
0x63: {  	_ =	shalt  }
0x64: {  	_ =	shalt  }
0x65: {  	_ =	shalt  }
0x66: {  	_ =	shalt  }
0x67: {  	_ =	shalt  }
0x68: {  	_ =	shalt  }
0x69: {  	_ =	shalt  }
0x6a: {  	_ =	shalt  }
0x6b: {  	_ =	shalt  }
0x6c: {  	_ =	shalt  }
0x6d: {  	_ =	shalt  }
0x6e: {  	_ =	shalt  }
0x6f: {  	_ =	shalt  }
0x70: {  	_ =	shalt  }
0x71: {  	_ =	shalt  }
0x72: {  	_ =	shalt  }
0x73: {  	_ =	shalt  }
0x74: {  	_ =	shalt  }
0x75: {  	_ =	shalt  }
0x76: {  	_ =	shalt  }
0x77: {  	_ =	shalt  }
0x78: {  	_ =	shalt  }
0x79: {  	_ =	shalt  }
0x7a: {  	_ =	shalt  }
0x7b: {  	_ =	shalt  }
0x7c: {  	_ =	shalt  }
0x7d: {  	_ =	shalt  }
0x7e: {  	_ =	shalt  }
0x7f: {  	_ =	shalt  }
0x80: {  	_ =	shalt  }
0x81: {  	_ =	shalt  }
0x82: {  	_ =	shalt  }
0x83: {  	_ =	shalt  }
0x84: {  	_ =	shalt  }
0x85: {  	_ =	shalt  }
0x86: {  	_ =	shalt  }
0x87: {  	_ =	shalt  }
.Lfunc_end0:
.L_simem_size_0:
called_computation.1_lowered:
.L_overlay_start_0:
0x88: {  	s2 =	sld [smem:$0x3FD9]  }
0x89: {  	s3 =	sld [smem:$0x3FFE];
	_ =	sdelay $0x1  }
0x8a: {  	s1 =	srdreg.scid  }
0x8b: {  	s0 =	sand.u32 $0x1, s1  }
0x8c: {  	s14 =	sshll.u32 s0, $0xA;
	s2 =	sadd.s32 s3, s2  }
0x8d: {  	s2 =	sadd.s32 s2, s14  }
0x8e: {  	[smem:$0x3FC2] =	sst s2  }
0x8f: {  	_ = 	snop  }
0x90: {  	s2 =	sld [smem:$0x3FD0];
	_ =	sdelay $0x2  }
0x91: {  	s15 =	simm.s32 $0xA;
	s4 =	simm.s32 $0x10  }
0x92: {  	[smem:s4], [sflag:s15] =	dma.local [hbm:s2], $0x1  }
0x93: {  	_ =	swait.eq [sflag:s15], $0x1  }
0x94: {  	[sflag:s15] =	ssyncset.done $0x0  }
0x95: {  	s16 =	sld [smem:$0x11];
	[sflag:s15] =	ssyncadd.s32 $0xFFFFFFFF  }
0x96: {  	s17 =	sld [smem:$0x12];
	(tm) =	ssettm $0x1  }
0x97: {  	s18 =	sld [smem:$0x3FFB];
	_ =	sdelay $0x3  }
0x98: {  	_ =	strace s18  }
0x99: {  	s4 =	sld [smem:$0x3FFC];
	_ =	sdelay $0x3  }
0x9a: {  	_ =	strace s4  }
0x9b: {  	s4 =	sld [smem:$0x3FFD];
	_ =	sdelay $0x3  }
0x9c: {  	_ =	strace s4  }
0x9d: {  	_ =	strace $0x8FFFFFFF  }
0x9e: {  	s19 =	sld [smem:$0x3FDB];
	_ =	sdelay $0x1  }
0x9f: {  	s5 =	simm.s32 $_scs_section_size  }
0xa0: {  	s6 =	simm.s32 $_size__tile_overlayer_lowered;
	s7 =	simm.s32 $_tile_overlayer_lowered  }
0xa1: {  	s22 =	simm.s32 $0x1BFF;
	s21 =	sshll.u32 s7, $0x1;
	s4 =	sadd.s32 s5, s19  }
0xa2: {  	s8 =	simm.s32 $0x0;
	s20 =	sshll.u32 s6, $0x1;
	s6 =	sadd.s32 s21, s4  }
0xa3: {  	[timem:s8], [sflag:s22] =	dma.local [hbm:s6], s20  }
0xa4: {  	_ =	swait.ge [sflag:s22], s20  }
0xa5: {  	s5 =	ssub.s32 $0x0, s20;
	[sflag:s22] =	ssyncset.done $0x0  }
0xa6: {  	[sflag:s22] =	ssyncadd.s32 s5;
	_ =	sdelay $0x1  }
0xa7: {  	s23 =	simm.s32 $0x1B8B  }
0xa8: {  	_ =	swait.ge [sflag:s23], $0x1  }
0xa9: {  	[sflag:s23] =	ssyncset.done $0x0  }
0xaa: {  	s25 =	simm.s32 $0x1B8E;
	s24 =	sld [smem:$0x3FFE];
	[sflag:s23] =	ssyncadd.s32 $0xFFFFFFFF  }
0xab: {  	s26 =	simm.s32 $execute0_lowered;
	[smem:$0x3FD2] =	sst s25  }
0xac: {  	s6 =	sshll.u32 s26, $0x1;
	_ =	strace $0x80000049;
	[dreg:$0x1] =	wrdreg $0xFFFFFFFF  }
0xad: {  	s28 =	simm.s32 $_size_execute0_lowered;
	s4 =	sadd.s32 s4, s6;
	[dreg:$0x0] =	wrdreg $0x0  }
0xae: {  	s6 =	sshll.u32 s28, $0x1;
	[dreg:$0x2] =	wrdreg s4  }
0xaf: {  	[dreg:$0x3] =	wrdreg s6  }
0xb0: {  	[dreg:$0x4] =	wrdreg $0xC0  }
0xb1: {  	_ =	task [dreg:s8], $0x5FFFF  }
0xb2: {  	[dreg:$0x1] =	wrdreg $0xFFFFFFFF  }
0xb3: {  	[dreg:$0x0] =	wrdreg $0x60  }
0xb4: {  	[dreg:$0x2] =	wrdreg s16  }
0xb5: {  	[dreg:$0x3] =	wrdreg s17  }
0xb6: {  	[dreg:$0x4] =	wrdreg s24  }
0xb7: {  	[dreg:$0x5] =	wrdreg $0x9E200  }
0xb8: {  	[dreg:$0x6] =	wrdreg $0x9  }
0xb9: {  	_ =	task.clear_ibuf [dreg:s8], $0x7FFFF;
	_ =	strace $0x90000049  }
0xba: {  	s29 =	simm.s32 $0x9;
	_ =	strace $0x8000004B  }
0xbb: {  	_ =	swait.ge [sflag:s29], $0x1  }
0xbc: {  	[sflag:s29] =	ssyncadd.s32 $0xFFFFFFFF  }
0xbd: {  	_ =	strace $0x9000004B  }
0xbe: {  	_ =	sfence  }
0xbf: {  	s30 =	sld [smem:$0x0];
	_ =	sdelay $0x2  }
0xc0: {  	s31 =	sshll.u32 s1, $0xD;
	s1 =	sshrl.u32 s1, $0x2  }
0xc1: {  	s3 =	sand.u32 $0x4000, s31;
	s1 =	sadd.s32 s1, s30  }
0xc2: {  	s0 =	sor.u32 s3, s0;
	s1 =	sshll.u32 s1, $0x11  }
0xc3: {  	s0 =	sor.u32 s1, s0  }
0xc4: {  	s0 =	sadd.s32 $0x8F2B, s0  }
0xc5: {  	[sflag:s0] =	ssyncadd.remote.s32 $0x1  }
0xc6: {  	_ =	sfence.sel $0xFFFF  }
0xc7: {  	[dreg:$0x0] =	wrdreg $0xFFFFFFFF;
	(pc) =	sbr.abs _section_cstart, $3  }
0xc8: {  	[dreg:$0x1] =	wrdreg $0xFFFFFFFF  }
0xc9: {  	_ =	task.clear_ibuf [dreg:s8], $0x2FFFF;
	_ =	strace $0x9FFFFFFF  }
0xca: {  	(tm) =	ssettm $0x7FFFFFFF  }
0xcb: {  	_ =	shalt  }
tec
execute0_lowered:
.L_overlay_start_1:
0x0: {  	(tag) =	ssettag $0x1  }
0x1: {  	s0 =	rddreg [dreg:$0x0]  }
0x2: {  	s1 =	rddreg [dreg:$0x1]  }
0x3: {  	s5 =	rddreg [dreg:$0x2]  }
0x4: {  	s2 =	rddreg [dreg:$0x3]  }
0x5: {  	s12 =	stileid.u32;
	s4 =	srdreg.scid  }
0x6: {  	s3 =	simm.s32 $0x0;
	s14 =	simm.s32 $0x50;
	s15 =	simm.s32 $0x4E20  }
0x7: {  	s16 =	simm.s32 $0x6220;
	s18 =	simm.s32 $0x7620;
	s19 =	simm.s32 $0x1  }
0x8: {  	s21 =	simm.s32 $0x8A20;
	s22 =	simm.s32 $0x2;
	s24 =	simm.s32 $0x5  }
0x9: {  	s28 =	simm.s32 $0x4;
	s29 =	simm.s32 $0x7;
	s30 =	simm.s32 $0x8  }
0xa: {  	s17 =	simm.s32 $0x4DD0;
	s20 =	simm.s32 $0x0;
	s7 =	smul.u32 $0xA000, s12  }
0xb: {  	s6 =	sand.u32 $0x1, s4;
	[smem:$0x7FF] =	sst s3;
	s4 =	sadd.s32 $0x1E00, s5  }
0xc: {  	s9 =	sshll.u32 s12, $0x1;
	s31 =	sshll.u32 s12, $0x6;
	s8 =	smul.u32 $0xA0000, s6  }
0xd: {  	_ =	strace $0x8000004A;
	s9 =	sor.u32 s6, s9;
	s6 =	ssub.s32 $0x2, s6  }
0xe: {  	s12 =	sor.u32 $0x1C09, s31;
	s10 =	sshrl.u32 s7, $0x3;
	s9 =	smul.u32 $0x4E2, s9  }
0xf: {  	s25 =	sshrl.u32 s6, $0x1;
	s26 =	sadd.s32 s7, s2;
	s8 =	sadd.s32 s7, s8  }
0x10: {  	s10 =	sadd.s32 s10, s5;
	s11 =	ssub.s32 s6, s25;
	s13 =	sshrl.u32 s26, $0x3  }
0x11: {  	s25 =	simm.s32 $0x3;
	s26 =	simm.s32 $0x6;
	s8 =	sshrl.u32 s8, $0x3  }
0x12: {  	s6 =	sadd.s32 s1, s9;
	s7 =	sadd.s32 $0x15800, s10;
	s10 =	simm.s32 $0x9  }
0x13: {  	s1 =	simm.s32 $0x4D80;
	s8 =	sadd.s32 s8, s5;
	s5 =	sadd.s32 s0, s9  }
0x14: {  	s9 =	smax.u32 s11, $0x1;
	s11 =	simm.s32 $0x2710;
	s8 =	sadd.s32 $0x29800, s8  }
.LBB2_1:
0x15: {  	[tilespmem:s3], [sflag:$0x9] =	stream.linear.gather [hbm4b:s5+s3], $0x2710, $0x38;
	[tilespmem:$0x13E20] =	vst v63  }
0x16: {  	_ =	swait.ge [sflag:s10], $0x2710  }
0x17: {  	[sflag:s10] =	ssyncset.done $0x0  }
0x18: {  	[sflag:s10] =	ssyncadd.s32 $0xFFFFD8F0  }
0x19: {  	[tilespmem:s11], [sflag:$0x9] =	stream.linear.gather [hbm4b:s6+s3], $0x2710, $0x38;
	[tilespmem:$0x13E20] =	vst v63  }
0x1a: {  	_ =	swait.ge [sflag:s10], $0x2710  }
0x1b: {  	[sflag:s10] =	ssyncset.done $0x0  }
0x1c: {  	[sflag:s10] =	ssyncadd.s32 $0xFFFFD8F0  }
0x1d: {  	[spmem:s13], [sflag:s12] =	dma.local [hbm:s7], $0x1400  }
0x1e: {  	_ =	swait.ge [sflag:s10], $0x1400  }
0x1f: {  	[sflag:s10] =	ssyncset.done $0x0  }
0x20: {  	[sflag:s10] =	ssyncadd.s32 $0xFFFFEC00  }
0x21: {  	[bflag:$0x0] =	sbarrier.arrive $0xFFFF  }
0x22: {  	[tilespmem:s15], [sflag:$0x1] =	stream.indirect.gather [hbm4b:s4+s14], $0x40, s3, s14, $0xb8;
	[tilespmem:$0x13E20] =	vst v63  }
0x23: {  	_ = 	snop  }
0x24: {  	[tilespmem:s16], [sflag:$0x2] =	stream.indirect.gather [hbm4b:s4+s14], $0x40, s14, s14, $0xb8;
	[tilespmem:$0x13E20] =	vst v63  }
0x25: {  	s0 =	simm.s32 $0xA0  }
0x26: {  	[tilespmem:s18], [sflag:$0x3] =	stream.indirect.gather [hbm4b:s4+s14], $0x40, s0, s14, $0xb8;
	[tilespmem:$0x13E20] =	vst v63  }
0x27: {  	_ =	swait.ge [sflag:s19], $0x1400  }
0x28: {  	[sflag:s19] =	ssyncset.done $0x0  }
0x29: {  	[sflag:s19] =	ssyncadd.s32 $0xFFFFEC00  }
0x2a: {  	[spmem:s2] =	stream.indirect.scatter.add.f32 [tilespmem:s15], [sflag:$0x5], $0x40, s11, s14, $0xb8;
	[tilespmem:$0x13E20] =	vst v63  }
0x2b: {  	s23 =	simm.s32 $0xF0  }
0x2c: {  	[tilespmem:s21], [sflag:$0x4] =	stream.indirect.gather [hbm4b:s4+s14], $0x40, s23, s14, $0xb8;
	[tilespmem:$0x13E20] =	vst v63  }
0x2d: {  	_ =	swait.ge [sflag:s22], $0x1400  }
0x2e: {  	[sflag:s22] =	ssyncset.done $0x0  }
0x2f: {  	s23 =	simm.s32 $0x2760;
	[sflag:s22] =	ssyncadd.s32 $0xFFFFEC00  }
0x30: {  	[spmem:s2] =	stream.indirect.scatter.add.f32 [tilespmem:s16], [sflag:$0x6], $0x40, s23, s14, $0xb8;
	[tilespmem:$0x13E20] =	vst v63  }
0x31: {  	_ =	swait.ge [sflag:s24], $0x1400  }
0x32: {  	[sflag:s24] =	ssyncset.done $0x0  }
0x33: {  	s23 =	simm.s32 $0x140;
	[sflag:s24] =	ssyncadd.s32 $0xFFFFEC00  }
0x34: {  	[tilespmem:s15], [sflag:$0x1] =	stream.indirect.gather [hbm4b:s4+s14], $0x40, s23, s14, $0xb8;
	[tilespmem:$0x13E20] =	vst v63  }
0x35: {  	_ =	swait.ge [sflag:s25], $0x1400  }
0x36: {  	[sflag:s25] =	ssyncset.done $0x0  }
0x37: {  	s0 =	simm.s32 $0x27B0;
	[sflag:s25] =	ssyncadd.s32 $0xFFFFEC00  }
0x38: {  	[spmem:s2] =	stream.indirect.scatter.add.f32 [tilespmem:s18], [sflag:$0x7], $0x40, s0, s14, $0xb8;
	[tilespmem:$0x13E20] =	vst v63  }
0x39: {  	_ =	swait.ge [sflag:s26], $0x1400  }
0x3a: {  	[sflag:s26] =	ssyncset.done $0x0  }
0x3b: {  	s0 =	simm.s32 $0x190;
	[sflag:s26] =	ssyncadd.s32 $0xFFFFEC00  }
0x3c: {  	[tilespmem:s16], [sflag:$0x2] =	stream.indirect.gather [hbm4b:s4+s14], $0x40, s0, s14, $0xb8;
	[tilespmem:$0x13E20] =	vst v63  }
0x3d: {  	_ =	swait.ge [sflag:s28], $0x1400  }
0x3e: {  	[sflag:s28] =	ssyncset.done $0x0  }
0x3f: {  	s0 =	simm.s32 $0x2800;
	[sflag:s28] =	ssyncadd.s32 $0xFFFFEC00  }
0x40: {  	[spmem:s2] =	stream.indirect.scatter.add.f32 [tilespmem:s21], [sflag:$0x8], $0x40, s0, s14, $0xb8;
	[tilespmem:$0x13E20] =	vst v63  }
0x41: {  	_ =	swait.ge [sflag:s29], $0x1400  }
0x42: {  	[sflag:s29] =	ssyncset.done $0x0  }
0x43: {  	s0 =	simm.s32 $0x1E0;
	[sflag:s29] =	ssyncadd.s32 $0xFFFFEC00  }
0x44: {  	[tilespmem:s18], [sflag:$0x3] =	stream.indirect.gather [hbm4b:s4+s14], $0x40, s0, s14, $0xb8;
	[tilespmem:$0x13E20] =	vst v63  }
0x45: {  	_ =	swait.ge [sflag:s19], $0x1400  }
0x46: {  	[sflag:s19] =	ssyncset.done $0x0  }
0x47: {  	s0 =	simm.s32 $0x2850;
	[sflag:s19] =	ssyncadd.s32 $0xFFFFEC00  }
0x48: {  	[spmem:s2] =	stream.indirect.scatter.add.f32 [tilespmem:s15], [sflag:$0x5], $0x40, s0, s14, $0xb8;
	[tilespmem:$0x13E20] =	vst v63  }
0x49: {  	_ =	swait.ge [sflag:s30], $0x1400  }
0x4a: {  	[sflag:s30] =	ssyncset.done $0x0  }
0x4b: {  	s0 =	simm.s32 $0x230;
	[sflag:s30] =	ssyncadd.s32 $0xFFFFEC00  }
0x4c: {  	[tilespmem:s21], [sflag:$0x4] =	stream.indirect.gather [hbm4b:s4+s14], $0x40, s0, s14, $0xb8;
	[tilespmem:$0x13E20] =	vst v63  }
0x4d: {  	_ =	swait.ge [sflag:s22], $0x1400  }
0x4e: {  	[sflag:s22] =	ssyncset.done $0x0  }
0x4f: {  	s31 =	simm.s32 $0x28A0;
	s23 =	simm.s32 $0x500;
	[sflag:s22] =	ssyncadd.s32 $0xFFFFEC00  }
.LBB2_2:
0x50: {  	[spmem:s2] =	stream.indirect.scatter.add.f32 [tilespmem:s16], [sflag:$0x6], $0x40, s31, s14, $0xb8;
	[tilespmem:$0x13E20] =	vst v63  }
0x51: {  	s31 =	smov.u32 s23  }
0x52: {  	p0 =	sne.s32 s23, $0x9100;
	s23 =	sadd.s32 $0x500, s23;
	_ =	swait.ge [sflag:s24], $0x1400  }
0x53: {  	s31 =	sshra.s32 s31, $0x2;
	[sflag:s24] =	ssyncset.done $0x0  }
0x54: {  	s0 =	sadd.s32 $0x140, s31;
	[sflag:s24] =	ssyncadd.s32 $0xFFFFEC00  }
0x55: {  	[tilespmem:s15], [sflag:$0x1] =	stream.indirect.gather [hbm4b:s4+s14], $0x40, s0, s14, $0xb8;
	[tilespmem:$0x13E20] =	vst v63  }
0x56: {  	_ =	swait.ge [sflag:s25], $0x1400  }
0x57: {  	[sflag:s25] =	ssyncset.done $0x0  }
0x58: {  	s0 =	sadd.s32 $0x27B0, s31;
	[sflag:s25] =	ssyncadd.s32 $0xFFFFEC00  }
0x59: {  	[spmem:s2] =	stream.indirect.scatter.add.f32 [tilespmem:s18], [sflag:$0x7], $0x40, s0, s14, $0xb8;
	[tilespmem:$0x13E20] =	vst v63  }
0x5a: {  	_ =	swait.ge [sflag:s26], $0x1400  }
0x5b: {  	[sflag:s26] =	ssyncset.done $0x0  }
0x5c: {  	s0 =	sadd.s32 $0x190, s31;
	[sflag:s26] =	ssyncadd.s32 $0xFFFFEC00  }
0x5d: {  	[tilespmem:s16], [sflag:$0x2] =	stream.indirect.gather [hbm4b:s4+s14], $0x40, s0, s14, $0xb8;
	[tilespmem:$0x13E20] =	vst v63  }
0x5e: {  	_ =	swait.ge [sflag:s28], $0x1400  }
0x5f: {  	[sflag:s28] =	ssyncset.done $0x0  }
0x60: {  	s0 =	sadd.s32 $0x2800, s31;
	[sflag:s28] =	ssyncadd.s32 $0xFFFFEC00  }
0x61: {  	[spmem:s2] =	stream.indirect.scatter.add.f32 [tilespmem:s21], [sflag:$0x8], $0x40, s0, s14, $0xb8;
	[tilespmem:$0x13E20] =	vst v63  }
0x62: {  	_ =	swait.ge [sflag:s29], $0x1400  }
0x63: {  	[sflag:s29] =	ssyncset.done $0x0  }
0x64: {  	s0 =	sadd.s32 $0x1E0, s31;
	[sflag:s29] =	ssyncadd.s32 $0xFFFFEC00  }
0x65: {  	[tilespmem:s18], [sflag:$0x3] =	stream.indirect.gather [hbm4b:s4+s14], $0x40, s0, s14, $0xb8;
	[tilespmem:$0x13E20] =	vst v63  }
0x66: {  	_ =	swait.ge [sflag:s19], $0x1400  }
0x67: {  	[sflag:s19] =	ssyncset.done $0x0  }
0x68: {  	s0 =	sadd.s32 $0x2850, s31;
	[sflag:s19] =	ssyncadd.s32 $0xFFFFEC00  }
0x69: {  	[spmem:s2] =	stream.indirect.scatter.add.f32 [tilespmem:s15], [sflag:$0x5], $0x40, s0, s14, $0xb8;
	[tilespmem:$0x13E20] =	vst v63  }
0x6a: {  	_ =	swait.ge [sflag:s30], $0x1400  }
0x6b: {  	[sflag:s30] =	ssyncset.done $0x0  }
.Ltmp0:
0x6c: {  	s0 =	sadd.s32 $0x230, s31;
	[sflag:s30] =	ssyncadd.s32 $0xFFFFEC00;
	(pc) =	sbr.rel @p0 .LBB2_2-.Ltmp0, $4  }
0x6d: {  	[tilespmem:s21], [sflag:$0x4] =	stream.indirect.gather [hbm4b:s4+s14], $0x40, s0, s14, $0xb8;
	[tilespmem:$0x13E20] =	vst v63  }
0x6e: {  	_ =	swait.ge [sflag:s22], $0x1400  }
0x6f: {  	[sflag:s22] =	ssyncset.done $0x0  }
0x70: {  	s31 =	sadd.s32 $0x28A0, s31;
	[sflag:s22] =	ssyncadd.s32 $0xFFFFEC00  }
0x71: {  	[spmem:s2] =	stream.indirect.scatter.add.f32 [tilespmem:s16], [sflag:$0x6], $0x40, s31, s14, $0xb8;
	[tilespmem:$0x13E20] =	vst v63  }
0x72: {  	_ =	swait.ge [sflag:s24], $0x1400  }
0x73: {  	[sflag:s24] =	ssyncset.done $0x0  }
0x74: {  	s0 =	simm.s32 $0x26C0;
	[sflag:s24] =	ssyncadd.s32 $0xFFFFEC00  }
0x75: {  	[tilespmem:s15], [sflag:$0x1] =	stream.indirect.gather [hbm4b:s4+s14], $0x40, s0, s14, $0xb8;
	[tilespmem:$0x13E20] =	vst v63  }
0x76: {  	_ =	swait.ge [sflag:s25], $0x1400  }
0x77: {  	[sflag:s25] =	ssyncset.done $0x0  }
0x78: {  	s31 =	simm.s32 $0x4D30;
	[sflag:s25] =	ssyncadd.s32 $0xFFFFEC00  }
0x79: {  	[spmem:s2] =	stream.indirect.scatter.add.f32 [tilespmem:s18], [sflag:$0x7], $0x40, s31, s14, $0xb8;
	[tilespmem:$0x13E20] =	vst v63  }
0x7a: {  	_ =	swait.ge [sflag:s28], $0x1400  }
0x7b: {  	[sflag:s28] =	ssyncset.done $0x0  }
0x7c: {  	[sflag:s28] =	ssyncadd.s32 $0xFFFFEC00  }
0x7d: {  	[spmem:s2] =	stream.indirect.scatter.add.f32 [tilespmem:s21], [sflag:$0x8], $0x40, s1, s14, $0xb8;
	[tilespmem:$0x13E20] =	vst v63  }
0x7e: {  	_ =	swait.ge [sflag:s19], $0x1400  }
0x7f: {  	[sflag:s19] =	ssyncset.done $0x0  }
0x80: {  	[sflag:s19] =	ssyncadd.s32 $0xFFFFEC00  }
0x81: {  	[spmem:s2] =	stream.indirect.scatter.add.f32 [tilespmem:s15], [sflag:$0x5], $0x40, s17, s14, $0xb8;
	[tilespmem:$0x13E20] =	vst v63  }
0x82: {  	_ =	swait.ge [sflag:s26], $0x1400  }
0x83: {  	[sflag:s26] =	ssyncset.done $0x0  }
0x84: {  	[sflag:s26] =	ssyncadd.s32 $0xFFFFEC00  }
0x85: {  	_ =	swait.ge [sflag:s29], $0x1400  }
0x86: {  	[sflag:s29] =	ssyncset.done $0x0  }
0x87: {  	[sflag:s29] =	ssyncadd.s32 $0xFFFFEC00  }
0x88: {  	_ =	swait.ge [sflag:s30], $0x1400  }
0x89: {  	[sflag:s30] =	ssyncset.done $0x0  }
0x8a: {  	[sflag:s30] =	ssyncadd.s32 $0xFFFFEC00  }
0x8b: {  	_ =	swait.ge [sflag:s24], $0x1400  }
0x8c: {  	s20 =	sadd.s32 $0x1, s20;
	[sflag:s24] =	ssyncset.done $0x0  }
0x8d: {  	p0 =	sne.s32 s20, s9;
	[sflag:s24] =	ssyncadd.s32 $0xFFFFEC00  }
.Ltmp1:
0x8e: {  	[bflag:$0x0] =	sbarrier.arrive $0xFFFF;
	(pc) =	sbr.rel @p0 .LBB2_1-.Ltmp1, $4  }
0x8f: {  	[hbm:s8], [sflag:s12] =	dma.local [spmem:s13], $0x1400  }
0x90: {  	_ =	swait.ge [sflag:s10], $0x1400  }
0x91: {  	[sflag:s10] =	ssyncset.done $0x0  }
0x92: {  	[sflag:s10] =	ssyncadd.s32 $0xFFFFEC00  }
0x93: {  	_ =	sfence.sel $0x180000  }
0x94: {  	[bflag:$0x0] =	sbarrier.arrive $0xFFFF  }
0x95: {  	_ =	strace $0x9000004A  }
0x96: {  	s0 =	stileid.u32;
	[bflag:$0x2] =	sbarrier.arrive $0xFFFF  }
0x97: {  	p0 =	sne.s32 s0, $0x0;
	s0 =	rddreg [dreg:$0x4]  }
0x98: {  	s0 =	sadd.s32 @!p0 $0x100000, s0  }
0x99: {  	[sflag:s0] =	ssyncadd.tile.s32 @!p0 $0x1;
	_ =	shalt  }
.Lfunc_end2:
_tile_overlayer_lowered:
.L_overlay_start_2:
0x9a: {  	(tag) =	ssettag $0x2  }
0x9b: {  	s0 =	rddreg [dreg:$0x0];
	s2 =	stileid.u32  }
0x9c: {  	s1 =	rddreg [dreg:$0x1];
	p0 =	sne.s32 s2, $0x0  }
0x9d: {  	s3 =	rddreg [dreg:$0x2];
	[bflag:$0x3] =	sbarrier.arrive $0xFFFF;
	s2 =	simm.s32 @!p0 $0x1C09  }
0x9e: {  	[timem:s3], [sflag:s2] =	dma.local @!p0 [hbm:s0], s1  }
0x9f: {  	s0 =	simm.s32 @!p0 $0x9  }
0xa0: {  	_ =	swait.ge @!p0 [sflag:s0], s1  }
0xa1: {  	s1 =	ssub.s32 @!p0 $0x0, s1;
	[sflag:s0] =	ssyncset.done @!p0 $0x0  }
0xa2: {  	[sflag:s0] =	ssyncadd.s32 @!p0 s1  }
0xa3: {  	[bflag:$0x3] =	sbarrier.arrive $0xFFFF  }
0xa4: {  	_ =	shalt  }

// kernel: kernel.16.cloned.1.call-start
scs
__scs_entry_jumppad:
0x0: {  	(pc) =	sbr.rel $0x88, $3  }
0x1: {  	(tag) =	ssettag $0x0;
	lr =	simm.s32 $0x1  }
0x2: {  	[smem:$0x3F9B] =	sst lr;
	_ =	strace $0xD0000000  }
0x3: {  	_ = 	snop  }
0x4: {  	_ = 	snop  }
0x5: {  	_ = 	snop  }
0x6: {  	_ = 	snop  }
0x7: {  	_ = 	snop  }
__scs_overlays_trampoline_lowered:
0x8: {  	[smem:$0x3FAA] =	sst s0  }
0x9: {  	[smem:$0x3FAB] =	sst s1  }
0xa: {  	[smem:$0x3FAC] =	sst s2  }
0xb: {  	[smem:$0x3FAD] =	sst s3  }
0xc: {  	[smem:$0x3FAE] =	sst s4  }
0xd: {  	[smem:$0x3FAF] =	sst s5  }
0xe: {  	[smem:$0x3FB0] =	sst s6  }
0xf: {  	[smem:$0x3FB1] =	sst s7  }
0x10: {  	[smem:$0x3FB2] =	sst s8  }
0x11: {  	[smem:$0x3FB3] =	sst s9;
	s0 =	simm.s32 @!p0 $0x0  }
0x12: {  	s1 =	sld [smem:$0x3F99];
	s0 =	simm.s32 @p0 $0x1  }
0x13: {  	[smem:$0x3FB4] =	sst s0;
	s0 =	simm.s32 @!p1 $0x0  }
0x14: {  	s2 =	sld [smem:$0x3F98];
	s0 =	simm.s32 @p1 $0x1  }
0x15: {  	[smem:$0x3FB5] =	sst s0;
	s0 =	simm.s32 @!p2 $0x0  }
0x16: {  	s3 =	sld [smem:$0x3FDB];
	s0 =	simm.s32 @p2 $0x1  }
0x17: {  	s4 =	simm.s32 $0x1BF5;
	[smem:$0x3FB7] =	sst s0  }
0x18: {  	s0 =	sld [smem:$0x3F9A];
	_ =	swait.ge [sflag:s4], $0x0  }
0x19: {  	s7 =	sld [smem:$0x3F9B]  }
0x1a: {  	s8 =	sadd.s32 $0xFFFFE003, lr  }
0x1b: {  	s9 =	sadd.s32 $0xFFFFFEF7, lr;
	s5 =	simm.s32 $0xFFFFFFFF;
	p2 =	slt.u32 s8, $0xFFFFF086  }
0x1c: {  	p1 =	slt.u32 s9, $0xF7A;
	s5 =	simm.s32 @!p2 $0x0  }
0x1d: {  	s5 =	simm.s32 @p1 $0x1;
	p0 =	seq.s32 s7, s2  }
0x1e: {  	s7 =	smul.u32 @!p0 $0xF7A, s2;
	p2 =	seq.s32 @!p0 s5, $0x0  }
0x1f: {  	s9 =	smul.u32 $0xF7A, s1;
	s8 =	simm.s32 @!p0 $0x1BF5;
	p2 =	por !p2, p0  }
0x20: {  	[sflag:s8] =	ssyncset.s32 @!p0 $0xFFFFF086;
	s6 =	sadd.s32 @!p0 s3, s7;
	s7 =	simm.s32 @!p0 $0x108  }
0x21: {  	s3 =	sadd.s32 s3, s9;
	s6 =	sadd.s32 @!p0 $0x88, s6;
	s7 =	simm.s32 @p2 $0x1082  }
0x22: {  	[simem:s7], [sflag:s8] =	dma.local @!p0 [hbm:s6], $0xF7A  }
0x23: {  	s9 =	sor.u32 $0xD0000000, s2;
	s6 =	simm.s32 $0x108;
	_ =	swait.ge @!p0 [sflag:s8], $0x0  }
0x24: {  	s3 =	sadd.s32 $0x88, s3;
	s6 =	simm.s32 @!p1 $0x1082;
	[sflag:s4] =	ssyncset.s32 $0xFFFFF086  }
0x25: {  	[simem:s6], [sflag:s4] =	dma.local [hbm:s3], $0xF7A  }
0x26: {  	[smem:$0x3F9B] =	sst s1;
	(tag) =	ssettag s2;
	_ =	strace s9  }
0x27: {  	s1 =	sld [smem:$0x3FAB]  }
0x28: {  	s2 =	sld [smem:$0x3FAC]  }
0x29: {  	s4 =	sld [smem:$0x3FAE]  }
0x2a: {  	p0 =	seq.s32 s5, $0x0;
	s5 =	sld [smem:$0x3FAF]  }
0x2b: {  	s6 =	sld [smem:$0x3FB0]  }
0x2c: {  	s7 =	sld [smem:$0x3FB1]  }
0x2d: {  	s3 =	simm.s32 $0x108;
	s8 =	sld [smem:$0x3FB2]  }
0x2e: {  	s3 =	simm.s32 @!p0 $0x1082;
	s9 =	sld [smem:$0x3FB3]  }
0x2f: {  	lr =	sadd.s32 s0, s3;
	s0 =	sld [smem:$0x3FAA]  }
0x30: {  	s3 =	sld [smem:$0x3FAD]  }
0x31: {  	[smem:$0x3FB6] =	sst s10  }
0x32: {  	s10 =	sld [smem:$0x3FB4];
	_ =	sdelay $0x3  }
0x33: {  	p0 =	seq.s32 s10, $0x1;
	s10 =	sld [smem:$0x3FB6];
	_ =	sdelay $0x3  }
0x34: {  	[smem:$0x3FB6] =	sst s10  }
0x35: {  	s10 =	sld [smem:$0x3FB5];
	_ =	sdelay $0x3  }
0x36: {  	p1 =	seq.s32 s10, $0x1;
	s10 =	sld [smem:$0x3FB6];
	_ =	sdelay $0x3  }
0x37: {  	[smem:$0x3FB6] =	sst s10  }
0x38: {  	s10 =	sld [smem:$0x3FB7]  }
0x39: {  	_ = 	snop;
	(pc) =	sbr.ind lr, $3  }
0x3a: {  	_ = 	snop  }
0x3b: {  	_ = 	snop  }
0x3c: {  	p2 =	seq.s32 s10, $0x1;
	s10 =	sld [smem:$0x3FB6]  }
0x3d: {  	_ =	shalt  }
0x3e: {  	_ =	shalt  }
0x3f: {  	_ =	shalt  }
0x40: {  	_ =	shalt  }
0x41: {  	_ =	shalt  }
0x42: {  	_ =	shalt  }
0x43: {  	_ =	shalt  }
0x44: {  	_ =	shalt  }
0x45: {  	_ =	shalt  }
0x46: {  	_ =	shalt  }
0x47: {  	_ =	shalt  }
0x48: {  	_ =	shalt  }
0x49: {  	_ =	shalt  }
0x4a: {  	_ =	shalt  }
0x4b: {  	_ =	shalt  }
0x4c: {  	_ =	shalt  }
0x4d: {  	_ =	shalt  }
0x4e: {  	_ =	shalt  }
0x4f: {  	_ =	shalt  }
0x50: {  	_ =	shalt  }
0x51: {  	_ =	shalt  }
0x52: {  	_ =	shalt  }
0x53: {  	_ =	shalt  }
0x54: {  	_ =	shalt  }
0x55: {  	_ =	shalt  }
0x56: {  	_ =	shalt  }
0x57: {  	_ =	shalt  }
0x58: {  	_ =	shalt  }
0x59: {  	_ =	shalt  }
0x5a: {  	_ =	shalt  }
0x5b: {  	_ =	shalt  }
0x5c: {  	_ =	shalt  }
0x5d: {  	_ =	shalt  }
0x5e: {  	_ =	shalt  }
0x5f: {  	_ =	shalt  }
0x60: {  	_ =	shalt  }
0x61: {  	_ =	shalt  }
0x62: {  	_ =	shalt  }
0x63: {  	_ =	shalt  }
0x64: {  	_ =	shalt  }
0x65: {  	_ =	shalt  }
0x66: {  	_ =	shalt  }
0x67: {  	_ =	shalt  }
0x68: {  	_ =	shalt  }
0x69: {  	_ =	shalt  }
0x6a: {  	_ =	shalt  }
0x6b: {  	_ =	shalt  }
0x6c: {  	_ =	shalt  }
0x6d: {  	_ =	shalt  }
0x6e: {  	_ =	shalt  }
0x6f: {  	_ =	shalt  }
0x70: {  	_ =	shalt  }
0x71: {  	_ =	shalt  }
0x72: {  	_ =	shalt  }
0x73: {  	_ =	shalt  }
0x74: {  	_ =	shalt  }
0x75: {  	_ =	shalt  }
0x76: {  	_ =	shalt  }
0x77: {  	_ =	shalt  }
0x78: {  	_ =	shalt  }
0x79: {  	_ =	shalt  }
0x7a: {  	_ =	shalt  }
0x7b: {  	_ =	shalt  }
0x7c: {  	_ =	shalt  }
0x7d: {  	_ =	shalt  }
0x7e: {  	_ =	shalt  }
0x7f: {  	_ =	shalt  }
0x80: {  	_ =	shalt  }
0x81: {  	_ =	shalt  }
0x82: {  	_ =	shalt  }
0x83: {  	_ =	shalt  }
0x84: {  	_ =	shalt  }
0x85: {  	_ =	shalt  }
0x86: {  	_ =	shalt  }
0x87: {  	_ =	shalt  }
.Lfunc_end0:
.L_simem_size_0:
called_computation.2_lowered:
.L_overlay_start_0:
0x88: {  	s2 =	sld [smem:$0x3FD9]  }
0x89: {  	s3 =	sld [smem:$0x3FFE];
	_ =	sdelay $0x1  }
0x8a: {  	s1 =	srdreg.scid  }
0x8b: {  	s0 =	sand.u32 $0x1, s1  }
0x8c: {  	s14 =	sshll.u32 s0, $0xA;
	s2 =	sadd.s32 s3, s2  }
0x8d: {  	s2 =	sadd.s32 s2, s14  }
0x8e: {  	[smem:$0x3FC2] =	sst s2  }
0x8f: {  	_ = 	snop  }
0x90: {  	s2 =	sld [smem:$0x3FD0];
	_ =	sdelay $0x2  }
0x91: {  	s15 =	simm.s32 $0xA;
	s4 =	simm.s32 $0x10  }
0x92: {  	[smem:s4], [sflag:s15] =	dma.local [hbm:s2], $0x1  }
0x93: {  	_ =	swait.eq [sflag:s15], $0x1  }
0x94: {  	[sflag:s15] =	ssyncset.done $0x0  }
0x95: {  	s16 =	sld [smem:$0x11];
	[sflag:s15] =	ssyncadd.s32 $0xFFFFFFFF  }
0x96: {  	s17 =	sld [smem:$0x12];
	(tm) =	ssettm $0x1  }
0x97: {  	s18 =	sld [smem:$0x3FFB];
	_ =	sdelay $0x3  }
0x98: {  	_ =	strace s18  }
0x99: {  	s4 =	sld [smem:$0x3FFC];
	_ =	sdelay $0x3  }
0x9a: {  	_ =	strace s4  }
0x9b: {  	s4 =	sld [smem:$0x3FFD];
	_ =	sdelay $0x3  }
0x9c: {  	_ =	strace s4  }
0x9d: {  	_ =	strace $0x8FFFFFFF  }
0x9e: {  	s19 =	sld [smem:$0x3FDB];
	_ =	sdelay $0x1  }
0x9f: {  	s5 =	simm.s32 $_scs_section_size  }
0xa0: {  	s6 =	simm.s32 $_size__tile_overlayer_lowered;
	s7 =	simm.s32 $_tile_overlayer_lowered  }
0xa1: {  	s22 =	simm.s32 $0x1BFF;
	s21 =	sshll.u32 s7, $0x1;
	s4 =	sadd.s32 s5, s19  }
0xa2: {  	s8 =	simm.s32 $0x0;
	s20 =	sshll.u32 s6, $0x1;
	s6 =	sadd.s32 s21, s4  }
0xa3: {  	[timem:s8], [sflag:s22] =	dma.local [hbm:s6], s20  }
0xa4: {  	_ =	swait.ge [sflag:s22], s20  }
0xa5: {  	s5 =	ssub.s32 $0x0, s20;
	[sflag:s22] =	ssyncset.done $0x0  }
0xa6: {  	[sflag:s22] =	ssyncadd.s32 s5;
	_ =	sdelay $0x1  }
0xa7: {  	s23 =	simm.s32 $0x1B8B  }
0xa8: {  	_ =	swait.ge [sflag:s23], $0x1  }
0xa9: {  	[sflag:s23] =	ssyncset.done $0x0  }
0xaa: {  	s25 =	simm.s32 $0x1B8E;
	s24 =	sld [smem:$0x3FFE];
	[sflag:s23] =	ssyncadd.s32 $0xFFFFFFFF  }
0xab: {  	s26 =	simm.s32 $execute0_lowered;
	[smem:$0x3FD2] =	sst s25  }
0xac: {  	s6 =	sshll.u32 s26, $0x1;
	_ =	strace $0x8000004C;
	[dreg:$0x1] =	wrdreg $0xFFFFFFFF  }
0xad: {  	s28 =	simm.s32 $_size_execute0_lowered;
	s4 =	sadd.s32 s4, s6;
	[dreg:$0x0] =	wrdreg $0x0  }
0xae: {  	s6 =	sshll.u32 s28, $0x1;
	[dreg:$0x2] =	wrdreg s4  }
0xaf: {  	[dreg:$0x3] =	wrdreg s6  }
0xb0: {  	[dreg:$0x4] =	wrdreg $0xC0  }
0xb1: {  	_ =	task [dreg:s8], $0x5FFFF  }
0xb2: {  	[dreg:$0x1] =	wrdreg $0xFFFFFFFF  }
0xb3: {  	[dreg:$0x0] =	wrdreg $0x60  }
0xb4: {  	[dreg:$0x2] =	wrdreg s16  }
0xb5: {  	[dreg:$0x3] =	wrdreg s17  }
0xb6: {  	[dreg:$0x4] =	wrdreg s24  }
0xb7: {  	[dreg:$0x5] =	wrdreg $0x9E200  }
0xb8: {  	[dreg:$0x6] =	wrdreg $0x9  }
0xb9: {  	_ =	task.clear_ibuf [dreg:s8], $0x7FFFF;
	_ =	strace $0x9000004C  }
0xba: {  	s29 =	simm.s32 $0x9;
	_ =	strace $0x8000004E  }
0xbb: {  	_ =	swait.ge [sflag:s29], $0x1  }
0xbc: {  	[sflag:s29] =	ssyncadd.s32 $0xFFFFFFFF  }
0xbd: {  	_ =	strace $0x9000004E  }
0xbe: {  	_ =	sfence  }
0xbf: {  	s30 =	sld [smem:$0x0];
	_ =	sdelay $0x2  }
0xc0: {  	s31 =	sshll.u32 s1, $0xD;
	s1 =	sshrl.u32 s1, $0x2  }
0xc1: {  	s3 =	sand.u32 $0x4000, s31;
	s1 =	sadd.s32 s1, s30  }
0xc2: {  	s0 =	sor.u32 s3, s0;
	s1 =	sshll.u32 s1, $0x11  }
0xc3: {  	s0 =	sor.u32 s1, s0  }
0xc4: {  	s0 =	sadd.s32 $0x8F2B, s0  }
0xc5: {  	[sflag:s0] =	ssyncadd.remote.s32 $0x1  }
0xc6: {  	_ =	sfence.sel $0xFFFF  }
0xc7: {  	[dreg:$0x0] =	wrdreg $0xFFFFFFFF;
	(pc) =	sbr.abs _section_cstart, $3  }
0xc8: {  	[dreg:$0x1] =	wrdreg $0xFFFFFFFF  }
0xc9: {  	_ =	task.clear_ibuf [dreg:s8], $0x2FFFF;
	_ =	strace $0x9FFFFFFF  }
0xca: {  	(tm) =	ssettm $0x7FFFFFFF  }
0xcb: {  	_ =	shalt  }
tec
execute0_lowered:
.L_overlay_start_1:
0x0: {  	(tag) =	ssettag $0x1  }
0x1: {  	s0 =	rddreg [dreg:$0x0]  }
0x2: {  	s1 =	rddreg [dreg:$0x1]  }
0x3: {  	s5 =	rddreg [dreg:$0x2]  }
0x4: {  	s2 =	rddreg [dreg:$0x3]  }
0x5: {  	s12 =	stileid.u32;
	s4 =	srdreg.scid  }
0x6: {  	s3 =	simm.s32 $0x0;
	s14 =	simm.s32 $0x50;
	s15 =	simm.s32 $0x4E20  }
0x7: {  	s16 =	simm.s32 $0x6220;
	s18 =	simm.s32 $0x7620;
	s19 =	simm.s32 $0x1  }
0x8: {  	s21 =	simm.s32 $0x8A20;
	s22 =	simm.s32 $0x2;
	s24 =	simm.s32 $0x5  }
0x9: {  	s28 =	simm.s32 $0x4;
	s29 =	simm.s32 $0x7;
	s30 =	simm.s32 $0x8  }
0xa: {  	s17 =	simm.s32 $0x4DD0;
	s20 =	simm.s32 $0x0;
	s7 =	smul.u32 $0xA000, s12  }
0xb: {  	s6 =	sand.u32 $0x1, s4;
	[smem:$0x7FF] =	sst s3;
	s4 =	sadd.s32 $0x1E00, s5  }
0xc: {  	s9 =	sshll.u32 s12, $0x1;
	s31 =	sshll.u32 s12, $0x6;
	s8 =	smul.u32 $0xA0000, s6  }
0xd: {  	_ =	strace $0x8000004D;
	s9 =	sor.u32 s6, s9;
	s6 =	ssub.s32 $0x2, s6  }
0xe: {  	s12 =	sor.u32 $0x1C09, s31;
	s10 =	sshrl.u32 s7, $0x3;
	s9 =	smul.u32 $0x4E2, s9  }
0xf: {  	s25 =	sshrl.u32 s6, $0x1;
	s26 =	sadd.s32 s7, s2;
	s8 =	sadd.s32 s7, s8  }
0x10: {  	s10 =	sadd.s32 s10, s5;
	s11 =	ssub.s32 s6, s25;
	s13 =	sshrl.u32 s26, $0x3  }
0x11: {  	s25 =	simm.s32 $0x3;
	s26 =	simm.s32 $0x6;
	s8 =	sshrl.u32 s8, $0x3  }
0x12: {  	s6 =	sadd.s32 s1, s9;
	s7 =	sadd.s32 $0x15800, s10;
	s10 =	simm.s32 $0x9  }
0x13: {  	s1 =	simm.s32 $0x4D80;
	s8 =	sadd.s32 s8, s5;
	s5 =	sadd.s32 s0, s9  }
0x14: {  	s9 =	smax.u32 s11, $0x1;
	s11 =	simm.s32 $0x2710;
	s8 =	sadd.s32 $0x29800, s8  }
.LBB2_1:
0x15: {  	[tilespmem:s3], [sflag:$0x9] =	stream.linear.gather [hbm4b:s5+s3], $0x2710, $0x38;
	[tilespmem:$0x13E20] =	vst v63  }
0x16: {  	_ =	swait.ge [sflag:s10], $0x2710  }
0x17: {  	[sflag:s10] =	ssyncset.done $0x0  }
0x18: {  	[sflag:s10] =	ssyncadd.s32 $0xFFFFD8F0  }
0x19: {  	[tilespmem:s11], [sflag:$0x9] =	stream.linear.gather [hbm4b:s6+s3], $0x2710, $0x38;
	[tilespmem:$0x13E20] =	vst v63  }
0x1a: {  	_ =	swait.ge [sflag:s10], $0x2710  }
0x1b: {  	[sflag:s10] =	ssyncset.done $0x0  }
0x1c: {  	[sflag:s10] =	ssyncadd.s32 $0xFFFFD8F0  }
0x1d: {  	[spmem:s13], [sflag:s12] =	dma.local [hbm:s7], $0x1400  }
0x1e: {  	_ =	swait.ge [sflag:s10], $0x1400  }
0x1f: {  	[sflag:s10] =	ssyncset.done $0x0  }
0x20: {  	[sflag:s10] =	ssyncadd.s32 $0xFFFFEC00  }
0x21: {  	[bflag:$0x0] =	sbarrier.arrive $0xFFFF  }
0x22: {  	[tilespmem:s15], [sflag:$0x1] =	stream.indirect.gather [hbm4b:s4+s14], $0x40, s3, s14, $0xb8;
	[tilespmem:$0x13E20] =	vst v63  }
0x23: {  	_ = 	snop  }
0x24: {  	[tilespmem:s16], [sflag:$0x2] =	stream.indirect.gather [hbm4b:s4+s14], $0x40, s14, s14, $0xb8;
	[tilespmem:$0x13E20] =	vst v63  }
0x25: {  	s0 =	simm.s32 $0xA0  }
0x26: {  	[tilespmem:s18], [sflag:$0x3] =	stream.indirect.gather [hbm4b:s4+s14], $0x40, s0, s14, $0xb8;
	[tilespmem:$0x13E20] =	vst v63  }
0x27: {  	_ =	swait.ge [sflag:s19], $0x1400  }
0x28: {  	[sflag:s19] =	ssyncset.done $0x0  }
0x29: {  	[sflag:s19] =	ssyncadd.s32 $0xFFFFEC00  }
0x2a: {  	[spmem:s2] =	stream.indirect.scatter.add.f32 [tilespmem:s15], [sflag:$0x5], $0x40, s11, s14, $0xb8;
	[tilespmem:$0x13E20] =	vst v63  }
0x2b: {  	s23 =	simm.s32 $0xF0  }
0x2c: {  	[tilespmem:s21], [sflag:$0x4] =	stream.indirect.gather [hbm4b:s4+s14], $0x40, s23, s14, $0xb8;
	[tilespmem:$0x13E20] =	vst v63  }
0x2d: {  	_ =	swait.ge [sflag:s22], $0x1400  }
0x2e: {  	[sflag:s22] =	ssyncset.done $0x0  }
0x2f: {  	s23 =	simm.s32 $0x2760;
	[sflag:s22] =	ssyncadd.s32 $0xFFFFEC00  }
0x30: {  	[spmem:s2] =	stream.indirect.scatter.add.f32 [tilespmem:s16], [sflag:$0x6], $0x40, s23, s14, $0xb8;
	[tilespmem:$0x13E20] =	vst v63  }
0x31: {  	_ =	swait.ge [sflag:s24], $0x1400  }
0x32: {  	[sflag:s24] =	ssyncset.done $0x0  }
0x33: {  	s23 =	simm.s32 $0x140;
	[sflag:s24] =	ssyncadd.s32 $0xFFFFEC00  }
0x34: {  	[tilespmem:s15], [sflag:$0x1] =	stream.indirect.gather [hbm4b:s4+s14], $0x40, s23, s14, $0xb8;
	[tilespmem:$0x13E20] =	vst v63  }
0x35: {  	_ =	swait.ge [sflag:s25], $0x1400  }
0x36: {  	[sflag:s25] =	ssyncset.done $0x0  }
0x37: {  	s0 =	simm.s32 $0x27B0;
	[sflag:s25] =	ssyncadd.s32 $0xFFFFEC00  }
0x38: {  	[spmem:s2] =	stream.indirect.scatter.add.f32 [tilespmem:s18], [sflag:$0x7], $0x40, s0, s14, $0xb8;
	[tilespmem:$0x13E20] =	vst v63  }
0x39: {  	_ =	swait.ge [sflag:s26], $0x1400  }
0x3a: {  	[sflag:s26] =	ssyncset.done $0x0  }
0x3b: {  	s0 =	simm.s32 $0x190;
	[sflag:s26] =	ssyncadd.s32 $0xFFFFEC00  }
0x3c: {  	[tilespmem:s16], [sflag:$0x2] =	stream.indirect.gather [hbm4b:s4+s14], $0x40, s0, s14, $0xb8;
	[tilespmem:$0x13E20] =	vst v63  }
0x3d: {  	_ =	swait.ge [sflag:s28], $0x1400  }
0x3e: {  	[sflag:s28] =	ssyncset.done $0x0  }
0x3f: {  	s0 =	simm.s32 $0x2800;
	[sflag:s28] =	ssyncadd.s32 $0xFFFFEC00  }
0x40: {  	[spmem:s2] =	stream.indirect.scatter.add.f32 [tilespmem:s21], [sflag:$0x8], $0x40, s0, s14, $0xb8;
	[tilespmem:$0x13E20] =	vst v63  }
0x41: {  	_ =	swait.ge [sflag:s29], $0x1400  }
0x42: {  	[sflag:s29] =	ssyncset.done $0x0  }
0x43: {  	s0 =	simm.s32 $0x1E0;
	[sflag:s29] =	ssyncadd.s32 $0xFFFFEC00  }
0x44: {  	[tilespmem:s18], [sflag:$0x3] =	stream.indirect.gather [hbm4b:s4+s14], $0x40, s0, s14, $0xb8;
	[tilespmem:$0x13E20] =	vst v63  }
0x45: {  	_ =	swait.ge [sflag:s19], $0x1400  }
0x46: {  	[sflag:s19] =	ssyncset.done $0x0  }
0x47: {  	s0 =	simm.s32 $0x2850;
	[sflag:s19] =	ssyncadd.s32 $0xFFFFEC00  }
0x48: {  	[spmem:s2] =	stream.indirect.scatter.add.f32 [tilespmem:s15], [sflag:$0x5], $0x40, s0, s14, $0xb8;
	[tilespmem:$0x13E20] =	vst v63  }
0x49: {  	_ =	swait.ge [sflag:s30], $0x1400  }
0x4a: {  	[sflag:s30] =	ssyncset.done $0x0  }
0x4b: {  	s0 =	simm.s32 $0x230;
	[sflag:s30] =	ssyncadd.s32 $0xFFFFEC00  }
0x4c: {  	[tilespmem:s21], [sflag:$0x4] =	stream.indirect.gather [hbm4b:s4+s14], $0x40, s0, s14, $0xb8;
	[tilespmem:$0x13E20] =	vst v63  }
0x4d: {  	_ =	swait.ge [sflag:s22], $0x1400  }
0x4e: {  	[sflag:s22] =	ssyncset.done $0x0  }
0x4f: {  	s31 =	simm.s32 $0x28A0;
	s23 =	simm.s32 $0x500;
	[sflag:s22] =	ssyncadd.s32 $0xFFFFEC00  }
.LBB2_2:
0x50: {  	[spmem:s2] =	stream.indirect.scatter.add.f32 [tilespmem:s16], [sflag:$0x6], $0x40, s31, s14, $0xb8;
	[tilespmem:$0x13E20] =	vst v63  }
0x51: {  	s31 =	smov.u32 s23  }
0x52: {  	p0 =	sne.s32 s23, $0x9100;
	s23 =	sadd.s32 $0x500, s23;
	_ =	swait.ge [sflag:s24], $0x1400  }
0x53: {  	s31 =	sshra.s32 s31, $0x2;
	[sflag:s24] =	ssyncset.done $0x0  }
0x54: {  	s0 =	sadd.s32 $0x140, s31;
	[sflag:s24] =	ssyncadd.s32 $0xFFFFEC00  }
0x55: {  	[tilespmem:s15], [sflag:$0x1] =	stream.indirect.gather [hbm4b:s4+s14], $0x40, s0, s14, $0xb8;
	[tilespmem:$0x13E20] =	vst v63  }
0x56: {  	_ =	swait.ge [sflag:s25], $0x1400  }
0x57: {  	[sflag:s25] =	ssyncset.done $0x0  }
0x58: {  	s0 =	sadd.s32 $0x27B0, s31;
	[sflag:s25] =	ssyncadd.s32 $0xFFFFEC00  }
0x59: {  	[spmem:s2] =	stream.indirect.scatter.add.f32 [tilespmem:s18], [sflag:$0x7], $0x40, s0, s14, $0xb8;
	[tilespmem:$0x13E20] =	vst v63  }
0x5a: {  	_ =	swait.ge [sflag:s26], $0x1400  }
0x5b: {  	[sflag:s26] =	ssyncset.done $0x0  }
0x5c: {  	s0 =	sadd.s32 $0x190, s31;
	[sflag:s26] =	ssyncadd.s32 $0xFFFFEC00  }
0x5d: {  	[tilespmem:s16], [sflag:$0x2] =	stream.indirect.gather [hbm4b:s4+s14], $0x40, s0, s14, $0xb8;
	[tilespmem:$0x13E20] =	vst v63  }
0x5e: {  	_ =	swait.ge [sflag:s28], $0x1400  }
0x5f: {  	[sflag:s28] =	ssyncset.done $0x0  }
0x60: {  	s0 =	sadd.s32 $0x2800, s31;
	[sflag:s28] =	ssyncadd.s32 $0xFFFFEC00  }
0x61: {  	[spmem:s2] =	stream.indirect.scatter.add.f32 [tilespmem:s21], [sflag:$0x8], $0x40, s0, s14, $0xb8;
	[tilespmem:$0x13E20] =	vst v63  }
0x62: {  	_ =	swait.ge [sflag:s29], $0x1400  }
0x63: {  	[sflag:s29] =	ssyncset.done $0x0  }
0x64: {  	s0 =	sadd.s32 $0x1E0, s31;
	[sflag:s29] =	ssyncadd.s32 $0xFFFFEC00  }
0x65: {  	[tilespmem:s18], [sflag:$0x3] =	stream.indirect.gather [hbm4b:s4+s14], $0x40, s0, s14, $0xb8;
	[tilespmem:$0x13E20] =	vst v63  }
0x66: {  	_ =	swait.ge [sflag:s19], $0x1400  }
0x67: {  	[sflag:s19] =	ssyncset.done $0x0  }
0x68: {  	s0 =	sadd.s32 $0x2850, s31;
	[sflag:s19] =	ssyncadd.s32 $0xFFFFEC00  }
0x69: {  	[spmem:s2] =	stream.indirect.scatter.add.f32 [tilespmem:s15], [sflag:$0x5], $0x40, s0, s14, $0xb8;
	[tilespmem:$0x13E20] =	vst v63  }
0x6a: {  	_ =	swait.ge [sflag:s30], $0x1400  }
0x6b: {  	[sflag:s30] =	ssyncset.done $0x0  }
.Ltmp0:
0x6c: {  	s0 =	sadd.s32 $0x230, s31;
	[sflag:s30] =	ssyncadd.s32 $0xFFFFEC00;
	(pc) =	sbr.rel @p0 .LBB2_2-.Ltmp0, $4  }
0x6d: {  	[tilespmem:s21], [sflag:$0x4] =	stream.indirect.gather [hbm4b:s4+s14], $0x40, s0, s14, $0xb8;
	[tilespmem:$0x13E20] =	vst v63  }
0x6e: {  	_ =	swait.ge [sflag:s22], $0x1400  }
0x6f: {  	[sflag:s22] =	ssyncset.done $0x0  }
0x70: {  	s31 =	sadd.s32 $0x28A0, s31;
	[sflag:s22] =	ssyncadd.s32 $0xFFFFEC00  }
0x71: {  	[spmem:s2] =	stream.indirect.scatter.add.f32 [tilespmem:s16], [sflag:$0x6], $0x40, s31, s14, $0xb8;
	[tilespmem:$0x13E20] =	vst v63  }
0x72: {  	_ =	swait.ge [sflag:s24], $0x1400  }
0x73: {  	[sflag:s24] =	ssyncset.done $0x0  }
0x74: {  	s0 =	simm.s32 $0x26C0;
	[sflag:s24] =	ssyncadd.s32 $0xFFFFEC00  }
0x75: {  	[tilespmem:s15], [sflag:$0x1] =	stream.indirect.gather [hbm4b:s4+s14], $0x40, s0, s14, $0xb8;
	[tilespmem:$0x13E20] =	vst v63  }
0x76: {  	_ =	swait.ge [sflag:s25], $0x1400  }
0x77: {  	[sflag:s25] =	ssyncset.done $0x0  }
0x78: {  	s31 =	simm.s32 $0x4D30;
	[sflag:s25] =	ssyncadd.s32 $0xFFFFEC00  }
0x79: {  	[spmem:s2] =	stream.indirect.scatter.add.f32 [tilespmem:s18], [sflag:$0x7], $0x40, s31, s14, $0xb8;
	[tilespmem:$0x13E20] =	vst v63  }
0x7a: {  	_ =	swait.ge [sflag:s28], $0x1400  }
0x7b: {  	[sflag:s28] =	ssyncset.done $0x0  }
0x7c: {  	[sflag:s28] =	ssyncadd.s32 $0xFFFFEC00  }
0x7d: {  	[spmem:s2] =	stream.indirect.scatter.add.f32 [tilespmem:s21], [sflag:$0x8], $0x40, s1, s14, $0xb8;
	[tilespmem:$0x13E20] =	vst v63  }
0x7e: {  	_ =	swait.ge [sflag:s19], $0x1400  }
0x7f: {  	[sflag:s19] =	ssyncset.done $0x0  }
0x80: {  	[sflag:s19] =	ssyncadd.s32 $0xFFFFEC00  }
0x81: {  	[spmem:s2] =	stream.indirect.scatter.add.f32 [tilespmem:s15], [sflag:$0x5], $0x40, s17, s14, $0xb8;
	[tilespmem:$0x13E20] =	vst v63  }
0x82: {  	_ =	swait.ge [sflag:s26], $0x1400  }
0x83: {  	[sflag:s26] =	ssyncset.done $0x0  }
0x84: {  	[sflag:s26] =	ssyncadd.s32 $0xFFFFEC00  }
0x85: {  	_ =	swait.ge [sflag:s29], $0x1400  }
0x86: {  	[sflag:s29] =	ssyncset.done $0x0  }
0x87: {  	[sflag:s29] =	ssyncadd.s32 $0xFFFFEC00  }
0x88: {  	_ =	swait.ge [sflag:s30], $0x1400  }
0x89: {  	[sflag:s30] =	ssyncset.done $0x0  }
0x8a: {  	[sflag:s30] =	ssyncadd.s32 $0xFFFFEC00  }
0x8b: {  	_ =	swait.ge [sflag:s24], $0x1400  }
0x8c: {  	s20 =	sadd.s32 $0x1, s20;
	[sflag:s24] =	ssyncset.done $0x0  }
0x8d: {  	p0 =	sne.s32 s20, s9;
	[sflag:s24] =	ssyncadd.s32 $0xFFFFEC00  }
.Ltmp1:
0x8e: {  	[bflag:$0x0] =	sbarrier.arrive $0xFFFF;
	(pc) =	sbr.rel @p0 .LBB2_1-.Ltmp1, $4  }
0x8f: {  	[hbm:s8], [sflag:s12] =	dma.local [spmem:s13], $0x1400  }
0x90: {  	_ =	swait.ge [sflag:s10], $0x1400  }
0x91: {  	[sflag:s10] =	ssyncset.done $0x0  }
0x92: {  	[sflag:s10] =	ssyncadd.s32 $0xFFFFEC00  }
0x93: {  	_ =	sfence.sel $0x180000  }
0x94: {  	[bflag:$0x0] =	sbarrier.arrive $0xFFFF  }
0x95: {  	_ =	strace $0x9000004D  }
0x96: {  	s0 =	stileid.u32;
	[bflag:$0x2] =	sbarrier.arrive $0xFFFF  }
0x97: {  	p0 =	sne.s32 s0, $0x0;
	s0 =	rddreg [dreg:$0x4]  }
0x98: {  	s0 =	sadd.s32 @!p0 $0x100000, s0  }
0x99: {  	[sflag:s0] =	ssyncadd.tile.s32 @!p0 $0x1;
	_ =	shalt  }
.Lfunc_end2:
_tile_overlayer_lowered:
.L_overlay_start_2:
0x9a: {  	(tag) =	ssettag $0x2  }
0x9b: {  	s0 =	rddreg [dreg:$0x0];
	s2 =	stileid.u32  }
0x9c: {  	s1 =	rddreg [dreg:$0x1];
	p0 =	sne.s32 s2, $0x0  }
0x9d: {  	s3 =	rddreg [dreg:$0x2];
	[bflag:$0x3] =	sbarrier.arrive $0xFFFF;
	s2 =	simm.s32 @!p0 $0x1C09  }
0x9e: {  	[timem:s3], [sflag:s2] =	dma.local @!p0 [hbm:s0], s1  }
0x9f: {  	s0 =	simm.s32 @!p0 $0x9  }
0xa0: {  	_ =	swait.ge @!p0 [sflag:s0], s1  }
0xa1: {  	s1 =	ssub.s32 @!p0 $0x0, s1;
	[sflag:s0] =	ssyncset.done @!p0 $0x0  }
0xa2: {  	[sflag:s0] =	ssyncadd.s32 @!p0 s1  }
0xa3: {  	[bflag:$0x3] =	sbarrier.arrive $0xFFFF  }
0xa4: {  	_ =	shalt  }

// kernel: kernel.19.cloned.1.call-start
scs
__scs_entry_jumppad:
0x0: {  	(pc) =	sbr.rel $0x88, $3  }
0x1: {  	(tag) =	ssettag $0x0;
	lr =	simm.s32 $0x1  }
0x2: {  	[smem:$0x3F9B] =	sst lr;
	_ =	strace $0xD0000000  }
0x3: {  	_ = 	snop  }
0x4: {  	_ = 	snop  }
0x5: {  	_ = 	snop  }
0x6: {  	_ = 	snop  }
0x7: {  	_ = 	snop  }
__scs_overlays_trampoline_lowered:
0x8: {  	[smem:$0x3FAA] =	sst s0  }
0x9: {  	[smem:$0x3FAB] =	sst s1  }
0xa: {  	[smem:$0x3FAC] =	sst s2  }
0xb: {  	[smem:$0x3FAD] =	sst s3  }
0xc: {  	[smem:$0x3FAE] =	sst s4  }
0xd: {  	[smem:$0x3FAF] =	sst s5  }
0xe: {  	[smem:$0x3FB0] =	sst s6  }
0xf: {  	[smem:$0x3FB1] =	sst s7  }
0x10: {  	[smem:$0x3FB2] =	sst s8  }
0x11: {  	[smem:$0x3FB3] =	sst s9;
	s0 =	simm.s32 @!p0 $0x0  }
0x12: {  	s1 =	sld [smem:$0x3F99];
	s0 =	simm.s32 @p0 $0x1  }
0x13: {  	[smem:$0x3FB4] =	sst s0;
	s0 =	simm.s32 @!p1 $0x0  }
0x14: {  	s2 =	sld [smem:$0x3F98];
	s0 =	simm.s32 @p1 $0x1  }
0x15: {  	[smem:$0x3FB5] =	sst s0;
	s0 =	simm.s32 @!p2 $0x0  }
0x16: {  	s3 =	sld [smem:$0x3FDB];
	s0 =	simm.s32 @p2 $0x1  }
0x17: {  	s4 =	simm.s32 $0x1BF5;
	[smem:$0x3FB7] =	sst s0  }
0x18: {  	s0 =	sld [smem:$0x3F9A];
	_ =	swait.ge [sflag:s4], $0x0  }
0x19: {  	s7 =	sld [smem:$0x3F9B]  }
0x1a: {  	s8 =	sadd.s32 $0xFFFFE003, lr  }
0x1b: {  	s9 =	sadd.s32 $0xFFFFFEF7, lr;
	s5 =	simm.s32 $0xFFFFFFFF;
	p2 =	slt.u32 s8, $0xFFFFF086  }
0x1c: {  	p1 =	slt.u32 s9, $0xF7A;
	s5 =	simm.s32 @!p2 $0x0  }
0x1d: {  	s5 =	simm.s32 @p1 $0x1;
	p0 =	seq.s32 s7, s2  }
0x1e: {  	s7 =	smul.u32 @!p0 $0xF7A, s2;
	p2 =	seq.s32 @!p0 s5, $0x0  }
0x1f: {  	s9 =	smul.u32 $0xF7A, s1;
	s8 =	simm.s32 @!p0 $0x1BF5;
	p2 =	por !p2, p0  }
0x20: {  	[sflag:s8] =	ssyncset.s32 @!p0 $0xFFFFF086;
	s6 =	sadd.s32 @!p0 s3, s7;
	s7 =	simm.s32 @!p0 $0x108  }
0x21: {  	s3 =	sadd.s32 s3, s9;
	s6 =	sadd.s32 @!p0 $0x88, s6;
	s7 =	simm.s32 @p2 $0x1082  }
0x22: {  	[simem:s7], [sflag:s8] =	dma.local @!p0 [hbm:s6], $0xF7A  }
0x23: {  	s9 =	sor.u32 $0xD0000000, s2;
	s6 =	simm.s32 $0x108;
	_ =	swait.ge @!p0 [sflag:s8], $0x0  }
0x24: {  	s3 =	sadd.s32 $0x88, s3;
	s6 =	simm.s32 @!p1 $0x1082;
	[sflag:s4] =	ssyncset.s32 $0xFFFFF086  }
0x25: {  	[simem:s6], [sflag:s4] =	dma.local [hbm:s3], $0xF7A  }
0x26: {  	[smem:$0x3F9B] =	sst s1;
	(tag) =	ssettag s2;
	_ =	strace s9  }
0x27: {  	s1 =	sld [smem:$0x3FAB]  }
0x28: {  	s2 =	sld [smem:$0x3FAC]  }
0x29: {  	s4 =	sld [smem:$0x3FAE]  }
0x2a: {  	p0 =	seq.s32 s5, $0x0;
	s5 =	sld [smem:$0x3FAF]  }
0x2b: {  	s6 =	sld [smem:$0x3FB0]  }
0x2c: {  	s7 =	sld [smem:$0x3FB1]  }
0x2d: {  	s3 =	simm.s32 $0x108;
	s8 =	sld [smem:$0x3FB2]  }
0x2e: {  	s3 =	simm.s32 @!p0 $0x1082;
	s9 =	sld [smem:$0x3FB3]  }
0x2f: {  	lr =	sadd.s32 s0, s3;
	s0 =	sld [smem:$0x3FAA]  }
0x30: {  	s3 =	sld [smem:$0x3FAD]  }
0x31: {  	[smem:$0x3FB6] =	sst s10  }
0x32: {  	s10 =	sld [smem:$0x3FB4];
	_ =	sdelay $0x3  }
0x33: {  	p0 =	seq.s32 s10, $0x1;
	s10 =	sld [smem:$0x3FB6];
	_ =	sdelay $0x3  }
0x34: {  	[smem:$0x3FB6] =	sst s10  }
0x35: {  	s10 =	sld [smem:$0x3FB5];
	_ =	sdelay $0x3  }
0x36: {  	p1 =	seq.s32 s10, $0x1;
	s10 =	sld [smem:$0x3FB6];
	_ =	sdelay $0x3  }
0x37: {  	[smem:$0x3FB6] =	sst s10  }
0x38: {  	s10 =	sld [smem:$0x3FB7]  }
0x39: {  	_ = 	snop;
	(pc) =	sbr.ind lr, $3  }
0x3a: {  	_ = 	snop  }
0x3b: {  	_ = 	snop  }
0x3c: {  	p2 =	seq.s32 s10, $0x1;
	s10 =	sld [smem:$0x3FB6]  }
0x3d: {  	_ =	shalt  }
0x3e: {  	_ =	shalt  }
0x3f: {  	_ =	shalt  }
0x40: {  	_ =	shalt  }
0x41: {  	_ =	shalt  }
0x42: {  	_ =	shalt  }
0x43: {  	_ =	shalt  }
0x44: {  	_ =	shalt  }
0x45: {  	_ =	shalt  }
0x46: {  	_ =	shalt  }
0x47: {  	_ =	shalt  }
0x48: {  	_ =	shalt  }
0x49: {  	_ =	shalt  }
0x4a: {  	_ =	shalt  }
0x4b: {  	_ =	shalt  }
0x4c: {  	_ =	shalt  }
0x4d: {  	_ =	shalt  }
0x4e: {  	_ =	shalt  }
0x4f: {  	_ =	shalt  }
0x50: {  	_ =	shalt  }
0x51: {  	_ =	shalt  }
0x52: {  	_ =	shalt  }
0x53: {  	_ =	shalt  }
0x54: {  	_ =	shalt  }
0x55: {  	_ =	shalt  }
0x56: {  	_ =	shalt  }
0x57: {  	_ =	shalt  }
0x58: {  	_ =	shalt  }
0x59: {  	_ =	shalt  }
0x5a: {  	_ =	shalt  }
0x5b: {  	_ =	shalt  }
0x5c: {  	_ =	shalt  }
0x5d: {  	_ =	shalt  }
0x5e: {  	_ =	shalt  }
0x5f: {  	_ =	shalt  }
0x60: {  	_ =	shalt  }
0x61: {  	_ =	shalt  }
0x62: {  	_ =	shalt  }
0x63: {  	_ =	shalt  }
0x64: {  	_ =	shalt  }
0x65: {  	_ =	shalt  }
0x66: {  	_ =	shalt  }
0x67: {  	_ =	shalt  }
0x68: {  	_ =	shalt  }
0x69: {  	_ =	shalt  }
0x6a: {  	_ =	shalt  }
0x6b: {  	_ =	shalt  }
0x6c: {  	_ =	shalt  }
0x6d: {  	_ =	shalt  }
0x6e: {  	_ =	shalt  }
0x6f: {  	_ =	shalt  }
0x70: {  	_ =	shalt  }
0x71: {  	_ =	shalt  }
0x72: {  	_ =	shalt  }
0x73: {  	_ =	shalt  }
0x74: {  	_ =	shalt  }
0x75: {  	_ =	shalt  }
0x76: {  	_ =	shalt  }
0x77: {  	_ =	shalt  }
0x78: {  	_ =	shalt  }
0x79: {  	_ =	shalt  }
0x7a: {  	_ =	shalt  }
0x7b: {  	_ =	shalt  }
0x7c: {  	_ =	shalt  }
0x7d: {  	_ =	shalt  }
0x7e: {  	_ =	shalt  }
0x7f: {  	_ =	shalt  }
0x80: {  	_ =	shalt  }
0x81: {  	_ =	shalt  }
0x82: {  	_ =	shalt  }
0x83: {  	_ =	shalt  }
0x84: {  	_ =	shalt  }
0x85: {  	_ =	shalt  }
0x86: {  	_ =	shalt  }
0x87: {  	_ =	shalt  }
.Lfunc_end0:
.L_simem_size_0:
called_computation.3_lowered:
.L_overlay_start_0:
0x88: {  	s2 =	sld [smem:$0x3FD9]  }
0x89: {  	s3 =	sld [smem:$0x3FFE];
	_ =	sdelay $0x1  }
0x8a: {  	s1 =	srdreg.scid  }
0x8b: {  	s0 =	sand.u32 $0x1, s1  }
0x8c: {  	s14 =	sshll.u32 s0, $0xA;
	s2 =	sadd.s32 s3, s2  }
0x8d: {  	s2 =	sadd.s32 s2, s14  }
0x8e: {  	[smem:$0x3FC2] =	sst s2  }
0x8f: {  	_ = 	snop  }
0x90: {  	s2 =	sld [smem:$0x3FD0];
	_ =	sdelay $0x2  }
0x91: {  	s15 =	simm.s32 $0xA;
	s4 =	simm.s32 $0x10  }
0x92: {  	[smem:s4], [sflag:s15] =	dma.local [hbm:s2], $0x1  }
0x93: {  	_ =	swait.eq [sflag:s15], $0x1  }
0x94: {  	[sflag:s15] =	ssyncset.done $0x0  }
0x95: {  	s16 =	sld [smem:$0x11];
	[sflag:s15] =	ssyncadd.s32 $0xFFFFFFFF  }
0x96: {  	s17 =	sld [smem:$0x12];
	(tm) =	ssettm $0x1  }
0x97: {  	s18 =	sld [smem:$0x3FFB];
	_ =	sdelay $0x3  }
0x98: {  	_ =	strace s18  }
0x99: {  	s4 =	sld [smem:$0x3FFC];
	_ =	sdelay $0x3  }
0x9a: {  	_ =	strace s4  }
0x9b: {  	s4 =	sld [smem:$0x3FFD];
	_ =	sdelay $0x3  }
0x9c: {  	_ =	strace s4  }
0x9d: {  	_ =	strace $0x8FFFFFFF  }
0x9e: {  	s19 =	sld [smem:$0x3FDB];
	_ =	sdelay $0x1  }
0x9f: {  	s5 =	simm.s32 $_scs_section_size  }
0xa0: {  	s6 =	simm.s32 $_size__tile_overlayer_lowered;
	s7 =	simm.s32 $_tile_overlayer_lowered  }
0xa1: {  	s22 =	simm.s32 $0x1BFF;
	s21 =	sshll.u32 s7, $0x1;
	s4 =	sadd.s32 s5, s19  }
0xa2: {  	s8 =	simm.s32 $0x0;
	s20 =	sshll.u32 s6, $0x1;
	s6 =	sadd.s32 s21, s4  }
0xa3: {  	[timem:s8], [sflag:s22] =	dma.local [hbm:s6], s20  }
0xa4: {  	_ =	swait.ge [sflag:s22], s20  }
0xa5: {  	s5 =	ssub.s32 $0x0, s20;
	[sflag:s22] =	ssyncset.done $0x0  }
0xa6: {  	[sflag:s22] =	ssyncadd.s32 s5;
	_ =	sdelay $0x1  }
0xa7: {  	s23 =	simm.s32 $0x1B8B  }
0xa8: {  	_ =	swait.ge [sflag:s23], $0x1  }
0xa9: {  	[sflag:s23] =	ssyncset.done $0x0  }
0xaa: {  	s25 =	simm.s32 $0x1B8E;
	s24 =	sld [smem:$0x3FFE];
	[sflag:s23] =	ssyncadd.s32 $0xFFFFFFFF  }
0xab: {  	s26 =	simm.s32 $execute0_lowered;
	[smem:$0x3FD2] =	sst s25  }
0xac: {  	s6 =	sshll.u32 s26, $0x1;
	_ =	strace $0x8000004F;
	[dreg:$0x1] =	wrdreg $0xFFFFFFFF  }
0xad: {  	s28 =	simm.s32 $_size_execute0_lowered;
	s4 =	sadd.s32 s4, s6;
	[dreg:$0x0] =	wrdreg $0x0  }
0xae: {  	s6 =	sshll.u32 s28, $0x1;
	[dreg:$0x2] =	wrdreg s4  }
0xaf: {  	[dreg:$0x3] =	wrdreg s6  }
0xb0: {  	[dreg:$0x4] =	wrdreg $0xC0  }
0xb1: {  	_ =	task [dreg:s8], $0x5FFFF  }
0xb2: {  	[dreg:$0x1] =	wrdreg $0xFFFFFFFF  }
0xb3: {  	[dreg:$0x0] =	wrdreg $0x60  }
0xb4: {  	[dreg:$0x2] =	wrdreg s16  }
0xb5: {  	[dreg:$0x3] =	wrdreg s17  }
0xb6: {  	[dreg:$0x4] =	wrdreg s24  }
0xb7: {  	[dreg:$0x5] =	wrdreg $0x9E200  }
0xb8: {  	[dreg:$0x6] =	wrdreg $0x9  }
0xb9: {  	_ =	task.clear_ibuf [dreg:s8], $0x7FFFF;
	_ =	strace $0x9000004F  }
0xba: {  	s29 =	simm.s32 $0x9;
	_ =	strace $0x80000051  }
0xbb: {  	_ =	swait.ge [sflag:s29], $0x1  }
0xbc: {  	[sflag:s29] =	ssyncadd.s32 $0xFFFFFFFF  }
0xbd: {  	_ =	strace $0x90000051  }
0xbe: {  	_ =	sfence  }
0xbf: {  	s30 =	sld [smem:$0x0];
	_ =	sdelay $0x2  }
0xc0: {  	s31 =	sshll.u32 s1, $0xD;
	s1 =	sshrl.u32 s1, $0x2  }
0xc1: {  	s3 =	sand.u32 $0x4000, s31;
	s1 =	sadd.s32 s1, s30  }
0xc2: {  	s0 =	sor.u32 s3, s0;
	s1 =	sshll.u32 s1, $0x11  }
0xc3: {  	s0 =	sor.u32 s1, s0  }
0xc4: {  	s0 =	sadd.s32 $0x8F2B, s0  }
0xc5: {  	[sflag:s0] =	ssyncadd.remote.s32 $0x1  }
0xc6: {  	_ =	sfence.sel $0xFFFF  }
0xc7: {  	[dreg:$0x0] =	wrdreg $0xFFFFFFFF;
	(pc) =	sbr.abs _section_cstart, $3  }
0xc8: {  	[dreg:$0x1] =	wrdreg $0xFFFFFFFF  }
0xc9: {  	_ =	task.clear_ibuf [dreg:s8], $0x2FFFF;
	_ =	strace $0x9FFFFFFF  }
0xca: {  	(tm) =	ssettm $0x7FFFFFFF  }
0xcb: {  	_ =	shalt  }
tec
execute0_lowered:
.L_overlay_start_1:
0x0: {  	(tag) =	ssettag $0x1  }
0x1: {  	s0 =	rddreg [dreg:$0x0]  }
0x2: {  	s1 =	rddreg [dreg:$0x1]  }
0x3: {  	s5 =	rddreg [dreg:$0x2]  }
0x4: {  	s2 =	rddreg [dreg:$0x3]  }
0x5: {  	s12 =	stileid.u32;
	s4 =	srdreg.scid  }
0x6: {  	s3 =	simm.s32 $0x0;
	s14 =	simm.s32 $0x50;
	s15 =	simm.s32 $0x4E20  }
0x7: {  	s16 =	simm.s32 $0x6220;
	s18 =	simm.s32 $0x7620;
	s19 =	simm.s32 $0x1  }
0x8: {  	s21 =	simm.s32 $0x8A20;
	s22 =	simm.s32 $0x2;
	s24 =	simm.s32 $0x5  }
0x9: {  	s28 =	simm.s32 $0x4;
	s29 =	simm.s32 $0x7;
	s30 =	simm.s32 $0x8  }
0xa: {  	s17 =	simm.s32 $0x4DD0;
	s20 =	simm.s32 $0x0;
	s7 =	smul.u32 $0xA000, s12  }
0xb: {  	s6 =	sand.u32 $0x1, s4;
	[smem:$0x7FF] =	sst s3;
	s4 =	sadd.s32 $0x1E00, s5  }
0xc: {  	s9 =	sshll.u32 s12, $0x1;
	s31 =	sshll.u32 s12, $0x6;
	s8 =	smul.u32 $0xA0000, s6  }
0xd: {  	_ =	strace $0x80000050;
	s9 =	sor.u32 s6, s9;
	s6 =	ssub.s32 $0x2, s6  }
0xe: {  	s12 =	sor.u32 $0x1C09, s31;
	s10 =	sshrl.u32 s7, $0x3;
	s9 =	smul.u32 $0x4E2, s9  }
0xf: {  	s25 =	sshrl.u32 s6, $0x1;
	s26 =	sadd.s32 s7, s2;
	s8 =	sadd.s32 s7, s8  }
0x10: {  	s10 =	sadd.s32 s10, s5;
	s11 =	ssub.s32 s6, s25;
	s13 =	sshrl.u32 s26, $0x3  }
0x11: {  	s25 =	simm.s32 $0x3;
	s26 =	simm.s32 $0x6;
	s8 =	sshrl.u32 s8, $0x3  }
0x12: {  	s6 =	sadd.s32 s1, s9;
	s7 =	sadd.s32 $0x15800, s10;
	s10 =	simm.s32 $0x9  }
0x13: {  	s1 =	simm.s32 $0x4D80;
	s8 =	sadd.s32 s8, s5;
	s5 =	sadd.s32 s0, s9  }
0x14: {  	s9 =	smax.u32 s11, $0x1;
	s11 =	simm.s32 $0x2710;
	s8 =	sadd.s32 $0x29800, s8  }
.LBB2_1:
0x15: {  	[tilespmem:s3], [sflag:$0x9] =	stream.linear.gather [hbm4b:s5+s3], $0x2710, $0x38;
	[tilespmem:$0x13E20] =	vst v63  }
0x16: {  	_ =	swait.ge [sflag:s10], $0x2710  }
0x17: {  	[sflag:s10] =	ssyncset.done $0x0  }
0x18: {  	[sflag:s10] =	ssyncadd.s32 $0xFFFFD8F0  }
0x19: {  	[tilespmem:s11], [sflag:$0x9] =	stream.linear.gather [hbm4b:s6+s3], $0x2710, $0x38;
	[tilespmem:$0x13E20] =	vst v63  }
0x1a: {  	_ =	swait.ge [sflag:s10], $0x2710  }
0x1b: {  	[sflag:s10] =	ssyncset.done $0x0  }
0x1c: {  	[sflag:s10] =	ssyncadd.s32 $0xFFFFD8F0  }
0x1d: {  	[spmem:s13], [sflag:s12] =	dma.local [hbm:s7], $0x1400  }
0x1e: {  	_ =	swait.ge [sflag:s10], $0x1400  }
0x1f: {  	[sflag:s10] =	ssyncset.done $0x0  }
0x20: {  	[sflag:s10] =	ssyncadd.s32 $0xFFFFEC00  }
0x21: {  	[bflag:$0x0] =	sbarrier.arrive $0xFFFF  }
0x22: {  	[tilespmem:s15], [sflag:$0x1] =	stream.indirect.gather [hbm4b:s4+s14], $0x40, s3, s14, $0xb8;
	[tilespmem:$0x13E20] =	vst v63  }
0x23: {  	_ = 	snop  }
0x24: {  	[tilespmem:s16], [sflag:$0x2] =	stream.indirect.gather [hbm4b:s4+s14], $0x40, s14, s14, $0xb8;
	[tilespmem:$0x13E20] =	vst v63  }
0x25: {  	s0 =	simm.s32 $0xA0  }
0x26: {  	[tilespmem:s18], [sflag:$0x3] =	stream.indirect.gather [hbm4b:s4+s14], $0x40, s0, s14, $0xb8;
	[tilespmem:$0x13E20] =	vst v63  }
0x27: {  	_ =	swait.ge [sflag:s19], $0x1400  }
0x28: {  	[sflag:s19] =	ssyncset.done $0x0  }
0x29: {  	[sflag:s19] =	ssyncadd.s32 $0xFFFFEC00  }
0x2a: {  	[spmem:s2] =	stream.indirect.scatter.add.f32 [tilespmem:s15], [sflag:$0x5], $0x40, s11, s14, $0xb8;
	[tilespmem:$0x13E20] =	vst v63  }
0x2b: {  	s23 =	simm.s32 $0xF0  }
0x2c: {  	[tilespmem:s21], [sflag:$0x4] =	stream.indirect.gather [hbm4b:s4+s14], $0x40, s23, s14, $0xb8;
	[tilespmem:$0x13E20] =	vst v63  }
0x2d: {  	_ =	swait.ge [sflag:s22], $0x1400  }
0x2e: {  	[sflag:s22] =	ssyncset.done $0x0  }
0x2f: {  	s23 =	simm.s32 $0x2760;
	[sflag:s22] =	ssyncadd.s32 $0xFFFFEC00  }
0x30: {  	[spmem:s2] =	stream.indirect.scatter.add.f32 [tilespmem:s16], [sflag:$0x6], $0x40, s23, s14, $0xb8;
	[tilespmem:$0x13E20] =	vst v63  }
0x31: {  	_ =	swait.ge [sflag:s24], $0x1400  }
0x32: {  	[sflag:s24] =	ssyncset.done $0x0  }
0x33: {  	s23 =	simm.s32 $0x140;
	[sflag:s24] =	ssyncadd.s32 $0xFFFFEC00  }
0x34: {  	[tilespmem:s15], [sflag:$0x1] =	stream.indirect.gather [hbm4b:s4+s14], $0x40, s23, s14, $0xb8;
	[tilespmem:$0x13E20] =	vst v63  }
0x35: {  	_ =	swait.ge [sflag:s25], $0x1400  }
0x36: {  	[sflag:s25] =	ssyncset.done $0x0  }
0x37: {  	s0 =	simm.s32 $0x27B0;
	[sflag:s25] =	ssyncadd.s32 $0xFFFFEC00  }
0x38: {  	[spmem:s2] =	stream.indirect.scatter.add.f32 [tilespmem:s18], [sflag:$0x7], $0x40, s0, s14, $0xb8;
	[tilespmem:$0x13E20] =	vst v63  }
0x39: {  	_ =	swait.ge [sflag:s26], $0x1400  }
0x3a: {  	[sflag:s26] =	ssyncset.done $0x0  }
0x3b: {  	s0 =	simm.s32 $0x190;
	[sflag:s26] =	ssyncadd.s32 $0xFFFFEC00  }
0x3c: {  	[tilespmem:s16], [sflag:$0x2] =	stream.indirect.gather [hbm4b:s4+s14], $0x40, s0, s14, $0xb8;
	[tilespmem:$0x13E20] =	vst v63  }
0x3d: {  	_ =	swait.ge [sflag:s28], $0x1400  }
0x3e: {  	[sflag:s28] =	ssyncset.done $0x0  }
0x3f: {  	s0 =	simm.s32 $0x2800;
	[sflag:s28] =	ssyncadd.s32 $0xFFFFEC00  }
0x40: {  	[spmem:s2] =	stream.indirect.scatter.add.f32 [tilespmem:s21], [sflag:$0x8], $0x40, s0, s14, $0xb8;
	[tilespmem:$0x13E20] =	vst v63  }
0x41: {  	_ =	swait.ge [sflag:s29], $0x1400  }
0x42: {  	[sflag:s29] =	ssyncset.done $0x0  }
0x43: {  	s0 =	simm.s32 $0x1E0;
	[sflag:s29] =	ssyncadd.s32 $0xFFFFEC00  }
0x44: {  	[tilespmem:s18], [sflag:$0x3] =	stream.indirect.gather [hbm4b:s4+s14], $0x40, s0, s14, $0xb8;
	[tilespmem:$0x13E20] =	vst v63  }
0x45: {  	_ =	swait.ge [sflag:s19], $0x1400  }
0x46: {  	[sflag:s19] =	ssyncset.done $0x0  }
0x47: {  	s0 =	simm.s32 $0x2850;
	[sflag:s19] =	ssyncadd.s32 $0xFFFFEC00  }
0x48: {  	[spmem:s2] =	stream.indirect.scatter.add.f32 [tilespmem:s15], [sflag:$0x5], $0x40, s0, s14, $0xb8;
	[tilespmem:$0x13E20] =	vst v63  }
0x49: {  	_ =	swait.ge [sflag:s30], $0x1400  }
0x4a: {  	[sflag:s30] =	ssyncset.done $0x0  }
0x4b: {  	s0 =	simm.s32 $0x230;
	[sflag:s30] =	ssyncadd.s32 $0xFFFFEC00  }
0x4c: {  	[tilespmem:s21], [sflag:$0x4] =	stream.indirect.gather [hbm4b:s4+s14], $0x40, s0, s14, $0xb8;
	[tilespmem:$0x13E20] =	vst v63  }
0x4d: {  	_ =	swait.ge [sflag:s22], $0x1400  }
0x4e: {  	[sflag:s22] =	ssyncset.done $0x0  }
0x4f: {  	s31 =	simm.s32 $0x28A0;
	s23 =	simm.s32 $0x500;
	[sflag:s22] =	ssyncadd.s32 $0xFFFFEC00  }
.LBB2_2:
0x50: {  	[spmem:s2] =	stream.indirect.scatter.add.f32 [tilespmem:s16], [sflag:$0x6], $0x40, s31, s14, $0xb8;
	[tilespmem:$0x13E20] =	vst v63  }
0x51: {  	s31 =	smov.u32 s23  }
0x52: {  	p0 =	sne.s32 s23, $0x9100;
	s23 =	sadd.s32 $0x500, s23;
	_ =	swait.ge [sflag:s24], $0x1400  }
0x53: {  	s31 =	sshra.s32 s31, $0x2;
	[sflag:s24] =	ssyncset.done $0x0  }
0x54: {  	s0 =	sadd.s32 $0x140, s31;
	[sflag:s24] =	ssyncadd.s32 $0xFFFFEC00  }
0x55: {  	[tilespmem:s15], [sflag:$0x1] =	stream.indirect.gather [hbm4b:s4+s14], $0x40, s0, s14, $0xb8;
	[tilespmem:$0x13E20] =	vst v63  }
0x56: {  	_ =	swait.ge [sflag:s25], $0x1400  }
0x57: {  	[sflag:s25] =	ssyncset.done $0x0  }
0x58: {  	s0 =	sadd.s32 $0x27B0, s31;
	[sflag:s25] =	ssyncadd.s32 $0xFFFFEC00  }
0x59: {  	[spmem:s2] =	stream.indirect.scatter.add.f32 [tilespmem:s18], [sflag:$0x7], $0x40, s0, s14, $0xb8;
	[tilespmem:$0x13E20] =	vst v63  }
0x5a: {  	_ =	swait.ge [sflag:s26], $0x1400  }
0x5b: {  	[sflag:s26] =	ssyncset.done $0x0  }
0x5c: {  	s0 =	sadd.s32 $0x190, s31;
	[sflag:s26] =	ssyncadd.s32 $0xFFFFEC00  }
0x5d: {  	[tilespmem:s16], [sflag:$0x2] =	stream.indirect.gather [hbm4b:s4+s14], $0x40, s0, s14, $0xb8;
	[tilespmem:$0x13E20] =	vst v63  }
0x5e: {  	_ =	swait.ge [sflag:s28], $0x1400  }
0x5f: {  	[sflag:s28] =	ssyncset.done $0x0  }
0x60: {  	s0 =	sadd.s32 $0x2800, s31;
	[sflag:s28] =	ssyncadd.s32 $0xFFFFEC00  }
0x61: {  	[spmem:s2] =	stream.indirect.scatter.add.f32 [tilespmem:s21], [sflag:$0x8], $0x40, s0, s14, $0xb8;
	[tilespmem:$0x13E20] =	vst v63  }
0x62: {  	_ =	swait.ge [sflag:s29], $0x1400  }
0x63: {  	[sflag:s29] =	ssyncset.done $0x0  }
0x64: {  	s0 =	sadd.s32 $0x1E0, s31;
	[sflag:s29] =	ssyncadd.s32 $0xFFFFEC00  }
0x65: {  	[tilespmem:s18], [sflag:$0x3] =	stream.indirect.gather [hbm4b:s4+s14], $0x40, s0, s14, $0xb8;
	[tilespmem:$0x13E20] =	vst v63  }
0x66: {  	_ =	swait.ge [sflag:s19], $0x1400  }
0x67: {  	[sflag:s19] =	ssyncset.done $0x0  }
0x68: {  	s0 =	sadd.s32 $0x2850, s31;
	[sflag:s19] =	ssyncadd.s32 $0xFFFFEC00  }
0x69: {  	[spmem:s2] =	stream.indirect.scatter.add.f32 [tilespmem:s15], [sflag:$0x5], $0x40, s0, s14, $0xb8;
	[tilespmem:$0x13E20] =	vst v63  }
0x6a: {  	_ =	swait.ge [sflag:s30], $0x1400  }
0x6b: {  	[sflag:s30] =	ssyncset.done $0x0  }
.Ltmp0:
0x6c: {  	s0 =	sadd.s32 $0x230, s31;
	[sflag:s30] =	ssyncadd.s32 $0xFFFFEC00;
	(pc) =	sbr.rel @p0 .LBB2_2-.Ltmp0, $4  }
0x6d: {  	[tilespmem:s21], [sflag:$0x4] =	stream.indirect.gather [hbm4b:s4+s14], $0x40, s0, s14, $0xb8;
	[tilespmem:$0x13E20] =	vst v63  }
0x6e: {  	_ =	swait.ge [sflag:s22], $0x1400  }
0x6f: {  	[sflag:s22] =	ssyncset.done $0x0  }
0x70: {  	s31 =	sadd.s32 $0x28A0, s31;
	[sflag:s22] =	ssyncadd.s32 $0xFFFFEC00  }
0x71: {  	[spmem:s2] =	stream.indirect.scatter.add.f32 [tilespmem:s16], [sflag:$0x6], $0x40, s31, s14, $0xb8;
	[tilespmem:$0x13E20] =	vst v63  }
0x72: {  	_ =	swait.ge [sflag:s24], $0x1400  }
0x73: {  	[sflag:s24] =	ssyncset.done $0x0  }
0x74: {  	s0 =	simm.s32 $0x26C0;
	[sflag:s24] =	ssyncadd.s32 $0xFFFFEC00  }
0x75: {  	[tilespmem:s15], [sflag:$0x1] =	stream.indirect.gather [hbm4b:s4+s14], $0x40, s0, s14, $0xb8;
	[tilespmem:$0x13E20] =	vst v63  }
0x76: {  	_ =	swait.ge [sflag:s25], $0x1400  }
0x77: {  	[sflag:s25] =	ssyncset.done $0x0  }
0x78: {  	s31 =	simm.s32 $0x4D30;
	[sflag:s25] =	ssyncadd.s32 $0xFFFFEC00  }
0x79: {  	[spmem:s2] =	stream.indirect.scatter.add.f32 [tilespmem:s18], [sflag:$0x7], $0x40, s31, s14, $0xb8;
	[tilespmem:$0x13E20] =	vst v63  }
0x7a: {  	_ =	swait.ge [sflag:s28], $0x1400  }
0x7b: {  	[sflag:s28] =	ssyncset.done $0x0  }
0x7c: {  	[sflag:s28] =	ssyncadd.s32 $0xFFFFEC00  }
0x7d: {  	[spmem:s2] =	stream.indirect.scatter.add.f32 [tilespmem:s21], [sflag:$0x8], $0x40, s1, s14, $0xb8;
	[tilespmem:$0x13E20] =	vst v63  }
0x7e: {  	_ =	swait.ge [sflag:s19], $0x1400  }
0x7f: {  	[sflag:s19] =	ssyncset.done $0x0  }
0x80: {  	[sflag:s19] =	ssyncadd.s32 $0xFFFFEC00  }
0x81: {  	[spmem:s2] =	stream.indirect.scatter.add.f32 [tilespmem:s15], [sflag:$0x5], $0x40, s17, s14, $0xb8;
	[tilespmem:$0x13E20] =	vst v63  }
0x82: {  	_ =	swait.ge [sflag:s26], $0x1400  }
0x83: {  	[sflag:s26] =	ssyncset.done $0x0  }
0x84: {  	[sflag:s26] =	ssyncadd.s32 $0xFFFFEC00  }
0x85: {  	_ =	swait.ge [sflag:s29], $0x1400  }
0x86: {  	[sflag:s29] =	ssyncset.done $0x0  }
0x87: {  	[sflag:s29] =	ssyncadd.s32 $0xFFFFEC00  }
0x88: {  	_ =	swait.ge [sflag:s30], $0x1400  }
0x89: {  	[sflag:s30] =	ssyncset.done $0x0  }
0x8a: {  	[sflag:s30] =	ssyncadd.s32 $0xFFFFEC00  }
0x8b: {  	_ =	swait.ge [sflag:s24], $0x1400  }
0x8c: {  	s20 =	sadd.s32 $0x1, s20;
	[sflag:s24] =	ssyncset.done $0x0  }
0x8d: {  	p0 =	sne.s32 s20, s9;
	[sflag:s24] =	ssyncadd.s32 $0xFFFFEC00  }
.Ltmp1:
0x8e: {  	[bflag:$0x0] =	sbarrier.arrive $0xFFFF;
	(pc) =	sbr.rel @p0 .LBB2_1-.Ltmp1, $4  }
0x8f: {  	[hbm:s8], [sflag:s12] =	dma.local [spmem:s13], $0x1400  }
0x90: {  	_ =	swait.ge [sflag:s10], $0x1400  }
0x91: {  	[sflag:s10] =	ssyncset.done $0x0  }
0x92: {  	[sflag:s10] =	ssyncadd.s32 $0xFFFFEC00  }
0x93: {  	_ =	sfence.sel $0x180000  }
0x94: {  	[bflag:$0x0] =	sbarrier.arrive $0xFFFF  }
0x95: {  	_ =	strace $0x90000050  }
0x96: {  	s0 =	stileid.u32;
	[bflag:$0x2] =	sbarrier.arrive $0xFFFF  }
0x97: {  	p0 =	sne.s32 s0, $0x0;
	s0 =	rddreg [dreg:$0x4]  }
0x98: {  	s0 =	sadd.s32 @!p0 $0x100000, s0  }
0x99: {  	[sflag:s0] =	ssyncadd.tile.s32 @!p0 $0x1;
	_ =	shalt  }
.Lfunc_end2:
_tile_overlayer_lowered:
.L_overlay_start_2:
0x9a: {  	(tag) =	ssettag $0x2  }
0x9b: {  	s0 =	rddreg [dreg:$0x0];
	s2 =	stileid.u32  }
0x9c: {  	s1 =	rddreg [dreg:$0x1];
	p0 =	sne.s32 s2, $0x0  }
0x9d: {  	s3 =	rddreg [dreg:$0x2];
	[bflag:$0x3] =	sbarrier.arrive $0xFFFF;
	s2 =	simm.s32 @!p0 $0x1C09  }
0x9e: {  	[timem:s3], [sflag:s2] =	dma.local @!p0 [hbm:s0], s1  }
0x9f: {  	s0 =	simm.s32 @!p0 $0x9  }
0xa0: {  	_ =	swait.ge @!p0 [sflag:s0], s1  }
0xa1: {  	s1 =	ssub.s32 @!p0 $0x0, s1;
	[sflag:s0] =	ssyncset.done @!p0 $0x0  }
0xa2: {  	[sflag:s0] =	ssyncadd.s32 @!p0 s1  }
0xa3: {  	[bflag:$0x3] =	sbarrier.arrive $0xFFFF  }
0xa4: {  	_ =	shalt  }

</sc_bundles>
